<compile_context>
chip_gen: v7x
topology: tpu7x:2x2x1
jax: 0.10.2.dev20260603
libtpu: 0.0.44.dev20260713+nightly
codegen_flags: <defaults>
</compile_context>

<pallas_src>
import jax
import jax.numpy as jnp
from jax import lax
from jax.experimental import pallas as pl
from jax.experimental.pallas import tpu as pltpu
from jax.experimental.pallas import tpu_sc as plsc

N = 10000
E = 320000
D = 128

NC = 2
NS = 16
NW = NC * NS
EPW = E // NW
CH = 128
NCHF = E // (CH * NW)
EXTRA = (E // CH) - NCHF * NW
RPT = 624
REM = N - NS * RPT
ZR = 48


def _sc_body(x_hbm, edge_hbm, sum_out, cnt_out,
             acc, is0, is1, is2, is3, id0, id1, id2, id3, rows0, rows1,
             sem_g0, sem_g1, sem_s0, sem_s1, sem_i0, sem_i1, sem_i2, sem_i3,
             sem_w):
    c = lax.axis_index("c")
    s = lax.axis_index("s")
    wid = s * NC + c
    rbase = s * RPT

    idx_s = (is0, is1, is2, is3)
    idx_d = (id0, id1, id2, id3)
    rows = (rows0, rows1)
    sem_g = (sem_g0, sem_g1)
    sem_s = (sem_s0, sem_s1)
    sem_i = (sem_i0, sem_i1, sem_i2, sem_i3)

    NG = E // CH

    def _off(i):
        g = jnp.minimum(wid + NW * i, NG - 1)
        return pl.multiple_of(g * CH, 8)

    def _fill_rows(ref, nrows, vec):
        def _f(i, _):
            for k in range(D // 16):
                ref[i, pl.ds(16 * k, 16)] = vec
            return 0
        lax.fori_loop(0, nrows, _f, 0)

    def _iload_sync(i, q, also_src):
        if also_src:
            pltpu.sync_copy(edge_hbm.at[0, pl.ds(_off(i), CH)], idx_s[q])
        pltpu.sync_copy(edge_hbm.at[1, pl.ds(_off(i), CH)], idx_d[q])

    def _iload_async(i, q, also_src):
        if also_src:
            pltpu.async_copy(edge_hbm.at[0, pl.ds(_off(i), CH)], idx_s[q], sem_i[q])
        pltpu.async_copy(edge_hbm.at[1, pl.ds(_off(i), CH)], idx_d[q], sem_i[q])

    def _iwait(q, also_src):
        pltpu.make_async_copy(edge_hbm.at[1, pl.ds(0, CH)], idx_d[q], sem_i[q]).wait()
        if also_src:
            pltpu.make_async_copy(edge_hbm.at[0, pl.ds(0, CH)], idx_s[q], sem_i[q]).wait()

    def _gs(b, q):
        pltpu.async_copy(x_hbm.at[idx_s[q]], rows[b], sem_g[b])

    def _gd(b):
        pltpu.make_async_copy(x_hbm.at[idx_s[0]], rows[b], sem_g[b]).wait()

    def _ss(b, q, src_ref):
        pltpu.async_copy(src_ref, acc.at[idx_d[q]], sem_s[b], add=True)

    def _sd(b, src_ref):
        pltpu.make_async_copy(src_ref, acc.at[idx_d[0]], sem_s[b]).wait()

    def _zero_acc():
        for m in range(RPT // ZR):
            pltpu.async_copy(rows0.at[pl.ds(0, ZR)],
                             acc.at[pl.ds(rbase + m * ZR, ZR)], sem_w)
        for m in range(RPT // ZR):
            pltpu.make_async_copy(rows0.at[pl.ds(0, ZR)],
                                  acc.at[pl.ds(rbase, ZR)], sem_w).wait()

        @pl.when(s == NS - 1)
        def _zero_rem():
            pltpu.sync_copy(rows0.at[pl.ds(0, REM)], acc.at[pl.ds(NS * RPT, REM)])

    def _writeback(out_hbm):
        pltpu.async_copy(acc.at[pl.ds(rbase, RPT)],
                         out_hbm.at[c, pl.ds(rbase, RPT)], sem_w)

        @pl.when(s == NS - 1)
        def _wb_rem():
            pltpu.sync_copy(acc.at[pl.ds(NS * RPT, REM)],
                            out_hbm.at[c, pl.ds(NS * RPT, REM)])
        pltpu.make_async_copy(acc.at[pl.ds(rbase, RPT)],
                              out_hbm.at[c, pl.ds(rbase, RPT)], sem_w).wait()

    zero16 = jnp.zeros((16,), jnp.float32)
    one16 = jnp.ones((16,), jnp.float32)

    _fill_rows(rows0, ZR, zero16)
    _zero_acc()
    plsc.subcore_barrier()

    _iload_sync(0, 0, True)
    _iload_sync(1, 1, True)
    _iload_async(2, 2, True)
    _iload_async(3, 3, True)
    _gs(0, 0)
    _gs(1, 1)

    def _pair1(j, par):
        q2 = (2 * par + 2) % 4
        q3 = (2 * par + 3) % 4
        f0 = (2 * par) % 4
        f1 = (2 * par + 1) % 4
        _gd(0)
        _ss(0, f0, rows0)
        _gd(1)
        _ss(1, f1, rows1)
        _sd(0, rows0)
        _iload_async(j + 4, f0, True)
        _iwait(q2, True)
        _gs(0, q2)
        _sd(1, rows1)
        _iload_async(j + 5, f1, True)
        _iwait(q3, True)
        _gs(1, q3)

    def _quad1(q, _):
        _pair1(4 * q, 0)
        _pair1(4 * q + 2, 1)
        return 0
    lax.fori_loop(0, (NCHF - 2) // 4, _quad1, 0)

    _gd(0)
    _ss(0, 0, rows0)
    _gd(1)
    _ss(1, 1, rows1)
    _sd(0, rows0)
    _sd(1, rows1)

    @pl.when(wid < EXTRA)
    def _extra1():
        _iwait(2, True)
        _gs(0, 2)
        _gd(0)
        _ss(0, 2, rows0)
        _sd(0, rows0)

    @pl.when(wid >= EXTRA)
    def _drain2():
        _iwait(2, True)
    _iwait(3, True)
    plsc.subcore_barrier()

    _writeback(sum_out)
    plsc.subcore_barrier()

    _fill_rows(rows0, ZR, zero16)
    _zero_acc()
    plsc.subcore_barrier()
    _fill_rows(rows0, CH, one16)

    sems4 = (sem_s0, sem_s1, sem_g0, sem_g1)

    def _ss4(q, m):
        pltpu.async_copy(rows0, acc.at[idx_d[q]], sems4[m], add=True)

    def _sd4(m):
        pltpu.make_async_copy(rows0, acc.at[idx_d[0]], sems4[m]).wait()

    for b in range(4):
        _iload_sync(b, b, False)
        _ss4(b, b)

    def _quadB(qq, _):
        t0 = 4 * qq + 4
        for b in range(4):
            _sd4(b)
            _iload_sync(t0 + b, b, False)
            _ss4(b, b)
        return 0
    lax.fori_loop(0, (NCHF - 6) // 4, _quadB, 0)

    _sd4(0)
    _iload_sync(NCHF - 2, 0, False)
    _ss4(0, 0)
    _sd4(1)
    _iload_sync(NCHF - 1, 1, False)
    _ss4(1, 1)

    @pl.when(wid < EXTRA)
    def _extra2():
        _sd4(2)
        _iload_sync(NCHF, 2, False)
        _ss4(2, 2)
        _sd4(2)

    @pl.when(wid >= EXTRA)
    def _drain2b():
        _sd4(2)
    _sd4(3)
    _sd4(0)
    _sd4(1)
    plsc.subcore_barrier()

    _writeback(cnt_out)


@jax.jit
def _sc_aggregate(x, edge_index):
    mesh = plsc.VectorSubcoreMesh(core_axis_name="c", subcore_axis_name="s")
    idx_t = pltpu.VMEM((CH,), jnp.int32)
    dma = pltpu.SemaphoreType.DMA
    return pl.kernel(
        _sc_body,
        out_type=[
            jax.ShapeDtypeStruct((NC, N, D), jnp.float32),
            jax.ShapeDtypeStruct((NC, N, D), jnp.float32),
        ],
        mesh=mesh,
        scratch_types=[
            pltpu.VMEM_SHARED((N, D), jnp.float32),
            idx_t, idx_t, idx_t, idx_t, idx_t, idx_t, idx_t, idx_t,
            pltpu.VMEM((CH, D), jnp.float32),
            pltpu.VMEM((CH, D), jnp.float32),
            dma, dma, dma, dma, dma, dma, dma, dma, dma,
        ],
    )(x, edge_index)


def _tc_body(x_ref, sp_ref, cp_ref, ws_ref, wn_ref, bn_ref,
             w1_ref, b1_ref, w2_ref, b2_ref, o_ref):
    summed = sp_ref[0] + sp_ref[1]
    deg = cp_ref[0, :, 0:1] + cp_ref[1, :, 0:1]
    agg = summed / jnp.maximum(deg, 1.0)
    h = jnp.dot(x_ref[...], ws_ref[...], preferred_element_type=jnp.float32)
    h = h + jnp.dot(agg, wn_ref[...], preferred_element_type=jnp.float32)
    h = jnp.maximum(h + bn_ref[...], 0.0)
    h = jnp.maximum(
        jnp.dot(h, w1_ref[...], preferred_element_type=jnp.float32) + b1_ref[...], 0.0)
    o_ref[...] = (
        jnp.dot(h, w2_ref[...], preferred_element_type=jnp.float32) + b2_ref[...])


@jax.jit
def _tc_mlp(x, sum_p, cnt_p, W_self, W_neigh, b_neigh, W1, b1, W2, b2):
    B = 2000
    grid = (N // B,)
    wspec = pl.BlockSpec((128, 128), lambda i: (0, 0))
    bspec = pl.BlockSpec((1, 128), lambda i: (0, 0))
    return pl.pallas_call(
        _tc_body,
        grid=grid,
        in_specs=[
            pl.BlockSpec((B, D), lambda i: (i, 0)),
            pl.BlockSpec((NC, B, D), lambda i: (0, i, 0)),
            pl.BlockSpec((NC, B, D), lambda i: (0, i, 0)),
            wspec, wspec, bspec, wspec, bspec, wspec, bspec,
        ],
        out_specs=pl.BlockSpec((B, D), lambda i: (i, 0)),
        out_shape=jax.ShapeDtypeStruct((N, D), jnp.float32),
    )(x, sum_p, cnt_p, W_self, W_neigh, b_neigh, W1, b1, W2, b2)


def kernel(x, edge_index, W_self, W_neigh, b_neigh, W1, b1, W2, b2):
    sum_p, cnt_p = _sc_aggregate(x, edge_index.astype(jnp.int32))
    return _tc_mlp(x, sum_p, cnt_p, W_self, W_neigh,
                   b_neigh.reshape(1, D), W1, b1.reshape(1, D),
                   W2, b2.reshape(1, D))

# --- scband reference (transcript-rebuilt; emitter-appended) ---
"""Pipeline reference for scband-ngnn-sageconv-28398323761563 (READ-ONLY COPY).

The authoritative reference and input builder live on the scoring server;
editing this copy changes nothing except your own understanding.
"""

import jax, jax.numpy as jnp
import numpy as np

N = 10000
E = 320000
D = 128
H = 128
O = 128


def setup_inputs(seed: int = 0) -> dict:
    key = jax.random.key(seed)
    ks = jax.random.split(key, 10)
    x = jax.random.normal(ks[0], (N, D), dtype=jnp.float32)
    edge_index = jax.random.randint(ks[1], (2, E), 0, N)
    # SAGEConv (mean aggregator) parameters
    W_self = jax.random.normal(ks[2], (D, H), dtype=jnp.float32) * 0.05
    W_neigh = jax.random.normal(ks[3], (D, H), dtype=jnp.float32) * 0.05
    b_neigh = jax.random.normal(ks[4], (H,), dtype=jnp.float32) * 0.05
    # fc_adj
    W1 = jax.random.normal(ks[5], (H, H), dtype=jnp.float32) * 0.05
    b1 = jax.random.normal(ks[6], (H,), dtype=jnp.float32) * 0.05
    # fc_adj2
    W2 = jax.random.normal(ks[7], (H, O), dtype=jnp.float32) * 0.05
    b2 = jax.random.normal(ks[8], (O,), dtype=jnp.float32) * 0.05
    return {"x": x, "edge_index": edge_index, "W_self": W_self, "W_neigh": W_neigh,
            "b_neigh": b_neigh, "W1": W1, "b1": b1, "W2": W2, "b2": b2}


def reference(x, edge_index, W_self, W_neigh, b_neigh, W1, b1, W2, b2):
    src = edge_index[0]
    dst = edge_index[1]
    # mean aggregation over incoming edges (gather + scatter-add)
    msg = jnp.take(x, src, axis=0)
    summed = jax.ops.segment_sum(msg, dst, num_segments=N)
    deg = jax.ops.segment_sum(jnp.ones((E,), dtype=x.dtype), dst, num_segments=N)
    agg = summed / jnp.maximum(deg, 1.0)[:, None]
    # SAGEConv: fc_self(h_self) + fc_neigh(h_neigh) + bias
    h = x @ W_self + agg @ W_neigh + b_neigh
    h = jax.nn.relu(h)
    h = jax.nn.relu(h @ W1 + b1)
    out = h @ W2 + b2
    return out

if __name__ == "__main__":
    import jax
    _d = setup_inputs()
    print(jax.jit(kernel)(*tuple(_d.values())))

</pallas_src>

<mosaic_0001>
#map = affine_map<(d0, d1) -> (0, 0)>
#map1 = affine_map<(d0, d1) -> (0, 0, 0)>
module attributes {stable_mosaic.version = 14 : i64} {
  func.func @_sc_body(%arg0: i32, %arg1: i32, %arg2: memref<10000x128xf32, #tpu.memory_space<hbm>>, %arg3: memref<2x320000xi32, #tpu.memory_space<hbm>>, %arg4: memref<2x10000x128xf32, #tpu.memory_space<hbm>>, %arg5: memref<2x10000x128xf32, #tpu.memory_space<hbm>>, %arg6: memref<10000x128xf32, #tpu.memory_space<vmem_shared>>, %arg7: memref<128xi32, #tpu.memory_space<vmem>>, %arg8: memref<128xi32, #tpu.memory_space<vmem>>, %arg9: memref<128xi32, #tpu.memory_space<vmem>>, %arg10: memref<128xi32, #tpu.memory_space<vmem>>, %arg11: memref<128xi32, #tpu.memory_space<vmem>>, %arg12: memref<128xi32, #tpu.memory_space<vmem>>, %arg13: memref<128xi32, #tpu.memory_space<vmem>>, %arg14: memref<128xi32, #tpu.memory_space<vmem>>, %arg15: memref<128x128xf32, #tpu.memory_space<vmem>>, %arg16: memref<128x128xf32, #tpu.memory_space<vmem>>, %arg17: memref<!tpu.dma_semaphore, #tpu.memory_space<semaphore_mem>>, %arg18: memref<!tpu.dma_semaphore, #tpu.memory_space<semaphore_mem>>, %arg19: memref<!tpu.dma_semaphore, #tpu.memory_space<semaphore_mem>>, %arg20: memref<!tpu.dma_semaphore, #tpu.memory_space<semaphore_mem>>, %arg21: memref<!tpu.dma_semaphore, #tpu.memory_space<semaphore_mem>>, %arg22: memref<!tpu.dma_semaphore, #tpu.memory_space<semaphore_mem>>, %arg23: memref<!tpu.dma_semaphore, #tpu.memory_space<semaphore_mem>>, %arg24: memref<!tpu.dma_semaphore, #tpu.memory_space<semaphore_mem>>, %arg25: memref<!tpu.dma_semaphore, #tpu.memory_space<semaphore_mem>>) attributes {dimension_semantics = [#tpu.dimension_semantics<core_parallel>, #tpu.dimension_semantics<subcore_parallel>], iteration_bounds = array<i64: 2, 16>, scalar_prefetch = 0 : i64, scratch_operands = 20 : i64, tpu.core_type = #tpu.core_type<sc_vector_subcore>, window_params = [{transform_indices = #map}, {transform_indices = #map}, {transform_indices = #map1}, {transform_indices = #map1}]} {
    %mul3A = arith.constant 2 : i32
    %mul3A_0 = arith.muli %arg1, %mul3A : i32
    %add3A = arith.addi %mul3A_0, %arg0 : i32
    %mul3A_1 = arith.constant 624 : i32
    %mul3A_2 = arith.muli %arg1, %mul3A_1 : i32
    %broadcast_in_dim3A = arith.constant 0.000000e+00 : f32
    %broadcast_in_dim3A_3 = vector.broadcast %broadcast_in_dim3A : f32 to vector<16xf32>
    %broadcast_in_dim3A_4 = arith.constant 1.000000e+00 : f32
    %broadcast_in_dim3A_5 = vector.broadcast %broadcast_in_dim3A_4 : f32 to vector<16xf32>
    %scan3A = arith.constant 0 : i32
    %scan3A_6 = arith.constant 0 : i32
    %scan3A_7 = arith.constant 48 : i32
    %scan3A_8 = arith.addi %scan3A_6, %scan3A_7 : i32
    %scan3A_9 = arith.constant 1 : i32
    %scan3A_10 = scf.for %scan3A_865 = %scan3A_6 to %scan3A_8 step %scan3A_9 iter_args(%scan3A_866 = %scan3A) -> (i32)  : i32 {
      %swap3A = arith.index_cast %scan3A_865 : i32 to index
      %swap3A_867 = arith.constant 0 : index
      %swap3A_868 = tpu.vector_load %arg15[%swap3A, %swap3A_867] {strides = array<i32>} : memref<128x128xf32, #tpu.memory_space<vmem>>, vector<1x16xf32>,
      %swap3A_869 = vector.shape_cast %swap3A_868 : vector<1x16xf32> to vector<16xf32>
      %swap3A_870 = vector.shape_cast %broadcast_in_dim3A_3 : vector<16xf32> to vector<1x16xf32>
      tpu.vector_store %arg15[%swap3A, %swap3A_867], %swap3A_870 {strides = array<i32>} : memref<128x128xf32, #tpu.memory_space<vmem>>, vector<1x16xf32>,
      %swap3A_871 = arith.index_cast %scan3A_865 : i32 to index
      %swap3A_872 = arith.constant 16 : index
      %swap3A_873 = tpu.vector_load %arg15[%swap3A_871, %swap3A_872] {strides = array<i32>} : memref<128x128xf32, #tpu.memory_space<vmem>>, vector<1x16xf32>,
      %swap3A_874 = vector.shape_cast %swap3A_873 : vector<1x16xf32> to vector<16xf32>
      %swap3A_875 = vector.shape_cast %broadcast_in_dim3A_3 : vector<16xf32> to vector<1x16xf32>
      tpu.vector_store %arg15[%swap3A_871, %swap3A_872], %swap3A_875 {strides = array<i32>} : memref<128x128xf32, #tpu.memory_space<vmem>>, vector<1x16xf32>,
      %swap3A_876 = arith.index_cast %scan3A_865 : i32 to index
      %swap3A_877 = arith.constant 32 : index
      %swap3A_878 = tpu.vector_load %arg15[%swap3A_876, %swap3A_877] {strides = array<i32>} : memref<128x128xf32, #tpu.memory_space<vmem>>, vector<1x16xf32>,
      %swap3A_879 = vector.shape_cast %swap3A_878 : vector<1x16xf32> to vector<16xf32>
      %swap3A_880 = vector.shape_cast %broadcast_in_dim3A_3 : vector<16xf32> to vector<1x16xf32>
      tpu.vector_store %arg15[%swap3A_876, %swap3A_877], %swap3A_880 {strides = array<i32>} : memref<128x128xf32, #tpu.memory_space<vmem>>, vector<1x16xf32>,
      %swap3A_881 = arith.index_cast %scan3A_865 : i32 to index
      %swap3A_882 = arith.constant 48 : index
      %swap3A_883 = tpu.vector_load %arg15[%swap3A_881, %swap3A_882] {strides = array<i32>} : memref<128x128xf32, #tpu.memory_space<vmem>>, vector<1x16xf32>,
      %swap3A_884 = vector.shape_cast %swap3A_883 : vector<1x16xf32> to vector<16xf32>
      %swap3A_885 = vector.shape_cast %broadcast_in_dim3A_3 : vector<16xf32> to vector<1x16xf32>
      tpu.vector_store %arg15[%swap3A_881, %swap3A_882], %swap3A_885 {strides = array<i32>} : memref<128x128xf32, #tpu.memory_space<vmem>>, vector<1x16xf32>,
      %swap3A_886 = arith.index_cast %scan3A_865 : i32 to index
      %swap3A_887 = arith.constant 64 : index
      %swap3A_888 = tpu.vector_load %arg15[%swap3A_886, %swap3A_887] {strides = array<i32>} : memref<128x128xf32, #tpu.memory_space<vmem>>, vector<1x16xf32>,
      %swap3A_889 = vector.shape_cast %swap3A_888 : vector<1x16xf32> to vector<16xf32>
      %swap3A_890 = vector.shape_cast %broadcast_in_dim3A_3 : vector<16xf32> to vector<1x16xf32>
      tpu.vector_store %arg15[%swap3A_886, %swap3A_887], %swap3A_890 {strides = array<i32>} : memref<128x128xf32, #tpu.memory_space<vmem>>, vector<1x16xf32>,
      %swap3A_891 = arith.index_cast %scan3A_865 : i32 to index
      %swap3A_892 = arith.constant 80 : index
      %swap3A_893 = tpu.vector_load %arg15[%swap3A_891, %swap3A_892] {strides = array<i32>} : memref<128x128xf32, #tpu.memory_space<vmem>>, vector<1x16xf32>,
      %swap3A_894 = vector.shape_cast %swap3A_893 : vector<1x16xf32> to vector<16xf32>
      %swap3A_895 = vector.shape_cast %broadcast_in_dim3A_3 : vector<16xf32> to vector<1x16xf32>
      tpu.vector_store %arg15[%swap3A_891, %swap3A_892], %swap3A_895 {strides = array<i32>} : memref<128x128xf32, #tpu.memory_space<vmem>>, vector<1x16xf32>,
      %swap3A_896 = arith.index_cast %scan3A_865 : i32 to index
      %swap3A_897 = arith.constant 96 : index
      %swap3A_898 = tpu.vector_load %arg15[%swap3A_896, %swap3A_897] {strides = array<i32>} : memref<128x128xf32, #tpu.memory_space<vmem>>, vector<1x16xf32>,
      %swap3A_899 = vector.shape_cast %swap3A_898 : vector<1x16xf32> to vector<16xf32>
      %swap3A_900 = vector.shape_cast %broadcast_in_dim3A_3 : vector<16xf32> to vector<1x16xf32>
      tpu.vector_store %arg15[%swap3A_896, %swap3A_897], %swap3A_900 {strides = array<i32>} : memref<128x128xf32, #tpu.memory_space<vmem>>, vector<1x16xf32>,
      %swap3A_901 = arith.index_cast %scan3A_865 : i32 to index
      %swap3A_902 = arith.constant 112 : index
      %swap3A_903 = tpu.vector_load %arg15[%swap3A_901, %swap3A_902] {strides = array<i32>} : memref<128x128xf32, #tpu.memory_space<vmem>>, vector<1x16xf32>,
      %swap3A_904 = vector.shape_cast %swap3A_903 : vector<1x16xf32> to vector<16xf32>
      %swap3A_905 = vector.shape_cast %broadcast_in_dim3A_3 : vector<16xf32> to vector<1x16xf32>
      tpu.vector_store %arg15[%swap3A_901, %swap3A_902], %swap3A_905 {strides = array<i32>} : memref<128x128xf32, #tpu.memory_space<vmem>>, vector<1x16xf32>,
      %scan3A_906 = arith.constant 0 : i32
      scf.yield %scan3A_906 : i32
    }
    %scan3A_11 = arith.constant 48 : i32
    %add3A_12 = arith.constant 0 : i32
    %add3A_13 = arith.addi %mul3A_2, %add3A_12 : i32
    %dma_start3A = arith.constant 0 : i32
    %dma_start3A_14 = arith.constant 0 : i32
    %dma_start3A_15 = tpu.memref_slice %arg15[%dma_start3A, %dma_start3A_14] : memref<128x128xf32, #tpu.memory_space<vmem>> -> memref<48x128xf32, #tpu.memory_space<vmem>>
    %dma_start3A_16 = arith.constant 0 : i32
    %dma_start3A_17 = tpu.memref_slice %arg6[%add3A_13, %dma_start3A_16] : memref<10000x128xf32, #tpu.memory_space<vmem_shared>> -> memref<48x128xf32, #tpu.memory_space<vmem_shared>>
    %dma_start3A_18 = arith.constant 0 : i32
    %dma_start3A_19 = tpu.memref_slice %arg6[%add3A_13, %dma_start3A_18] : memref<10000x128xf32, #tpu.memory_space<vmem_shared>> -> memref<48x128xf32, #tpu.memory_space<vmem_shared>>
    %dma_start3A_20 = arith.constant 0 : i32
    %dma_start3A_21 = arith.constant 0 : i32
    %dma_start3A_22 = tpu.memref_slice %arg15[%dma_start3A_20, %dma_start3A_21] : memref<128x128xf32, #tpu.memory_space<vmem>> -> memref<48x128xf32, #tpu.memory_space<vmem>>
    tpu.enqueue_dma source(%dma_start3A_22 : memref<48x128xf32, #tpu.memory_space<vmem>>) target(%dma_start3A_19 : memref<48x128xf32, #tpu.memory_space<vmem_shared>>) target_semaphore(%arg25 : memref<!tpu.dma_semaphore, #tpu.memory_space<semaphore_mem>>)
    %add3A_23 = arith.constant 48 : i32
    %add3A_24 = arith.addi %mul3A_2, %add3A_23 : i32
    %dma_start3A_25 = arith.constant 0 : i32
    %dma_start3A_26 = arith.constant 0 : i32
    %dma_start3A_27 = tpu.memref_slice %arg15[%dma_start3A_25, %dma_start3A_26] : memref<128x128xf32, #tpu.memory_space<vmem>> -> memref<48x128xf32, #tpu.memory_space<vmem>>
    %dma_start3A_28 = arith.constant 0 : i32
    %dma_start3A_29 = tpu.memref_slice %arg6[%add3A_24, %dma_start3A_28] : memref<10000x128xf32, #tpu.memory_space<vmem_shared>> -> memref<48x128xf32, #tpu.memory_space<vmem_shared>>
    %dma_start3A_30 = arith.constant 0 : i32
    %dma_start3A_31 = tpu.memref_slice %arg6[%add3A_24, %dma_start3A_30] : memref<10000x128xf32, #tpu.memory_space<vmem_shared>> -> memref<48x128xf32, #tpu.memory_space<vmem_shared>>
    %dma_start3A_32 = arith.constant 0 : i32
    %dma_start3A_33 = arith.constant 0 : i32
    %dma_start3A_34 = tpu.memref_slice %arg15[%dma_start3A_32, %dma_start3A_33] : memref<128x128xf32, #tpu.memory_space<vmem>> -> memref<48x128xf32, #tpu.memory_space<vmem>>
    tpu.enqueue_dma source(%dma_start3A_34 : memref<48x128xf32, #tpu.memory_space<vmem>>) target(%dma_start3A_31 : memref<48x128xf32, #tpu.memory_space<vmem_shared>>) target_semaphore(%arg25 : memref<!tpu.dma_semaphore, #tpu.memory_space<semaphore_mem>>)
    %add3A_35 = arith.constant 96 : i32
    %add3A_36 = arith.addi %mul3A_2, %add3A_35 : i32
    %dma_start3A_37 = arith.constant 0 : i32
    %dma_start3A_38 = arith.constant 0 : i32
    %dma_start3A_39 = tpu.memref_slice %arg15[%dma_start3A_37, %dma_start3A_38] : memref<128x128xf32, #tpu.memory_space<vmem>> -> memref<48x128xf32, #tpu.memory_space<vmem>>
    %dma_start3A_40 = arith.constant 0 : i32
    %dma_start3A_41 = tpu.memref_slice %arg6[%add3A_36, %dma_start3A_40] : memref<10000x128xf32, #tpu.memory_space<vmem_shared>> -> memref<48x128xf32, #tpu.memory_space<vmem_shared>>
    %dma_start3A_42 = arith.constant 0 : i32
    %dma_start3A_43 = tpu.memref_slice %arg6[%add3A_36, %dma_start3A_42] : memref<10000x128xf32, #tpu.memory_space<vmem_shared>> -> memref<48x128xf32, #tpu.memory_space<vmem_shared>>
    %dma_start3A_44 = arith.constant 0 : i32
    %dma_start3A_45 = arith.constant 0 : i32
    %dma_start3A_46 = tpu.memref_slice %arg15[%dma_start3A_44, %dma_start3A_45] : memref<128x128xf32, #tpu.memory_space<vmem>> -> memref<48x128xf32, #tpu.memory_space<vmem>>
    tpu.enqueue_dma source(%dma_start3A_46 : memref<48x128xf32, #tpu.memory_space<vmem>>) target(%dma_start3A_43 : memref<48x128xf32, #tpu.memory_space<vmem_shared>>) target_semaphore(%arg25 : memref<!tpu.dma_semaphore, #tpu.memory_space<semaphore_mem>>)
    %add3A_47 = arith.constant 144 : i32
    %add3A_48 = arith.addi %mul3A_2, %add3A_47 : i32
    %dma_start3A_49 = arith.constant 0 : i32
    %dma_start3A_50 = arith.constant 0 : i32
    %dma_start3A_51 = tpu.memref_slice %arg15[%dma_start3A_49, %dma_start3A_50] : memref<128x128xf32, #tpu.memory_space<vmem>> -> memref<48x128xf32, #tpu.memory_space<vmem>>
    %dma_start3A_52 = arith.constant 0 : i32
    %dma_start3A_53 = tpu.memref_slice %arg6[%add3A_48, %dma_start3A_52] : memref<10000x128xf32, #tpu.memory_space<vmem_shared>> -> memref<48x128xf32, #tpu.memory_space<vmem_shared>>
    %dma_start3A_54 = arith.constant 0 : i32
    %dma_start3A_55 = tpu.memref_slice %arg6[%add3A_48, %dma_start3A_54] : memref<10000x128xf32, #tpu.memory_space<vmem_shared>> -> memref<48x128xf32, #tpu.memory_space<vmem_shared>>
    %dma_start3A_56 = arith.constant 0 : i32
    %dma_start3A_57 = arith.constant 0 : i32
    %dma_start3A_58 = tpu.memref_slice %arg15[%dma_start3A_56, %dma_start3A_57] : memref<128x128xf32, #tpu.memory_space<vmem>> -> memref<48x128xf32, #tpu.memory_space<vmem>>
    tpu.enqueue_dma source(%dma_start3A_58 : memref<48x128xf32, #tpu.memory_space<vmem>>) target(%dma_start3A_55 : memref<48x128xf32, #tpu.memory_space<vmem_shared>>) target_semaphore(%arg25 : memref<!tpu.dma_semaphore, #tpu.memory_space<semaphore_mem>>)
    %add3A_59 = arith.constant 192 : i32
    %add3A_60 = arith.addi %mul3A_2, %add3A_59 : i32
    %dma_start3A_61 = arith.constant 0 : i32
    %dma_start3A_62 = arith.constant 0 : i32
    %dma_start3A_63 = tpu.memref_slice %arg15[%dma_start3A_61, %dma_start3A_62] : memref<128x128xf32, #tpu.memory_space<vmem>> -> memref<48x128xf32, #tpu.memory_space<vmem>>
    %dma_start3A_64 = arith.constant 0 : i32
    %dma_start3A_65 = tpu.memref_slice %arg6[%add3A_60, %dma_start3A_64] : memref<10000x128xf32, #tpu.memory_space<vmem_shared>> -> memref<48x128xf32, #tpu.memory_space<vmem_shared>>
    %dma_start3A_66 = arith.constant 0 : i32
    %dma_start3A_67 = tpu.memref_slice %arg6[%add3A_60, %dma_start3A_66] : memref<10000x128xf32, #tpu.memory_space<vmem_shared>> -> memref<48x128xf32, #tpu.memory_space<vmem_shared>>
    %dma_start3A_68 = arith.constant 0 : i32
    %dma_start3A_69 = arith.constant 0 : i32
    %dma_start3A_70 = tpu.memref_slice %arg15[%dma_start3A_68, %dma_start3A_69] : memref<128x128xf32, #tpu.memory_space<vmem>> -> memref<48x128xf32, #tpu.memory_space<vmem>>
    tpu.enqueue_dma source(%dma_start3A_70 : memref<48x128xf32, #tpu.memory_space<vmem>>) target(%dma_start3A_67 : memref<48x128xf32, #tpu.memory_space<vmem_shared>>) target_semaphore(%arg25 : memref<!tpu.dma_semaphore, #tpu.memory_space<semaphore_mem>>)
    %add3A_71 = arith.constant 240 : i32
    %add3A_72 = arith.addi %mul3A_2, %add3A_71 : i32
    %dma_start3A_73 = arith.constant 0 : i32
    %dma_start3A_74 = arith.constant 0 : i32
    %dma_start3A_75 = tpu.memref_slice %arg15[%dma_start3A_73, %dma_start3A_74] : memref<128x128xf32, #tpu.memory_space<vmem>> -> memref<48x128xf32, #tpu.memory_space<vmem>>
    %dma_start3A_76 = arith.constant 0 : i32
    %dma_start3A_77 = tpu.memref_slice %arg6[%add3A_72, %dma_start3A_76] : memref<10000x128xf32, #tpu.memory_space<vmem_shared>> -> memref<48x128xf32, #tpu.memory_space<vmem_shared>>
    %dma_start3A_78 = arith.constant 0 : i32
    %dma_start3A_79 = tpu.memref_slice %arg6[%add3A_72, %dma_start3A_78] : memref<10000x128xf32, #tpu.memory_space<vmem_shared>> -> memref<48x128xf32, #tpu.memory_space<vmem_shared>>
    %dma_start3A_80 = arith.constant 0 : i32
    %dma_start3A_81 = arith.constant 0 : i32
    %dma_start3A_82 = tpu.memref_slice %arg15[%dma_start3A_80, %dma_start3A_81] : memref<128x128xf32, #tpu.memory_space<vmem>> -> memref<48x128xf32, #tpu.memory_space<vmem>>
    tpu.enqueue_dma source(%dma_start3A_82 : memref<48x128xf32, #tpu.memory_space<vmem>>) target(%dma_start3A_79 : memref<48x128xf32, #tpu.memory_space<vmem_shared>>) target_semaphore(%arg25 : memref<!tpu.dma_semaphore, #tpu.memory_space<semaphore_mem>>)
    %add3A_83 = arith.constant 288 : i32
    %add3A_84 = arith.addi %mul3A_2, %add3A_83 : i32
    %dma_start3A_85 = arith.constant 0 : i32
    %dma_start3A_86 = arith.constant 0 : i32
    %dma_start3A_87 = tpu.memref_slice %arg15[%dma_start3A_85, %dma_start3A_86] : memref<128x128xf32, #tpu.memory_space<vmem>> -> memref<48x128xf32, #tpu.memory_space<vmem>>
    %dma_start3A_88 = arith.constant 0 : i32
    %dma_start3A_89 = tpu.memref_slice %arg6[%add3A_84, %dma_start3A_88] : memref<10000x128xf32, #tpu.memory_space<vmem_shared>> -> memref<48x128xf32, #tpu.memory_space<vmem_shared>>
    %dma_start3A_90 = arith.constant 0 : i32
    %dma_start3A_91 = tpu.memref_slice %arg6[%add3A_84, %dma_start3A_90] : memref<10000x128xf32, #tpu.memory_space<vmem_shared>> -> memref<48x128xf32, #tpu.memory_space<vmem_shared>>
    %dma_start3A_92 = arith.constant 0 : i32
    %dma_start3A_93 = arith.constant 0 : i32
    %dma_start3A_94 = tpu.memref_slice %arg15[%dma_start3A_92, %dma_start3A_93] : memref<128x128xf32, #tpu.memory_space<vmem>> -> memref<48x128xf32, #tpu.memory_space<vmem>>
    tpu.enqueue_dma source(%dma_start3A_94 : memref<48x128xf32, #tpu.memory_space<vmem>>) target(%dma_start3A_91 : memref<48x128xf32, #tpu.memory_space<vmem_shared>>) target_semaphore(%arg25 : memref<!tpu.dma_semaphore, #tpu.memory_space<semaphore_mem>>)
    %add3A_95 = arith.constant 336 : i32
    %add3A_96 = arith.addi %mul3A_2, %add3A_95 : i32
    %dma_start3A_97 = arith.constant 0 : i32
    %dma_start3A_98 = arith.constant 0 : i32
    %dma_start3A_99 = tpu.memref_slice %arg15[%dma_start3A_97, %dma_start3A_98] : memref<128x128xf32, #tpu.memory_space<vmem>> -> memref<48x128xf32, #tpu.memory_space<vmem>>
    %dma_start3A_100 = arith.constant 0 : i32
    %dma_start3A_101 = tpu.memref_slice %arg6[%add3A_96, %dma_start3A_100] : memref<10000x128xf32, #tpu.memory_space<vmem_shared>> -> memref<48x128xf32, #tpu.memory_space<vmem_shared>>
    %dma_start3A_102 = arith.constant 0 : i32
    %dma_start3A_103 = tpu.memref_slice %arg6[%add3A_96, %dma_start3A_102] : memref<10000x128xf32, #tpu.memory_space<vmem_shared>> -> memref<48x128xf32, #tpu.memory_space<vmem_shared>>
    %dma_start3A_104 = arith.constant 0 : i32
    %dma_start3A_105 = arith.constant 0 : i32
    %dma_start3A_106 = tpu.memref_slice %arg15[%dma_start3A_104, %dma_start3A_105] : memref<128x128xf32, #tpu.memory_space<vmem>> -> memref<48x128xf32, #tpu.memory_space<vmem>>
    tpu.enqueue_dma source(%dma_start3A_106 : memref<48x128xf32, #tpu.memory_space<vmem>>) target(%dma_start3A_103 : memref<48x128xf32, #tpu.memory_space<vmem_shared>>) target_semaphore(%arg25 : memref<!tpu.dma_semaphore, #tpu.memory_space<semaphore_mem>>)
    %add3A_107 = arith.constant 384 : i32
    %add3A_108 = arith.addi %mul3A_2, %add3A_107 : i32
    %dma_start3A_109 = arith.constant 0 : i32
    %dma_start3A_110 = arith.constant 0 : i32
    %dma_start3A_111 = tpu.memref_slice %arg15[%dma_start3A_109, %dma_start3A_110] : memref<128x128xf32, #tpu.memory_space<vmem>> -> memref<48x128xf32, #tpu.memory_space<vmem>>
    %dma_start3A_112 = arith.constant 0 : i32
    %dma_start3A_113 = tpu.memref_slice %arg6[%add3A_108, %dma_start3A_112] : memref<10000x128xf32, #tpu.memory_space<vmem_shared>> -> memref<48x128xf32, #tpu.memory_space<vmem_shared>>
    %dma_start3A_114 = arith.constant 0 : i32
    %dma_start3A_115 = tpu.memref_slice %arg6[%add3A_108, %dma_start3A_114] : memref<10000x128xf32, #tpu.memory_space<vmem_shared>> -> memref<48x128xf32, #tpu.memory_space<vmem_shared>>
    %dma_start3A_116 = arith.constant 0 : i32
    %dma_start3A_117 = arith.constant 0 : i32
    %dma_start3A_118 = tpu.memref_slice %arg15[%dma_start3A_116, %dma_start3A_117] : memref<128x128xf32, #tpu.memory_space<vmem>> -> memref<48x128xf32, #tpu.memory_space<vmem>>
    tpu.enqueue_dma source(%dma_start3A_118 : memref<48x128xf32, #tpu.memory_space<vmem>>) target(%dma_start3A_115 : memref<48x128xf32, #tpu.memory_space<vmem_shared>>) target_semaphore(%arg25 : memref<!tpu.dma_semaphore, #tpu.memory_space<semaphore_mem>>)
    %add3A_119 = arith.constant 432 : i32
    %add3A_120 = arith.addi %mul3A_2, %add3A_119 : i32
    %dma_start3A_121 = arith.constant 0 : i32
    %dma_start3A_122 = arith.constant 0 : i32
    %dma_start3A_123 = tpu.memref_slice %arg15[%dma_start3A_121, %dma_start3A_122] : memref<128x128xf32, #tpu.memory_space<vmem>> -> memref<48x128xf32, #tpu.memory_space<vmem>>
    %dma_start3A_124 = arith.constant 0 : i32
    %dma_start3A_125 = tpu.memref_slice %arg6[%add3A_120, %dma_start3A_124] : memref<10000x128xf32, #tpu.memory_space<vmem_shared>> -> memref<48x128xf32, #tpu.memory_space<vmem_shared>>
    %dma_start3A_126 = arith.constant 0 : i32
    %dma_start3A_127 = tpu.memref_slice %arg6[%add3A_120, %dma_start3A_126] : memref<10000x128xf32, #tpu.memory_space<vmem_shared>> -> memref<48x128xf32, #tpu.memory_space<vmem_shared>>
    %dma_start3A_128 = arith.constant 0 : i32
    %dma_start3A_129 = arith.constant 0 : i32
    %dma_start3A_130 = tpu.memref_slice %arg15[%dma_start3A_128, %dma_start3A_129] : memref<128x128xf32, #tpu.memory_space<vmem>> -> memref<48x128xf32, #tpu.memory_space<vmem>>
    tpu.enqueue_dma source(%dma_start3A_130 : memref<48x128xf32, #tpu.memory_space<vmem>>) target(%dma_start3A_127 : memref<48x128xf32, #tpu.memory_space<vmem_shared>>) target_semaphore(%arg25 : memref<!tpu.dma_semaphore, #tpu.memory_space<semaphore_mem>>)
    %add3A_131 = arith.constant 480 : i32
    %add3A_132 = arith.addi %mul3A_2, %add3A_131 : i32
    %dma_start3A_133 = arith.constant 0 : i32
    %dma_start3A_134 = arith.constant 0 : i32
    %dma_start3A_135 = tpu.memref_slice %arg15[%dma_start3A_133, %dma_start3A_134] : memref<128x128xf32, #tpu.memory_space<vmem>> -> memref<48x128xf32, #tpu.memory_space<vmem>>
    %dma_start3A_136 = arith.constant 0 : i32
    %dma_start3A_137 = tpu.memref_slice %arg6[%add3A_132, %dma_start3A_136] : memref<10000x128xf32, #tpu.memory_space<vmem_shared>> -> memref<48x128xf32, #tpu.memory_space<vmem_shared>>
    %dma_start3A_138 = arith.constant 0 : i32
    %dma_start3A_139 = tpu.memref_slice %arg6[%add3A_132, %dma_start3A_138] : memref<10000x128xf32, #tpu.memory_space<vmem_shared>> -> memref<48x128xf32, #tpu.memory_space<vmem_shared>>
    %dma_start3A_140 = arith.constant 0 : i32
    %dma_start3A_141 = arith.constant 0 : i32
    %dma_start3A_142 = tpu.memref_slice %arg15[%dma_start3A_140, %dma_start3A_141] : memref<128x128xf32, #tpu.memory_space<vmem>> -> memref<48x128xf32, #tpu.memory_space<vmem>>
    tpu.enqueue_dma source(%dma_start3A_142 : memref<48x128xf32, #tpu.memory_space<vmem>>) target(%dma_start3A_139 : memref<48x128xf32, #tpu.memory_space<vmem_shared>>) target_semaphore(%arg25 : memref<!tpu.dma_semaphore, #tpu.memory_space<semaphore_mem>>)
    %add3A_143 = arith.constant 528 : i32
    %add3A_144 = arith.addi %mul3A_2, %add3A_143 : i32
    %dma_start3A_145 = arith.constant 0 : i32
    %dma_start3A_146 = arith.constant 0 : i32
    %dma_start3A_147 = tpu.memref_slice %arg15[%dma_start3A_145, %dma_start3A_146] : memref<128x128xf32, #tpu.memory_space<vmem>> -> memref<48x128xf32, #tpu.memory_space<vmem>>
    %dma_start3A_148 = arith.constant 0 : i32
    %dma_start3A_149 = tpu.memref_slice %arg6[%add3A_144, %dma_start3A_148] : memref<10000x128xf32, #tpu.memory_space<vmem_shared>> -> memref<48x128xf32, #tpu.memory_space<vmem_shared>>
    %dma_start3A_150 = arith.constant 0 : i32
    %dma_start3A_151 = tpu.memref_slice %arg6[%add3A_144, %dma_start3A_150] : memref<10000x128xf32, #tpu.memory_space<vmem_shared>> -> memref<48x128xf32, #tpu.memory_space<vmem_shared>>
    %dma_start3A_152 = arith.constant 0 : i32
    %dma_start3A_153 = arith.constant 0 : i32
    %dma_start3A_154 = tpu.memref_slice %arg15[%dma_start3A_152, %dma_start3A_153] : memref<128x128xf32, #tpu.memory_space<vmem>> -> memref<48x128xf32, #tpu.memory_space<vmem>>
    tpu.enqueue_dma source(%dma_start3A_154 : memref<48x128xf32, #tpu.memory_space<vmem>>) target(%dma_start3A_151 : memref<48x128xf32, #tpu.memory_space<vmem_shared>>) target_semaphore(%arg25 : memref<!tpu.dma_semaphore, #tpu.memory_space<semaphore_mem>>)
    %add3A_155 = arith.constant 576 : i32
    %add3A_156 = arith.addi %mul3A_2, %add3A_155 : i32
    %dma_start3A_157 = arith.constant 0 : i32
    %dma_start3A_158 = arith.constant 0 : i32
    %dma_start3A_159 = tpu.memref_slice %arg15[%dma_start3A_157, %dma_start3A_158] : memref<128x128xf32, #tpu.memory_space<vmem>> -> memref<48x128xf32, #tpu.memory_space<vmem>>
    %dma_start3A_160 = arith.constant 0 : i32
    %dma_start3A_161 = tpu.memref_slice %arg6[%add3A_156, %dma_start3A_160] : memref<10000x128xf32, #tpu.memory_space<vmem_shared>> -> memref<48x128xf32, #tpu.memory_space<vmem_shared>>
    %dma_start3A_162 = arith.constant 0 : i32
    %dma_start3A_163 = tpu.memref_slice %arg6[%add3A_156, %dma_start3A_162] : memref<10000x128xf32, #tpu.memory_space<vmem_shared>> -> memref<48x128xf32, #tpu.memory_space<vmem_shared>>
    %dma_start3A_164 = arith.constant 0 : i32
    %dma_start3A_165 = arith.constant 0 : i32
    %dma_start3A_166 = tpu.memref_slice %arg15[%dma_start3A_164, %dma_start3A_165] : memref<128x128xf32, #tpu.memory_space<vmem>> -> memref<48x128xf32, #tpu.memory_space<vmem>>
    tpu.enqueue_dma source(%dma_start3A_166 : memref<48x128xf32, #tpu.memory_space<vmem>>) target(%dma_start3A_163 : memref<48x128xf32, #tpu.memory_space<vmem_shared>>) target_semaphore(%arg25 : memref<!tpu.dma_semaphore, #tpu.memory_space<semaphore_mem>>)
    %dma_wait3A = arith.constant 0 : i32
    %dma_wait3A_167 = arith.constant 0 : i32
    %dma_wait3A_168 = tpu.memref_slice %arg15[%dma_wait3A, %dma_wait3A_167] : memref<128x128xf32, #tpu.memory_space<vmem>> -> memref<48x128xf32, #tpu.memory_space<vmem>>
    %dma_wait3A_169 = arith.constant 0 : i32
    %dma_wait3A_170 = tpu.memref_slice %arg6[%mul3A_2, %dma_wait3A_169] : memref<10000x128xf32, #tpu.memory_space<vmem_shared>> -> memref<48x128xf32, #tpu.memory_space<vmem_shared>>
    %dma_wait3A_171 = arith.constant 0 : i32
    %dma_wait3A_172 = tpu.memref_slice %arg6[%mul3A_2, %dma_wait3A_171] : memref<10000x128xf32, #tpu.memory_space<vmem_shared>> -> memref<48x128xf32, #tpu.memory_space<vmem_shared>>
    %dma_wait3A_173 = arith.constant 0 : i32
    %dma_wait3A_174 = arith.constant 0 : i32
    %dma_wait3A_175 = tpu.memref_slice %arg15[%dma_wait3A_173, %dma_wait3A_174] : memref<128x128xf32, #tpu.memory_space<vmem>> -> memref<48x128xf32, #tpu.memory_space<vmem>>
    tpu.wait_dma2 semaphore(%arg25 : memref<!tpu.dma_semaphore, #tpu.memory_space<semaphore_mem>>) src(%dma_wait3A_175 : memref<48x128xf32, #tpu.memory_space<vmem>>) dst(%dma_wait3A_172 : memref<48x128xf32, #tpu.memory_space<vmem_shared>>)
    %dma_wait3A_176 = arith.constant 0 : i32
    %dma_wait3A_177 = arith.constant 0 : i32
    %dma_wait3A_178 = tpu.memref_slice %arg15[%dma_wait3A_176, %dma_wait3A_177] : memref<128x128xf32, #tpu.memory_space<vmem>> -> memref<48x128xf32, #tpu.memory_space<vmem>>
    %dma_wait3A_179 = arith.constant 0 : i32
    %dma_wait3A_180 = tpu.memref_slice %arg6[%mul3A_2, %dma_wait3A_179] : memref<10000x128xf32, #tpu.memory_space<vmem_shared>> -> memref<48x128xf32, #tpu.memory_space<vmem_shared>>
    %dma_wait3A_181 = arith.constant 0 : i32
    %dma_wait3A_182 = tpu.memref_slice %arg6[%mul3A_2, %dma_wait3A_181] : memref<10000x128xf32, #tpu.memory_space<vmem_shared>> -> memref<48x128xf32, #tpu.memory_space<vmem_shared>>
    %dma_wait3A_183 = arith.constant 0 : i32
    %dma_wait3A_184 = arith.constant 0 : i32
    %dma_wait3A_185 = tpu.memref_slice %arg15[%dma_wait3A_183, %dma_wait3A_184] : memref<128x128xf32, #tpu.memory_space<vmem>> -> memref<48x128xf32, #tpu.memory_space<vmem>>
    tpu.wait_dma2 semaphore(%arg25 : memref<!tpu.dma_semaphore, #tpu.memory_space<semaphore_mem>>) src(%dma_wait3A_185 : memref<48x128xf32, #tpu.memory_space<vmem>>) dst(%dma_wait3A_182 : memref<48x128xf32, #tpu.memory_space<vmem_shared>>)
    %dma_wait3A_186 = arith.constant 0 : i32
    %dma_wait3A_187 = arith.constant 0 : i32
    %dma_wait3A_188 = tpu.memref_slice %arg15[%dma_wait3A_186, %dma_wait3A_187] : memref<128x128xf32, #tpu.memory_space<vmem>> -> memref<48x128xf32, #tpu.memory_space<vmem>>
    %dma_wait3A_189 = arith.constant 0 : i32
    %dma_wait3A_190 = tpu.memref_slice %arg6[%mul3A_2, %dma_wait3A_189] : memref<10000x128xf32, #tpu.memory_space<vmem_shared>> -> memref<48x128xf32, #tpu.memory_space<vmem_shared>>
    %dma_wait3A_191 = arith.constant 0 : i32
    %dma_wait3A_192 = tpu.memref_slice %arg6[%mul3A_2, %dma_wait3A_191] : memref<10000x128xf32, #tpu.memory_space<vmem_shared>> -> memref<48x128xf32, #tpu.memory_space<vmem_shared>>
    %dma_wait3A_193 = arith.constant 0 : i32
    %dma_wait3A_194 = arith.constant 0 : i32
    %dma_wait3A_195 = tpu.memref_slice %arg15[%dma_wait3A_193, %dma_wait3A_194] : memref<128x128xf32, #tpu.memory_space<vmem>> -> memref<48x128xf32, #tpu.memory_space<vmem>>
    tpu.wait_dma2 semaphore(%arg25 : memref<!tpu.dma_semaphore, #tpu.memory_space<semaphore_mem>>) src(%dma_wait3A_195 : memref<48x128xf32, #tpu.memory_space<vmem>>) dst(%dma_wait3A_192 : memref<48x128xf32, #tpu.memory_space<vmem_shared>>)
    %dma_wait3A_196 = arith.constant 0 : i32
    %dma_wait3A_197 = arith.constant 0 : i32
    %dma_wait3A_198 = tpu.memref_slice %arg15[%dma_wait3A_196, %dma_wait3A_197] : memref<128x128xf32, #tpu.memory_space<vmem>> -> memref<48x128xf32, #tpu.memory_space<vmem>>
    %dma_wait3A_199 = arith.constant 0 : i32
    %dma_wait3A_200 = tpu.memref_slice %arg6[%mul3A_2, %dma_wait3A_199] : memref<10000x128xf32, #tpu.memory_space<vmem_shared>> -> memref<48x128xf32, #tpu.memory_space<vmem_shared>>
    %dma_wait3A_201 = arith.constant 0 : i32
    %dma_wait3A_202 = tpu.memref_slice %arg6[%mul3A_2, %dma_wait3A_201] : memref<10000x128xf32, #tpu.memory_space<vmem_shared>> -> memref<48x128xf32, #tpu.memory_space<vmem_shared>>
    %dma_wait3A_203 = arith.constant 0 : i32
    %dma_wait3A_204 = arith.constant 0 : i32
    %dma_wait3A_205 = tpu.memref_slice %arg15[%dma_wait3A_203, %dma_wait3A_204] : memref<128x128xf32, #tpu.memory_space<vmem>> -> memref<48x128xf32, #tpu.memory_space<vmem>>
    tpu.wait_dma2 semaphore(%arg25 : memref<!tpu.dma_semaphore, #tpu.memory_space<semaphore_mem>>) src(%dma_wait3A_205 : memref<48x128xf32, #tpu.memory_space<vmem>>) dst(%dma_wait3A_202 : memref<48x128xf32, #tpu.memory_space<vmem_shared>>)
    %dma_wait3A_206 = arith.constant 0 : i32
    %dma_wait3A_207 = arith.constant 0 : i32
    %dma_wait3A_208 = tpu.memref_slice %arg15[%dma_wait3A_206, %dma_wait3A_207] : memref<128x128xf32, #tpu.memory_space<vmem>> -> memref<48x128xf32, #tpu.memory_space<vmem>>
    %dma_wait3A_209 = arith.constant 0 : i32
    %dma_wait3A_210 = tpu.memref_slice %arg6[%mul3A_2, %dma_wait3A_209] : memref<10000x128xf32, #tpu.memory_space<vmem_shared>> -> memref<48x128xf32, #tpu.memory_space<vmem_shared>>
    %dma_wait3A_211 = arith.constant 0 : i32
    %dma_wait3A_212 = tpu.memref_slice %arg6[%mul3A_2, %dma_wait3A_211] : memref<10000x128xf32, #tpu.memory_space<vmem_shared>> -> memref<48x128xf32, #tpu.memory_space<vmem_shared>>
    %dma_wait3A_213 = arith.constant 0 : i32
    %dma_wait3A_214 = arith.constant 0 : i32
    %dma_wait3A_215 = tpu.memref_slice %arg15[%dma_wait3A_213, %dma_wait3A_214] : memref<128x128xf32, #tpu.memory_space<vmem>> -> memref<48x128xf32, #tpu.memory_space<vmem>>
    tpu.wait_dma2 semaphore(%arg25 : memref<!tpu.dma_semaphore, #tpu.memory_space<semaphore_mem>>) src(%dma_wait3A_215 : memref<48x128xf32, #tpu.memory_space<vmem>>) dst(%dma_wait3A_212 : memref<48x128xf32, #tpu.memory_space<vmem_shared>>)
    %dma_wait3A_216 = arith.constant 0 : i32
    %dma_wait3A_217 = arith.constant 0 : i32
    %dma_wait3A_218 = tpu.memref_slice %arg15[%dma_wait3A_216, %dma_wait3A_217] : memref<128x128xf32, #tpu.memory_space<vmem>> -> memref<48x128xf32, #tpu.memory_space<vmem>>
    %dma_wait3A_219 = arith.constant 0 : i32
    %dma_wait3A_220 = tpu.memref_slice %arg6[%mul3A_2, %dma_wait3A_219] : memref<10000x128xf32, #tpu.memory_space<vmem_shared>> -> memref<48x128xf32, #tpu.memory_space<vmem_shared>>
    %dma_wait3A_221 = arith.constant 0 : i32
    %dma_wait3A_222 = tpu.memref_slice %arg6[%mul3A_2, %dma_wait3A_221] : memref<10000x128xf32, #tpu.memory_space<vmem_shared>> -> memref<48x128xf32, #tpu.memory_space<vmem_shared>>
    %dma_wait3A_223 = arith.constant 0 : i32
    %dma_wait3A_224 = arith.constant 0 : i32
    %dma_wait3A_225 = tpu.memref_slice %arg15[%dma_wait3A_223, %dma_wait3A_224] : memref<128x128xf32, #tpu.memory_space<vmem>> -> memref<48x128xf32, #tpu.memory_space<vmem>>
    tpu.wait_dma2 semaphore(%arg25 : memref<!tpu.dma_semaphore, #tpu.memory_space<semaphore_mem>>) src(%dma_wait3A_225 : memref<48x128xf32, #tpu.memory_space<vmem>>) dst(%dma_wait3A_222 : memref<48x128xf32, #tpu.memory_space<vmem_shared>>)
    %dma_wait3A_226 = arith.constant 0 : i32
    %dma_wait3A_227 = arith.constant 0 : i32
    %dma_wait3A_228 = tpu.memref_slice %arg15[%dma_wait3A_226, %dma_wait3A_227] : memref<128x128xf32, #tpu.memory_space<vmem>> -> memref<48x128xf32, #tpu.memory_space<vmem>>
    %dma_wait3A_229 = arith.constant 0 : i32
    %dma_wait3A_230 = tpu.memref_slice %arg6[%mul3A_2, %dma_wait3A_229] : memref<10000x128xf32, #tpu.memory_space<vmem_shared>> -> memref<48x128xf32, #tpu.memory_space<vmem_shared>>
    %dma_wait3A_231 = arith.constant 0 : i32
    %dma_wait3A_232 = tpu.memref_slice %arg6[%mul3A_2, %dma_wait3A_231] : memref<10000x128xf32, #tpu.memory_space<vmem_shared>> -> memref<48x128xf32, #tpu.memory_space<vmem_shared>>
    %dma_wait3A_233 = arith.constant 0 : i32
    %dma_wait3A_234 = arith.constant 0 : i32
    %dma_wait3A_235 = tpu.memref_slice %arg15[%dma_wait3A_233, %dma_wait3A_234] : memref<128x128xf32, #tpu.memory_space<vmem>> -> memref<48x128xf32, #tpu.memory_space<vmem>>
    tpu.wait_dma2 semaphore(%arg25 : memref<!tpu.dma_semaphore, #tpu.memory_space<semaphore_mem>>) src(%dma_wait3A_235 : memref<48x128xf32, #tpu.memory_space<vmem>>) dst(%dma_wait3A_232 : memref<48x128xf32, #tpu.memory_space<vmem_shared>>)
    %dma_wait3A_236 = arith.constant 0 : i32
    %dma_wait3A_237 = arith.constant 0 : i32
    %dma_wait3A_238 = tpu.memref_slice %arg15[%dma_wait3A_236, %dma_wait3A_237] : memref<128x128xf32, #tpu.memory_space<vmem>> -> memref<48x128xf32, #tpu.memory_space<vmem>>
    %dma_wait3A_239 = arith.constant 0 : i32
    %dma_wait3A_240 = tpu.memref_slice %arg6[%mul3A_2, %dma_wait3A_239] : memref<10000x128xf32, #tpu.memory_space<vmem_shared>> -> memref<48x128xf32, #tpu.memory_space<vmem_shared>>
    %dma_wait3A_241 = arith.constant 0 : i32
    %dma_wait3A_242 = tpu.memref_slice %arg6[%mul3A_2, %dma_wait3A_241] : memref<10000x128xf32, #tpu.memory_space<vmem_shared>> -> memref<48x128xf32, #tpu.memory_space<vmem_shared>>
    %dma_wait3A_243 = arith.constant 0 : i32
    %dma_wait3A_244 = arith.constant 0 : i32
    %dma_wait3A_245 = tpu.memref_slice %arg15[%dma_wait3A_243, %dma_wait3A_244] : memref<128x128xf32, #tpu.memory_space<vmem>> -> memref<48x128xf32, #tpu.memory_space<vmem>>
    tpu.wait_dma2 semaphore(%arg25 : memref<!tpu.dma_semaphore, #tpu.memory_space<semaphore_mem>>) src(%dma_wait3A_245 : memref<48x128xf32, #tpu.memory_space<vmem>>) dst(%dma_wait3A_242 : memref<48x128xf32, #tpu.memory_space<vmem_shared>>)
    %dma_wait3A_246 = arith.constant 0 : i32
    %dma_wait3A_247 = arith.constant 0 : i32
    %dma_wait3A_248 = tpu.memref_slice %arg15[%dma_wait3A_246, %dma_wait3A_247] : memref<128x128xf32, #tpu.memory_space<vmem>> -> memref<48x128xf32, #tpu.memory_space<vmem>>
    %dma_wait3A_249 = arith.constant 0 : i32
    %dma_wait3A_250 = tpu.memref_slice %arg6[%mul3A_2, %dma_wait3A_249] : memref<10000x128xf32, #tpu.memory_space<vmem_shared>> -> memref<48x128xf32, #tpu.memory_space<vmem_shared>>
    %dma_wait3A_251 = arith.constant 0 : i32
    %dma_wait3A_252 = tpu.memref_slice %arg6[%mul3A_2, %dma_wait3A_251] : memref<10000x128xf32, #tpu.memory_space<vmem_shared>> -> memref<48x128xf32, #tpu.memory_space<vmem_shared>>
    %dma_wait3A_253 = arith.constant 0 : i32
    %dma_wait3A_254 = arith.constant 0 : i32
    %dma_wait3A_255 = tpu.memref_slice %arg15[%dma_wait3A_253, %dma_wait3A_254] : memref<128x128xf32, #tpu.memory_space<vmem>> -> memref<48x128xf32, #tpu.memory_space<vmem>>
    tpu.wait_dma2 semaphore(%arg25 : memref<!tpu.dma_semaphore, #tpu.memory_space<semaphore_mem>>) src(%dma_wait3A_255 : memref<48x128xf32, #tpu.memory_space<vmem>>) dst(%dma_wait3A_252 : memref<48x128xf32, #tpu.memory_space<vmem_shared>>)
    %dma_wait3A_256 = arith.constant 0 : i32
    %dma_wait3A_257 = arith.constant 0 : i32
    %dma_wait3A_258 = tpu.memref_slice %arg15[%dma_wait3A_256, %dma_wait3A_257] : memref<128x128xf32, #tpu.memory_space<vmem>> -> memref<48x128xf32, #tpu.memory_space<vmem>>
    %dma_wait3A_259 = arith.constant 0 : i32
    %dma_wait3A_260 = tpu.memref_slice %arg6[%mul3A_2, %dma_wait3A_259] : memref<10000x128xf32, #tpu.memory_space<vmem_shared>> -> memref<48x128xf32, #tpu.memory_space<vmem_shared>>
    %dma_wait3A_261 = arith.constant 0 : i32
    %dma_wait3A_262 = tpu.memref_slice %arg6[%mul3A_2, %dma_wait3A_261] : memref<10000x128xf32, #tpu.memory_space<vmem_shared>> -> memref<48x128xf32, #tpu.memory_space<vmem_shared>>
    %dma_wait3A_263 = arith.constant 0 : i32
    %dma_wait3A_264 = arith.constant 0 : i32
    %dma_wait3A_265 = tpu.memref_slice %arg15[%dma_wait3A_263, %dma_wait3A_264] : memref<128x128xf32, #tpu.memory_space<vmem>> -> memref<48x128xf32, #tpu.memory_space<vmem>>
    tpu.wait_dma2 semaphore(%arg25 : memref<!tpu.dma_semaphore, #tpu.memory_space<semaphore_mem>>) src(%dma_wait3A_265 : memref<48x128xf32, #tpu.memory_space<vmem>>) dst(%dma_wait3A_262 : memref<48x128xf32, #tpu.memory_space<vmem_shared>>)
    %dma_wait3A_266 = arith.constant 0 : i32
    %dma_wait3A_267 = arith.constant 0 : i32
    %dma_wait3A_268 = tpu.memref_slice %arg15[%dma_wait3A_266, %dma_wait3A_267] : memref<128x128xf32, #tpu.memory_space<vmem>> -> memref<48x128xf32, #tpu.memory_space<vmem>>
    %dma_wait3A_269 = arith.constant 0 : i32
    %dma_wait3A_270 = tpu.memref_slice %arg6[%mul3A_2, %dma_wait3A_269] : memref<10000x128xf32, #tpu.memory_space<vmem_shared>> -> memref<48x128xf32, #tpu.memory_space<vmem_shared>>
    %dma_wait3A_271 = arith.constant 0 : i32
    %dma_wait3A_272 = tpu.memref_slice %arg6[%mul3A_2, %dma_wait3A_271] : memref<10000x128xf32, #tpu.memory_space<vmem_shared>> -> memref<48x128xf32, #tpu.memory_space<vmem_shared>>
    %dma_wait3A_273 = arith.constant 0 : i32
    %dma_wait3A_274 = arith.constant 0 : i32
    %dma_wait3A_275 = tpu.memref_slice %arg15[%dma_wait3A_273, %dma_wait3A_274] : memref<128x128xf32, #tpu.memory_space<vmem>> -> memref<48x128xf32, #tpu.memory_space<vmem>>
    tpu.wait_dma2 semaphore(%arg25 : memref<!tpu.dma_semaphore, #tpu.memory_space<semaphore_mem>>) src(%dma_wait3A_275 : memref<48x128xf32, #tpu.memory_space<vmem>>) dst(%dma_wait3A_272 : memref<48x128xf32, #tpu.memory_space<vmem_shared>>)
    %dma_wait3A_276 = arith.constant 0 : i32
    %dma_wait3A_277 = arith.constant 0 : i32
    %dma_wait3A_278 = tpu.memref_slice %arg15[%dma_wait3A_276, %dma_wait3A_277] : memref<128x128xf32, #tpu.memory_space<vmem>> -> memref<48x128xf32, #tpu.memory_space<vmem>>
    %dma_wait3A_279 = arith.constant 0 : i32
    %dma_wait3A_280 = tpu.memref_slice %arg6[%mul3A_2, %dma_wait3A_279] : memref<10000x128xf32, #tpu.memory_space<vmem_shared>> -> memref<48x128xf32, #tpu.memory_space<vmem_shared>>
    %dma_wait3A_281 = arith.constant 0 : i32
    %dma_wait3A_282 = tpu.memref_slice %arg6[%mul3A_2, %dma_wait3A_281] : memref<10000x128xf32, #tpu.memory_space<vmem_shared>> -> memref<48x128xf32, #tpu.memory_space<vmem_shared>>
    %dma_wait3A_283 = arith.constant 0 : i32
    %dma_wait3A_284 = arith.constant 0 : i32
    %dma_wait3A_285 = tpu.memref_slice %arg15[%dma_wait3A_283, %dma_wait3A_284] : memref<128x128xf32, #tpu.memory_space<vmem>> -> memref<48x128xf32, #tpu.memory_space<vmem>>
    tpu.wait_dma2 semaphore(%arg25 : memref<!tpu.dma_semaphore, #tpu.memory_space<semaphore_mem>>) src(%dma_wait3A_285 : memref<48x128xf32, #tpu.memory_space<vmem>>) dst(%dma_wait3A_282 : memref<48x128xf32, #tpu.memory_space<vmem_shared>>)
    %dma_wait3A_286 = arith.constant 0 : i32
    %dma_wait3A_287 = arith.constant 0 : i32
    %dma_wait3A_288 = tpu.memref_slice %arg15[%dma_wait3A_286, %dma_wait3A_287] : memref<128x128xf32, #tpu.memory_space<vmem>> -> memref<48x128xf32, #tpu.memory_space<vmem>>
    %dma_wait3A_289 = arith.constant 0 : i32
    %dma_wait3A_290 = tpu.memref_slice %arg6[%mul3A_2, %dma_wait3A_289] : memref<10000x128xf32, #tpu.memory_space<vmem_shared>> -> memref<48x128xf32, #tpu.memory_space<vmem_shared>>
    %dma_wait3A_291 = arith.constant 0 : i32
    %dma_wait3A_292 = tpu.memref_slice %arg6[%mul3A_2, %dma_wait3A_291] : memref<10000x128xf32, #tpu.memory_space<vmem_shared>> -> memref<48x128xf32, #tpu.memory_space<vmem_shared>>
    %dma_wait3A_293 = arith.constant 0 : i32
    %dma_wait3A_294 = arith.constant 0 : i32
    %dma_wait3A_295 = tpu.memref_slice %arg15[%dma_wait3A_293, %dma_wait3A_294] : memref<128x128xf32, #tpu.memory_space<vmem>> -> memref<48x128xf32, #tpu.memory_space<vmem>>
    tpu.wait_dma2 semaphore(%arg25 : memref<!tpu.dma_semaphore, #tpu.memory_space<semaphore_mem>>) src(%dma_wait3A_295 : memref<48x128xf32, #tpu.memory_space<vmem>>) dst(%dma_wait3A_292 : memref<48x128xf32, #tpu.memory_space<vmem_shared>>)
    %eq3A = arith.constant 15 : i32
    %eq3A_296 = arith.cmpi eq, %arg1, %eq3A : i32
    %convert_element_type3A = arith.extui %eq3A_296 : i1 to i32
    %cond3A = arith.constant 0 : i32
    %cond3A_297 = arith.cmpi ne, %convert_element_type3A, %cond3A : i32
    scf.if %cond3A_297 {
      "tpu.region"() ({
        %run_scoped3A_865 = tpu.sem_alloc : memref<!tpu.dma_semaphore, #tpu.memory_space<semaphore_mem>>
        %dma_start3A_866 = arith.constant 0 : i32
        %dma_start3A_867 = arith.constant 0 : i32
        %dma_start3A_868 = tpu.memref_slice %arg15[%dma_start3A_866, %dma_start3A_867] : memref<128x128xf32, #tpu.memory_space<vmem>> -> memref<16x128xf32, #tpu.memory_space<vmem>>
        %dma_start3A_869 = arith.constant 9984 : i32
        %dma_start3A_870 = arith.constant 0 : i32
        %dma_start3A_871 = tpu.memref_slice %arg6[%dma_start3A_869, %dma_start3A_870] : memref<10000x128xf32, #tpu.memory_space<vmem_shared>> -> memref<16x128xf32, #tpu.memory_space<vmem_shared>>
        %dma_start3A_872 = arith.constant 9984 : i32
        %dma_start3A_873 = arith.constant 0 : i32
        %dma_start3A_874 = tpu.memref_slice %arg6[%dma_start3A_872, %dma_start3A_873] : memref<10000x128xf32, #tpu.memory_space<vmem_shared>> -> memref<16x128xf32, #tpu.memory_space<vmem_shared>>
        %dma_start3A_875 = arith.constant 0 : i32
        %dma_start3A_876 = arith.constant 0 : i32
        %dma_start3A_877 = tpu.memref_slice %arg15[%dma_start3A_875, %dma_start3A_876] : memref<128x128xf32, #tpu.memory_space<vmem>> -> memref<16x128xf32, #tpu.memory_space<vmem>>
        tpu.enqueue_dma source(%dma_start3A_877 : memref<16x128xf32, #tpu.memory_space<vmem>>) target(%dma_start3A_874 : memref<16x128xf32, #tpu.memory_space<vmem_shared>>) target_semaphore(%run_scoped3A_865 : memref<!tpu.dma_semaphore, #tpu.memory_space<semaphore_mem>>)
        %dma_wait3A_878 = arith.constant 0 : i32
        %dma_wait3A_879 = arith.constant 0 : i32
        %dma_wait3A_880 = tpu.memref_slice %arg15[%dma_wait3A_878, %dma_wait3A_879] : memref<128x128xf32, #tpu.memory_space<vmem>> -> memref<16x128xf32, #tpu.memory_space<vmem>>
        %dma_wait3A_881 = arith.constant 9984 : i32
        %dma_wait3A_882 = arith.constant 0 : i32
        %dma_wait3A_883 = tpu.memref_slice %arg6[%dma_wait3A_881, %dma_wait3A_882] : memref<10000x128xf32, #tpu.memory_space<vmem_shared>> -> memref<16x128xf32, #tpu.memory_space<vmem_shared>>
        %dma_wait3A_884 = arith.constant 9984 : i32
        %dma_wait3A_885 = arith.constant 0 : i32
        %dma_wait3A_886 = tpu.memref_slice %arg6[%dma_wait3A_884, %dma_wait3A_885] : memref<10000x128xf32, #tpu.memory_space<vmem_shared>> -> memref<16x128xf32, #tpu.memory_space<vmem_shared>>
        %dma_wait3A_887 = arith.constant 0 : i32
        %dma_wait3A_888 = arith.constant 0 : i32
        %dma_wait3A_889 = tpu.memref_slice %arg15[%dma_wait3A_887, %dma_wait3A_888] : memref<128x128xf32, #tpu.memory_space<vmem>> -> memref<16x128xf32, #tpu.memory_space<vmem>>
        tpu.wait_dma2 semaphore(%run_scoped3A_865 : memref<!tpu.dma_semaphore, #tpu.memory_space<semaphore_mem>>) src(%dma_wait3A_889 : memref<16x128xf32, #tpu.memory_space<vmem>>) dst(%dma_wait3A_886 : memref<16x128xf32, #tpu.memory_space<vmem_shared>>)
        tpu.yield
      }) : () -> ()
    } else {
    }
    %barrier3A = arith.constant 0 : index
    tpu.barrier barrier_id(%barrier3A)
    %add3A_298 = arith.constant 0 : i32
    %add3A_299 = arith.addi %add3A, %add3A_298 : i32
    %min3A = arith.constant 2499 : i32
    %min3A_300 = arith.minsi %add3A_299, %min3A : i32
    %mul3A_301 = arith.constant 128 : i32
    %mul3A_302 = arith.muli %min3A_300, %mul3A_301 : i32
    %multiple_of3A = tpu.assume_multiple %mul3A_302, 8 : i32
    %run_scoped3A = arith.constant 0 : i32
    "tpu.region"() ({
      %run_scoped3A_865 = tpu.sem_alloc : memref<!tpu.dma_semaphore, #tpu.memory_space<semaphore_mem>>
      %dma_start3A_866 = tpu.memref_slice %arg3[%run_scoped3A, %multiple_of3A] : memref<2x320000xi32, #tpu.memory_space<hbm>> -> memref<1x128xi32, #tpu.memory_space<hbm>>
      %dma_start3A_867 = tpu.memref_squeeze %dma_start3A_866 : memref<1x128xi32, #tpu.memory_space<hbm>> -> memref<128xi32, #tpu.memory_space<hbm>>
      %dma_start3A_868 = tpu.memref_slice %arg3[%run_scoped3A, %multiple_of3A] : memref<2x320000xi32, #tpu.memory_space<hbm>> -> memref<1x128xi32, #tpu.memory_space<hbm>>
      %dma_start3A_869 = tpu.memref_squeeze %dma_start3A_868 : memref<1x128xi32, #tpu.memory_space<hbm>> -> memref<128xi32, #tpu.memory_space<hbm>>
      tpu.enqueue_dma source(%dma_start3A_869 : memref<128xi32, #tpu.memory_space<hbm>>) target(%arg7 : memref<128xi32, #tpu.memory_space<vmem>>) target_semaphore(%run_scoped3A_865 : memref<!tpu.dma_semaphore, #tpu.memory_space<semaphore_mem>>)
      %dma_wait3A_870 = tpu.memref_slice %arg3[%run_scoped3A, %multiple_of3A] : memref<2x320000xi32, #tpu.memory_space<hbm>> -> memref<1x128xi32, #tpu.memory_space<hbm>>
      %dma_wait3A_871 = tpu.memref_squeeze %dma_wait3A_870 : memref<1x128xi32, #tpu.memory_space<hbm>> -> memref<128xi32, #tpu.memory_space<hbm>>
      %dma_wait3A_872 = tpu.memref_slice %arg3[%run_scoped3A, %multiple_of3A] : memref<2x320000xi32, #tpu.memory_space<hbm>> -> memref<1x128xi32, #tpu.memory_space<hbm>>
      %dma_wait3A_873 = tpu.memref_squeeze %dma_wait3A_872 : memref<1x128xi32, #tpu.memory_space<hbm>> -> memref<128xi32, #tpu.memory_space<hbm>>
      tpu.wait_dma2 semaphore(%run_scoped3A_865 : memref<!tpu.dma_semaphore, #tpu.memory_space<semaphore_mem>>) src(%dma_wait3A_873 : memref<128xi32, #tpu.memory_space<hbm>>) dst(%arg7 : memref<128xi32, #tpu.memory_space<vmem>>)
      tpu.yield
    }) : () -> ()
    %add3A_303 = arith.constant 0 : i32
    %add3A_304 = arith.addi %add3A, %add3A_303 : i32
    %min3A_305 = arith.constant 2499 : i32
    %min3A_306 = arith.minsi %add3A_304, %min3A_305 : i32
    %mul3A_307 = arith.constant 128 : i32
    %mul3A_308 = arith.muli %min3A_306, %mul3A_307 : i32
    %multiple_of3A_309 = tpu.assume_multiple %mul3A_308, 8 : i32
    %run_scoped3A_310 = arith.constant 1 : i32
    "tpu.region"() ({
      %run_scoped3A_865 = tpu.sem_alloc : memref<!tpu.dma_semaphore, #tpu.memory_space<semaphore_mem>>
      %dma_start3A_866 = tpu.memref_slice %arg3[%run_scoped3A_310, %multiple_of3A_309] : memref<2x320000xi32, #tpu.memory_space<hbm>> -> memref<1x128xi32, #tpu.memory_space<hbm>>
      %dma_start3A_867 = tpu.memref_squeeze %dma_start3A_866 : memref<1x128xi32, #tpu.memory_space<hbm>> -> memref<128xi32, #tpu.memory_space<hbm>>
      %dma_start3A_868 = tpu.memref_slice %arg3[%run_scoped3A_310, %multiple_of3A_309] : memref<2x320000xi32, #tpu.memory_space<hbm>> -> memref<1x128xi32, #tpu.memory_space<hbm>>
      %dma_start3A_869 = tpu.memref_squeeze %dma_start3A_868 : memref<1x128xi32, #tpu.memory_space<hbm>> -> memref<128xi32, #tpu.memory_space<hbm>>
      tpu.enqueue_dma source(%dma_start3A_869 : memref<128xi32, #tpu.memory_space<hbm>>) target(%arg11 : memref<128xi32, #tpu.memory_space<vmem>>) target_semaphore(%run_scoped3A_865 : memref<!tpu.dma_semaphore, #tpu.memory_space<semaphore_mem>>)
      %dma_wait3A_870 = tpu.memref_slice %arg3[%run_scoped3A_310, %multiple_of3A_309] : memref<2x320000xi32, #tpu.memory_space<hbm>> -> memref<1x128xi32, #tpu.memory_space<hbm>>
      %dma_wait3A_871 = tpu.memref_squeeze %dma_wait3A_870 : memref<1x128xi32, #tpu.memory_space<hbm>> -> memref<128xi32, #tpu.memory_space<hbm>>
      %dma_wait3A_872 = tpu.memref_slice %arg3[%run_scoped3A_310, %multiple_of3A_309] : memref<2x320000xi32, #tpu.memory_space<hbm>> -> memref<1x128xi32, #tpu.memory_space<hbm>>
      %dma_wait3A_873 = tpu.memref_squeeze %dma_wait3A_872 : memref<1x128xi32, #tpu.memory_space<hbm>> -> memref<128xi32, #tpu.memory_space<hbm>>
      tpu.wait_dma2 semaphore(%run_scoped3A_865 : memref<!tpu.dma_semaphore, #tpu.memory_space<semaphore_mem>>) src(%dma_wait3A_873 : memref<128xi32, #tpu.memory_space<hbm>>) dst(%arg11 : memref<128xi32, #tpu.memory_space<vmem>>)
      tpu.yield
    }) : () -> ()
    %add3A_311 = arith.constant 32 : i32
    %add3A_312 = arith.addi %add3A, %add3A_311 : i32
    %min3A_313 = arith.constant 2499 : i32
    %min3A_314 = arith.minsi %add3A_312, %min3A_313 : i32
    %mul3A_315 = arith.constant 128 : i32
    %mul3A_316 = arith.muli %min3A_314, %mul3A_315 : i32
    %multiple_of3A_317 = tpu.assume_multiple %mul3A_316, 8 : i32
    %run_scoped3A_318 = arith.constant 0 : i32
    "tpu.region"() ({
      %run_scoped3A_865 = tpu.sem_alloc : memref<!tpu.dma_semaphore, #tpu.memory_space<semaphore_mem>>
      %dma_start3A_866 = tpu.memref_slice %arg3[%run_scoped3A_318, %multiple_of3A_317] : memref<2x320000xi32, #tpu.memory_space<hbm>> -> memref<1x128xi32, #tpu.memory_space<hbm>>
      %dma_start3A_867 = tpu.memref_squeeze %dma_start3A_866 : memref<1x128xi32, #tpu.memory_space<hbm>> -> memref<128xi32, #tpu.memory_space<hbm>>
      %dma_start3A_868 = tpu.memref_slice %arg3[%run_scoped3A_318, %multiple_of3A_317] : memref<2x320000xi32, #tpu.memory_space<hbm>> -> memref<1x128xi32, #tpu.memory_space<hbm>>
      %dma_start3A_869 = tpu.memref_squeeze %dma_start3A_868 : memref<1x128xi32, #tpu.memory_space<hbm>> -> memref<128xi32, #tpu.memory_space<hbm>>
      tpu.enqueue_dma source(%dma_start3A_869 : memref<128xi32, #tpu.memory_space<hbm>>) target(%arg8 : memref<128xi32, #tpu.memory_space<vmem>>) target_semaphore(%run_scoped3A_865 : memref<!tpu.dma_semaphore, #tpu.memory_space<semaphore_mem>>)
      %dma_wait3A_870 = tpu.memref_slice %arg3[%run_scoped3A_318, %multiple_of3A_317] : memref<2x320000xi32, #tpu.memory_space<hbm>> -> memref<1x128xi32, #tpu.memory_space<hbm>>
      %dma_wait3A_871 = tpu.memref_squeeze %dma_wait3A_870 : memref<1x128xi32, #tpu.memory_space<hbm>> -> memref<128xi32, #tpu.memory_space<hbm>>
      %dma_wait3A_872 = tpu.memref_slice %arg3[%run_scoped3A_318, %multiple_of3A_317] : memref<2x320000xi32, #tpu.memory_space<hbm>> -> memref<1x128xi32, #tpu.memory_space<hbm>>
      %dma_wait3A_873 = tpu.memref_squeeze %dma_wait3A_872 : memref<1x128xi32, #tpu.memory_space<hbm>> -> memref<128xi32, #tpu.memory_space<hbm>>
      tpu.wait_dma2 semaphore(%run_scoped3A_865 : memref<!tpu.dma_semaphore, #tpu.memory_space<semaphore_mem>>) src(%dma_wait3A_873 : memref<128xi32, #tpu.memory_space<hbm>>) dst(%arg8 : memref<128xi32, #tpu.memory_space<vmem>>)
      tpu.yield
    }) : () -> ()
    %add3A_319 = arith.constant 32 : i32
    %add3A_320 = arith.addi %add3A, %add3A_319 : i32
    %min3A_321 = arith.constant 2499 : i32
    %min3A_322 = arith.minsi %add3A_320, %min3A_321 : i32
    %mul3A_323 = arith.constant 128 : i32
    %mul3A_324 = arith.muli %min3A_322, %mul3A_323 : i32
    %multiple_of3A_325 = tpu.assume_multiple %mul3A_324, 8 : i32
    %run_scoped3A_326 = arith.constant 1 : i32
    "tpu.region"() ({
      %run_scoped3A_865 = tpu.sem_alloc : memref<!tpu.dma_semaphore, #tpu.memory_space<semaphore_mem>>
      %dma_start3A_866 = tpu.memref_slice %arg3[%run_scoped3A_326, %multiple_of3A_325] : memref<2x320000xi32, #tpu.memory_space<hbm>> -> memref<1x128xi32, #tpu.memory_space<hbm>>
      %dma_start3A_867 = tpu.memref_squeeze %dma_start3A_866 : memref<1x128xi32, #tpu.memory_space<hbm>> -> memref<128xi32, #tpu.memory_space<hbm>>
      %dma_start3A_868 = tpu.memref_slice %arg3[%run_scoped3A_326, %multiple_of3A_325] : memref<2x320000xi32, #tpu.memory_space<hbm>> -> memref<1x128xi32, #tpu.memory_space<hbm>>
      %dma_start3A_869 = tpu.memref_squeeze %dma_start3A_868 : memref<1x128xi32, #tpu.memory_space<hbm>> -> memref<128xi32, #tpu.memory_space<hbm>>
      tpu.enqueue_dma source(%dma_start3A_869 : memref<128xi32, #tpu.memory_space<hbm>>) target(%arg12 : memref<128xi32, #tpu.memory_space<vmem>>) target_semaphore(%run_scoped3A_865 : memref<!tpu.dma_semaphore, #tpu.memory_space<semaphore_mem>>)
      %dma_wait3A_870 = tpu.memref_slice %arg3[%run_scoped3A_326, %multiple_of3A_325] : memref<2x320000xi32, #tpu.memory_space<hbm>> -> memref<1x128xi32, #tpu.memory_space<hbm>>
      %dma_wait3A_871 = tpu.memref_squeeze %dma_wait3A_870 : memref<1x128xi32, #tpu.memory_space<hbm>> -> memref<128xi32, #tpu.memory_space<hbm>>
      %dma_wait3A_872 = tpu.memref_slice %arg3[%run_scoped3A_326, %multiple_of3A_325] : memref<2x320000xi32, #tpu.memory_space<hbm>> -> memref<1x128xi32, #tpu.memory_space<hbm>>
      %dma_wait3A_873 = tpu.memref_squeeze %dma_wait3A_872 : memref<1x128xi32, #tpu.memory_space<hbm>> -> memref<128xi32, #tpu.memory_space<hbm>>
      tpu.wait_dma2 semaphore(%run_scoped3A_865 : memref<!tpu.dma_semaphore, #tpu.memory_space<semaphore_mem>>) src(%dma_wait3A_873 : memref<128xi32, #tpu.memory_space<hbm>>) dst(%arg12 : memref<128xi32, #tpu.memory_space<vmem>>)
      tpu.yield
    }) : () -> ()
    %add3A_327 = arith.constant 64 : i32
    %add3A_328 = arith.addi %add3A, %add3A_327 : i32
    %min3A_329 = arith.constant 2499 : i32
    %min3A_330 = arith.minsi %add3A_328, %min3A_329 : i32
    %mul3A_331 = arith.constant 128 : i32
    %mul3A_332 = arith.muli %min3A_330, %mul3A_331 : i32
    %multiple_of3A_333 = tpu.assume_multiple %mul3A_332, 8 : i32
    %dma_start3A_334 = arith.constant 0 : i32
    %dma_start3A_335 = tpu.memref_slice %arg3[%dma_start3A_334, %multiple_of3A_333] : memref<2x320000xi32, #tpu.memory_space<hbm>> -> memref<1x128xi32, #tpu.memory_space<hbm>>
    %dma_start3A_336 = tpu.memref_squeeze %dma_start3A_335 : memref<1x128xi32, #tpu.memory_space<hbm>> -> memref<128xi32, #tpu.memory_space<hbm>>
    %dma_start3A_337 = tpu.memref_slice %arg3[%dma_start3A_334, %multiple_of3A_333] : memref<2x320000xi32, #tpu.memory_space<hbm>> -> memref<1x128xi32, #tpu.memory_space<hbm>>
    %dma_start3A_338 = tpu.memref_squeeze %dma_start3A_337 : memref<1x128xi32, #tpu.memory_space<hbm>> -> memref<128xi32, #tpu.memory_space<hbm>>
    tpu.enqueue_dma source(%dma_start3A_338 : memref<128xi32, #tpu.memory_space<hbm>>) target(%arg9 : memref<128xi32, #tpu.memory_space<vmem>>) target_semaphore(%arg23 : memref<!tpu.dma_semaphore, #tpu.memory_space<semaphore_mem>>)
    %add3A_339 = arith.constant 64 : i32
    %add3A_340 = arith.addi %add3A, %add3A_339 : i32
    %min3A_341 = arith.constant 2499 : i32
    %min3A_342 = arith.minsi %add3A_340, %min3A_341 : i32
    %mul3A_343 = arith.constant 128 : i32
    %mul3A_344 = arith.muli %min3A_342, %mul3A_343 : i32
    %multiple_of3A_345 = tpu.assume_multiple %mul3A_344, 8 : i32
    %dma_start3A_346 = arith.constant 1 : i32
    %dma_start3A_347 = tpu.memref_slice %arg3[%dma_start3A_346, %multiple_of3A_345] : memref<2x320000xi32, #tpu.memory_space<hbm>> -> memref<1x128xi32, #tpu.memory_space<hbm>>
    %dma_start3A_348 = tpu.memref_squeeze %dma_start3A_347 : memref<1x128xi32, #tpu.memory_space<hbm>> -> memref<128xi32, #tpu.memory_space<hbm>>
    %dma_start3A_349 = tpu.memref_slice %arg3[%dma_start3A_346, %multiple_of3A_345] : memref<2x320000xi32, #tpu.memory_space<hbm>> -> memref<1x128xi32, #tpu.memory_space<hbm>>
    %dma_start3A_350 = tpu.memref_squeeze %dma_start3A_349 : memref<1x128xi32, #tpu.memory_space<hbm>> -> memref<128xi32, #tpu.memory_space<hbm>>
    tpu.enqueue_dma source(%dma_start3A_350 : memref<128xi32, #tpu.memory_space<hbm>>) target(%arg13 : memref<128xi32, #tpu.memory_space<vmem>>) target_semaphore(%arg23 : memref<!tpu.dma_semaphore, #tpu.memory_space<semaphore_mem>>)
    %add3A_351 = arith.constant 96 : i32
    %add3A_352 = arith.addi %add3A, %add3A_351 : i32
    %min3A_353 = arith.constant 2499 : i32
    %min3A_354 = arith.minsi %add3A_352, %min3A_353 : i32
    %mul3A_355 = arith.constant 128 : i32
    %mul3A_356 = arith.muli %min3A_354, %mul3A_355 : i32
    %multiple_of3A_357 = tpu.assume_multiple %mul3A_356, 8 : i32
    %dma_start3A_358 = arith.constant 0 : i32
    %dma_start3A_359 = tpu.memref_slice %arg3[%dma_start3A_358, %multiple_of3A_357] : memref<2x320000xi32, #tpu.memory_space<hbm>> -> memref<1x128xi32, #tpu.memory_space<hbm>>
    %dma_start3A_360 = tpu.memref_squeeze %dma_start3A_359 : memref<1x128xi32, #tpu.memory_space<hbm>> -> memref<128xi32, #tpu.memory_space<hbm>>
    %dma_start3A_361 = tpu.memref_slice %arg3[%dma_start3A_358, %multiple_of3A_357] : memref<2x320000xi32, #tpu.memory_space<hbm>> -> memref<1x128xi32, #tpu.memory_space<hbm>>
    %dma_start3A_362 = tpu.memref_squeeze %dma_start3A_361 : memref<1x128xi32, #tpu.memory_space<hbm>> -> memref<128xi32, #tpu.memory_space<hbm>>
    tpu.enqueue_dma source(%dma_start3A_362 : memref<128xi32, #tpu.memory_space<hbm>>) target(%arg10 : memref<128xi32, #tpu.memory_space<vmem>>) target_semaphore(%arg24 : memref<!tpu.dma_semaphore, #tpu.memory_space<semaphore_mem>>)
    %add3A_363 = arith.constant 96 : i32
    %add3A_364 = arith.addi %add3A, %add3A_363 : i32
    %min3A_365 = arith.constant 2499 : i32
    %min3A_366 = arith.minsi %add3A_364, %min3A_365 : i32
    %mul3A_367 = arith.constant 128 : i32
    %mul3A_368 = arith.muli %min3A_366, %mul3A_367 : i32
    %multiple_of3A_369 = tpu.assume_multiple %mul3A_368, 8 : i32
    %dma_start3A_370 = arith.constant 1 : i32
    %dma_start3A_371 = tpu.memref_slice %arg3[%dma_start3A_370, %multiple_of3A_369] : memref<2x320000xi32, #tpu.memory_space<hbm>> -> memref<1x128xi32, #tpu.memory_space<hbm>>
    %dma_start3A_372 = tpu.memref_squeeze %dma_start3A_371 : memref<1x128xi32, #tpu.memory_space<hbm>> -> memref<128xi32, #tpu.memory_space<hbm>>
    %dma_start3A_373 = tpu.memref_slice %arg3[%dma_start3A_370, %multiple_of3A_369] : memref<2x320000xi32, #tpu.memory_space<hbm>> -> memref<1x128xi32, #tpu.memory_space<hbm>>
    %dma_start3A_374 = tpu.memref_squeeze %dma_start3A_373 : memref<1x128xi32, #tpu.memory_space<hbm>> -> memref<128xi32, #tpu.memory_space<hbm>>
    tpu.enqueue_dma source(%dma_start3A_374 : memref<128xi32, #tpu.memory_space<hbm>>) target(%arg14 : memref<128xi32, #tpu.memory_space<vmem>>) target_semaphore(%arg24 : memref<!tpu.dma_semaphore, #tpu.memory_space<semaphore_mem>>)
    %dma_start3A_375 = arith.constant 0 : i32
    %dma_start3A_376 = arith.constant 0 : i32
    %dma_start3A_377 = tpu.memref_slice %arg2[%dma_start3A_375, %dma_start3A_376] : memref<10000x128xf32, #tpu.memory_space<hbm>> -> memref<10000x128xf32, #tpu.memory_space<hbm>>
    tpu.enqueue_indirect_dma source(%dma_start3A_377 : memref<10000x128xf32, #tpu.memory_space<hbm>>) target(%arg15 : memref<128x128xf32, #tpu.memory_space<vmem>>) offsets(%arg7 : memref<128xi32, #tpu.memory_space<vmem>>) semaphore(%arg17 : memref<!tpu.dma_semaphore, #tpu.memory_space<semaphore_mem>>)
    %dma_start3A_378 = arith.constant 0 : i32
    %dma_start3A_379 = arith.constant 0 : i32
    %dma_start3A_380 = tpu.memref_slice %arg2[%dma_start3A_378, %dma_start3A_379] : memref<10000x128xf32, #tpu.memory_space<hbm>> -> memref<10000x128xf32, #tpu.memory_space<hbm>>
    tpu.enqueue_indirect_dma source(%dma_start3A_380 : memref<10000x128xf32, #tpu.memory_space<hbm>>) target(%arg16 : memref<128x128xf32, #tpu.memory_space<vmem>>) offsets(%arg8 : memref<128xi32, #tpu.memory_space<vmem>>) semaphore(%arg18 : memref<!tpu.dma_semaphore, #tpu.memory_space<semaphore_mem>>)
    %scan3A_381 = arith.constant 0 : i32
    %scan3A_382 = arith.constant 0 : i32
    %scan3A_383 = arith.constant 19 : i32
    %scan3A_384 = arith.addi %scan3A_382, %scan3A_383 : i32
    %scan3A_385 = arith.constant 1 : i32
    %scan3A_386 = scf.for %scan3A_865 = %scan3A_382 to %scan3A_384 step %scan3A_385 iter_args(%scan3A_866 = %scan3A_381) -> (i32)  : i32 {
      %mul3A_867 = arith.constant 4 : i32
      %mul3A_868 = arith.muli %mul3A_867, %scan3A_865 : i32
      %dma_wait3A_869 = arith.constant 0 : i32
      %dma_wait3A_870 = arith.constant 0 : i32
      %dma_wait3A_871 = tpu.memref_slice %arg2[%dma_wait3A_869, %dma_wait3A_870] : memref<10000x128xf32, #tpu.memory_space<hbm>> -> memref<10000x128xf32, #tpu.memory_space<hbm>>
      tpu.wait_indirect_dma semaphore(%arg17 : memref<!tpu.dma_semaphore, #tpu.memory_space<semaphore_mem>>) src(%dma_wait3A_871 : memref<10000x128xf32, #tpu.memory_space<hbm>>) dst(%arg15 : memref<128x128xf32, #tpu.memory_space<vmem>>)
      %dma_start3A_872 = arith.constant 0 : i32
      %dma_start3A_873 = arith.constant 0 : i32
      %dma_start3A_874 = tpu.memref_slice %arg6[%dma_start3A_872, %dma_start3A_873] : memref<10000x128xf32, #tpu.memory_space<vmem_shared>> -> memref<10000x128xf32, #tpu.memory_space<vmem_shared>>
      tpu.enqueue_indirect_dma source(%arg15 : memref<128x128xf32, #tpu.memory_space<vmem>>) target(%dma_start3A_874 : memref<10000x128xf32, #tpu.memory_space<vmem_shared>>) offsets(%arg11 : memref<128xi32, #tpu.memory_space<vmem>>) semaphore(%arg19 : memref<!tpu.dma_semaphore, #tpu.memory_space<semaphore_mem>>) {add = true}
      %dma_wait3A_875 = arith.constant 0 : i32
      %dma_wait3A_876 = arith.constant 0 : i32
      %dma_wait3A_877 = tpu.memref_slice %arg2[%dma_wait3A_875, %dma_wait3A_876] : memref<10000x128xf32, #tpu.memory_space<hbm>> -> memref<10000x128xf32, #tpu.memory_space<hbm>>
      tpu.wait_indirect_dma semaphore(%arg18 : memref<!tpu.dma_semaphore, #tpu.memory_space<semaphore_mem>>) src(%dma_wait3A_877 : memref<10000x128xf32, #tpu.memory_space<hbm>>) dst(%arg16 : memref<128x128xf32, #tpu.memory_space<vmem>>)
      %dma_start3A_878 = arith.constant 0 : i32
      %dma_start3A_879 = arith.constant 0 : i32
      %dma_start3A_880 = tpu.memref_slice %arg6[%dma_start3A_878, %dma_start3A_879] : memref<10000x128xf32, #tpu.memory_space<vmem_shared>> -> memref<10000x128xf32, #tpu.memory_space<vmem_shared>>
      tpu.enqueue_indirect_dma source(%arg16 : memref<128x128xf32, #tpu.memory_space<vmem>>) target(%dma_start3A_880 : memref<10000x128xf32, #tpu.memory_space<vmem_shared>>) offsets(%arg12 : memref<128xi32, #tpu.memory_space<vmem>>) semaphore(%arg20 : memref<!tpu.dma_semaphore, #tpu.memory_space<semaphore_mem>>) {add = true}
      %dma_wait3A_881 = arith.constant 0 : i32
      %dma_wait3A_882 = arith.constant 0 : i32
      %dma_wait3A_883 = tpu.memref_slice %arg6[%dma_wait3A_881, %dma_wait3A_882] : memref<10000x128xf32, #tpu.memory_space<vmem_shared>> -> memref<10000x128xf32, #tpu.memory_space<vmem_shared>>
      tpu.wait_indirect_dma semaphore(%arg19 : memref<!tpu.dma_semaphore, #tpu.memory_space<semaphore_mem>>) src(%arg15 : memref<128x128xf32, #tpu.memory_space<vmem>>) dst(%dma_wait3A_883 : memref<10000x128xf32, #tpu.memory_space<vmem_shared>>)
      %add3A_884 = arith.constant 4 : i32
      %add3A_885 = arith.addi %mul3A_868, %add3A_884 : i32
      %mul3A_886 = arith.constant 32 : i32
      %mul3A_887 = arith.muli %mul3A_886, %add3A_885 : i32
      %add3A_888 = arith.addi %add3A, %mul3A_887 : i32
      %min3A_889 = arith.constant 2499 : i32
      %min3A_890 = arith.minsi %add3A_888, %min3A_889 : i32
      %mul3A_891 = arith.constant 128 : i32
      %mul3A_892 = arith.muli %min3A_890, %mul3A_891 : i32
      %multiple_of3A_893 = tpu.assume_multiple %mul3A_892, 8 : i32
      %dma_start3A_894 = arith.constant 0 : i32
      %dma_start3A_895 = tpu.memref_slice %arg3[%dma_start3A_894, %multiple_of3A_893] : memref<2x320000xi32, #tpu.memory_space<hbm>> -> memref<1x128xi32, #tpu.memory_space<hbm>>
      %dma_start3A_896 = tpu.memref_squeeze %dma_start3A_895 : memref<1x128xi32, #tpu.memory_space<hbm>> -> memref<128xi32, #tpu.memory_space<hbm>>
      %dma_start3A_897 = tpu.memref_slice %arg3[%dma_start3A_894, %multiple_of3A_893] : memref<2x320000xi32, #tpu.memory_space<hbm>> -> memref<1x128xi32, #tpu.memory_space<hbm>>
      %dma_start3A_898 = tpu.memref_squeeze %dma_start3A_897 : memref<1x128xi32, #tpu.memory_space<hbm>> -> memref<128xi32, #tpu.memory_space<hbm>>
      tpu.enqueue_dma source(%dma_start3A_898 : memref<128xi32, #tpu.memory_space<hbm>>) target(%arg7 : memref<128xi32, #tpu.memory_space<vmem>>) target_semaphore(%arg21 : memref<!tpu.dma_semaphore, #tpu.memory_space<semaphore_mem>>)
      %mul3A_899 = arith.constant 32 : i32
      %mul3A_900 = arith.muli %mul3A_899, %add3A_885 : i32
      %add3A_901 = arith.addi %add3A, %mul3A_900 : i32
      %min3A_902 = arith.constant 2499 : i32
      %min3A_903 = arith.minsi %add3A_901, %min3A_902 : i32
      %mul3A_904 = arith.constant 128 : i32
      %mul3A_905 = arith.muli %min3A_903, %mul3A_904 : i32
      %multiple_of3A_906 = tpu.assume_multiple %mul3A_905, 8 : i32
      %dma_start3A_907 = arith.constant 1 : i32
      %dma_start3A_908 = tpu.memref_slice %arg3[%dma_start3A_907, %multiple_of3A_906] : memref<2x320000xi32, #tpu.memory_space<hbm>> -> memref<1x128xi32, #tpu.memory_space<hbm>>
      %dma_start3A_909 = tpu.memref_squeeze %dma_start3A_908 : memref<1x128xi32, #tpu.memory_space<hbm>> -> memref<128xi32, #tpu.memory_space<hbm>>
      %dma_start3A_910 = tpu.memref_slice %arg3[%dma_start3A_907, %multiple_of3A_906] : memref<2x320000xi32, #tpu.memory_space<hbm>> -> memref<1x128xi32, #tpu.memory_space<hbm>>
      %dma_start3A_911 = tpu.memref_squeeze %dma_start3A_910 : memref<1x128xi32, #tpu.memory_space<hbm>> -> memref<128xi32, #tpu.memory_space<hbm>>
      tpu.enqueue_dma source(%dma_start3A_911 : memref<128xi32, #tpu.memory_space<hbm>>) target(%arg11 : memref<128xi32, #tpu.memory_space<vmem>>) target_semaphore(%arg21 : memref<!tpu.dma_semaphore, #tpu.memory_space<semaphore_mem>>)
      %dma_wait3A_912 = arith.constant 1 : i32
      %dma_wait3A_913 = arith.constant 0 : i32
      %dma_wait3A_914 = tpu.memref_slice %arg3[%dma_wait3A_912, %dma_wait3A_913] : memref<2x320000xi32, #tpu.memory_space<hbm>> -> memref<1x128xi32, #tpu.memory_space<hbm>>
      %dma_wait3A_915 = tpu.memref_squeeze %dma_wait3A_914 : memref<1x128xi32, #tpu.memory_space<hbm>> -> memref<128xi32, #tpu.memory_space<hbm>>
      %dma_wait3A_916 = arith.constant 0 : i32
      %dma_wait3A_917 = tpu.memref_slice %arg3[%dma_wait3A_912, %dma_wait3A_916] : memref<2x320000xi32, #tpu.memory_space<hbm>> -> memref<1x128xi32, #tpu.memory_space<hbm>>
      %dma_wait3A_918 = tpu.memref_squeeze %dma_wait3A_917 : memref<1x128xi32, #tpu.memory_space<hbm>> -> memref<128xi32, #tpu.memory_space<hbm>>
      tpu.wait_dma2 semaphore(%arg23 : memref<!tpu.dma_semaphore, #tpu.memory_space<semaphore_mem>>) src(%dma_wait3A_918 : memref<128xi32, #tpu.memory_space<hbm>>) dst(%arg13 : memref<128xi32, #tpu.memory_space<vmem>>)
      %dma_wait3A_919 = arith.constant 0 : i32
      %dma_wait3A_920 = arith.constant 0 : i32
      %dma_wait3A_921 = tpu.memref_slice %arg3[%dma_wait3A_919, %dma_wait3A_920] : memref<2x320000xi32, #tpu.memory_space<hbm>> -> memref<1x128xi32, #tpu.memory_space<hbm>>
      %dma_wait3A_922 = tpu.memref_squeeze %dma_wait3A_921 : memref<1x128xi32, #tpu.memory_space<hbm>> -> memref<128xi32, #tpu.memory_space<hbm>>
      %dma_wait3A_923 = arith.constant 0 : i32
      %dma_wait3A_924 = tpu.memref_slice %arg3[%dma_wait3A_919, %dma_wait3A_923] : memref<2x320000xi32, #tpu.memory_space<hbm>> -> memref<1x128xi32, #tpu.memory_space<hbm>>
      %dma_wait3A_925 = tpu.memref_squeeze %dma_wait3A_924 : memref<1x128xi32, #tpu.memory_space<hbm>> -> memref<128xi32, #tpu.memory_space<hbm>>
      tpu.wait_dma2 semaphore(%arg23 : memref<!tpu.dma_semaphore, #tpu.memory_space<semaphore_mem>>) src(%dma_wait3A_925 : memref<128xi32, #tpu.memory_space<hbm>>) dst(%arg9 : memref<128xi32, #tpu.memory_space<vmem>>)
      %dma_start3A_926 = arith.constant 0 : i32
      %dma_start3A_927 = arith.constant 0 : i32
      %dma_start3A_928 = tpu.memref_slice %arg2[%dma_start3A_926, %dma_start3A_927] : memref<10000x128xf32, #tpu.memory_space<hbm>> -> memref<10000x128xf32, #tpu.memory_space<hbm>>
      tpu.enqueue_indirect_dma source(%dma_start3A_928 : memref<10000x128xf32, #tpu.memory_space<hbm>>) target(%arg15 : memref<128x128xf32, #tpu.memory_space<vmem>>) offsets(%arg9 : memref<128xi32, #tpu.memory_space<vmem>>) semaphore(%arg17 : memref<!tpu.dma_semaphore, #tpu.memory_space<semaphore_mem>>)
      %dma_wait3A_929 = arith.constant 0 : i32
      %dma_wait3A_930 = arith.constant 0 : i32
      %dma_wait3A_931 = tpu.memref_slice %arg6[%dma_wait3A_929, %dma_wait3A_930] : memref<10000x128xf32, #tpu.memory_space<vmem_shared>> -> memref<10000x128xf32, #tpu.memory_space<vmem_shared>>
      tpu.wait_indirect_dma semaphore(%arg20 : memref<!tpu.dma_semaphore, #tpu.memory_space<semaphore_mem>>) src(%arg16 : memref<128x128xf32, #tpu.memory_space<vmem>>) dst(%dma_wait3A_931 : memref<10000x128xf32, #tpu.memory_space<vmem_shared>>)
      %add3A_932 = arith.constant 5 : i32
      %add3A_933 = arith.addi %mul3A_868, %add3A_932 : i32
      %mul3A_934 = arith.constant 32 : i32
      %mul3A_935 = arith.muli %mul3A_934, %add3A_933 : i32
      %add3A_936 = arith.addi %add3A, %mul3A_935 : i32
      %min3A_937 = arith.constant 2499 : i32
      %min3A_938 = arith.minsi %add3A_936, %min3A_937 : i32
      %mul3A_939 = arith.constant 128 : i32
      %mul3A_940 = arith.muli %min3A_938, %mul3A_939 : i32
      %multiple_of3A_941 = tpu.assume_multiple %mul3A_940, 8 : i32
      %dma_start3A_942 = arith.constant 0 : i32
      %dma_start3A_943 = tpu.memref_slice %arg3[%dma_start3A_942, %multiple_of3A_941] : memref<2x320000xi32, #tpu.memory_space<hbm>> -> memref<1x128xi32, #tpu.memory_space<hbm>>
      %dma_start3A_944 = tpu.memref_squeeze %dma_start3A_943 : memref<1x128xi32, #tpu.memory_space<hbm>> -> memref<128xi32, #tpu.memory_space<hbm>>
      %dma_start3A_945 = tpu.memref_slice %arg3[%dma_start3A_942, %multiple_of3A_941] : memref<2x320000xi32, #tpu.memory_space<hbm>> -> memref<1x128xi32, #tpu.memory_space<hbm>>
      %dma_start3A_946 = tpu.memref_squeeze %dma_start3A_945 : memref<1x128xi32, #tpu.memory_space<hbm>> -> memref<128xi32, #tpu.memory_space<hbm>>
      tpu.enqueue_dma source(%dma_start3A_946 : memref<128xi32, #tpu.memory_space<hbm>>) target(%arg8 : memref<128xi32, #tpu.memory_space<vmem>>) target_semaphore(%arg22 : memref<!tpu.dma_semaphore, #tpu.memory_space<semaphore_mem>>)
      %mul3A_947 = arith.constant 32 : i32
      %mul3A_948 = arith.muli %mul3A_947, %add3A_933 : i32
      %add3A_949 = arith.addi %add3A, %mul3A_948 : i32
      %min3A_950 = arith.constant 2499 : i32
      %min3A_951 = arith.minsi %add3A_949, %min3A_950 : i32
      %mul3A_952 = arith.constant 128 : i32
      %mul3A_953 = arith.muli %min3A_951, %mul3A_952 : i32
      %multiple_of3A_954 = tpu.assume_multiple %mul3A_953, 8 : i32
      %dma_start3A_955 = arith.constant 1 : i32
      %dma_start3A_956 = tpu.memref_slice %arg3[%dma_start3A_955, %multiple_of3A_954] : memref<2x320000xi32, #tpu.memory_space<hbm>> -> memref<1x128xi32, #tpu.memory_space<hbm>>
      %dma_start3A_957 = tpu.memref_squeeze %dma_start3A_956 : memref<1x128xi32, #tpu.memory_space<hbm>> -> memref<128xi32, #tpu.memory_space<hbm>>
      %dma_start3A_958 = tpu.memref_slice %arg3[%dma_start3A_955, %multiple_of3A_954] : memref<2x320000xi32, #tpu.memory_space<hbm>> -> memref<1x128xi32, #tpu.memory_space<hbm>>
      %dma_start3A_959 = tpu.memref_squeeze %dma_start3A_958 : memref<1x128xi32, #tpu.memory_space<hbm>> -> memref<128xi32, #tpu.memory_space<hbm>>
      tpu.enqueue_dma source(%dma_start3A_959 : memref<128xi32, #tpu.memory_space<hbm>>) target(%arg12 : memref<128xi32, #tpu.memory_space<vmem>>) target_semaphore(%arg22 : memref<!tpu.dma_semaphore, #tpu.memory_space<semaphore_mem>>)
      %dma_wait3A_960 = arith.constant 1 : i32
      %dma_wait3A_961 = arith.constant 0 : i32
      %dma_wait3A_962 = tpu.memref_slice %arg3[%dma_wait3A_960, %dma_wait3A_961] : memref<2x320000xi32, #tpu.memory_space<hbm>> -> memref<1x128xi32, #tpu.memory_space<hbm>>
      %dma_wait3A_963 = tpu.memref_squeeze %dma_wait3A_962 : memref<1x128xi32, #tpu.memory_space<hbm>> -> memref<128xi32, #tpu.memory_space<hbm>>
      %dma_wait3A_964 = arith.constant 0 : i32
      %dma_wait3A_965 = tpu.memref_slice %arg3[%dma_wait3A_960, %dma_wait3A_964] : memref<2x320000xi32, #tpu.memory_space<hbm>> -> memref<1x128xi32, #tpu.memory_space<hbm>>
      %dma_wait3A_966 = tpu.memref_squeeze %dma_wait3A_965 : memref<1x128xi32, #tpu.memory_space<hbm>> -> memref<128xi32, #tpu.memory_space<hbm>>
      tpu.wait_dma2 semaphore(%arg24 : memref<!tpu.dma_semaphore, #tpu.memory_space<semaphore_mem>>) src(%dma_wait3A_966 : memref<128xi32, #tpu.memory_space<hbm>>) dst(%arg14 : memref<128xi32, #tpu.memory_space<vmem>>)
      %dma_wait3A_967 = arith.constant 0 : i32
      %dma_wait3A_968 = arith.constant 0 : i32
      %dma_wait3A_969 = tpu.memref_slice %arg3[%dma_wait3A_967, %dma_wait3A_968] : memref<2x320000xi32, #tpu.memory_space<hbm>> -> memref<1x128xi32, #tpu.memory_space<hbm>>
      %dma_wait3A_970 = tpu.memref_squeeze %dma_wait3A_969 : memref<1x128xi32, #tpu.memory_space<hbm>> -> memref<128xi32, #tpu.memory_space<hbm>>
      %dma_wait3A_971 = arith.constant 0 : i32
      %dma_wait3A_972 = tpu.memref_slice %arg3[%dma_wait3A_967, %dma_wait3A_971] : memref<2x320000xi32, #tpu.memory_space<hbm>> -> memref<1x128xi32, #tpu.memory_space<hbm>>
      %dma_wait3A_973 = tpu.memref_squeeze %dma_wait3A_972 : memref<1x128xi32, #tpu.memory_space<hbm>> -> memref<128xi32, #tpu.memory_space<hbm>>
      tpu.wait_dma2 semaphore(%arg24 : memref<!tpu.dma_semaphore, #tpu.memory_space<semaphore_mem>>) src(%dma_wait3A_973 : memref<128xi32, #tpu.memory_space<hbm>>) dst(%arg10 : memref<128xi32, #tpu.memory_space<vmem>>)
      %dma_start3A_974 = arith.constant 0 : i32
      %dma_start3A_975 = arith.constant 0 : i32
      %dma_start3A_976 = tpu.memref_slice %arg2[%dma_start3A_974, %dma_start3A_975] : memref<10000x128xf32, #tpu.memory_space<hbm>> -> memref<10000x128xf32, #tpu.memory_space<hbm>>
      tpu.enqueue_indirect_dma source(%dma_start3A_976 : memref<10000x128xf32, #tpu.memory_space<hbm>>) target(%arg16 : memref<128x128xf32, #tpu.memory_space<vmem>>) offsets(%arg10 : memref<128xi32, #tpu.memory_space<vmem>>) semaphore(%arg18 : memref<!tpu.dma_semaphore, #tpu.memory_space<semaphore_mem>>)
      %mul3A_977 = arith.constant 4 : i32
      %mul3A_978 = arith.muli %mul3A_977, %scan3A_865 : i32
      %add3A_979 = arith.constant 2 : i32
      %add3A_980 = arith.addi %mul3A_978, %add3A_979 : i32
      %dma_wait3A_981 = arith.constant 0 : i32
      %dma_wait3A_982 = arith.constant 0 : i32
      %dma_wait3A_983 = tpu.memref_slice %arg2[%dma_wait3A_981, %dma_wait3A_982] : memref<10000x128xf32, #tpu.memory_space<hbm>> -> memref<10000x128xf32, #tpu.memory_space<hbm>>
      tpu.wait_indirect_dma semaphore(%arg17 : memref<!tpu.dma_semaphore, #tpu.memory_space<semaphore_mem>>) src(%dma_wait3A_983 : memref<10000x128xf32, #tpu.memory_space<hbm>>) dst(%arg15 : memref<128x128xf32, #tpu.memory_space<vmem>>)
      %dma_start3A_984 = arith.constant 0 : i32
      %dma_start3A_985 = arith.constant 0 : i32
      %dma_start3A_986 = tpu.memref_slice %arg6[%dma_start3A_984, %dma_start3A_985] : memref<10000x128xf32, #tpu.memory_space<vmem_shared>> -> memref<10000x128xf32, #tpu.memory_space<vmem_shared>>
      tpu.enqueue_indirect_dma source(%arg15 : memref<128x128xf32, #tpu.memory_space<vmem>>) target(%dma_start3A_986 : memref<10000x128xf32, #tpu.memory_space<vmem_shared>>) offsets(%arg13 : memref<128xi32, #tpu.memory_space<vmem>>) semaphore(%arg19 : memref<!tpu.dma_semaphore, #tpu.memory_space<semaphore_mem>>) {add = true}
      %dma_wait3A_987 = arith.constant 0 : i32
      %dma_wait3A_988 = arith.constant 0 : i32
      %dma_wait3A_989 = tpu.memref_slice %arg2[%dma_wait3A_987, %dma_wait3A_988] : memref<10000x128xf32, #tpu.memory_space<hbm>> -> memref<10000x128xf32, #tpu.memory_space<hbm>>
      tpu.wait_indirect_dma semaphore(%arg18 : memref<!tpu.dma_semaphore, #tpu.memory_space<semaphore_mem>>) src(%dma_wait3A_989 : memref<10000x128xf32, #tpu.memory_space<hbm>>) dst(%arg16 : memref<128x128xf32, #tpu.memory_space<vmem>>)
      %dma_start3A_990 = arith.constant 0 : i32
      %dma_start3A_991 = arith.constant 0 : i32
      %dma_start3A_992 = tpu.memref_slice %arg6[%dma_start3A_990, %dma_start3A_991] : memref<10000x128xf32, #tpu.memory_space<vmem_shared>> -> memref<10000x128xf32, #tpu.memory_space<vmem_shared>>
      tpu.enqueue_indirect_dma source(%arg16 : memref<128x128xf32, #tpu.memory_space<vmem>>) target(%dma_start3A_992 : memref<10000x128xf32, #tpu.memory_space<vmem_shared>>) offsets(%arg14 : memref<128xi32, #tpu.memory_space<vmem>>) semaphore(%arg20 : memref<!tpu.dma_semaphore, #tpu.memory_space<semaphore_mem>>) {add = true}
      %dma_wait3A_993 = arith.constant 0 : i32
      %dma_wait3A_994 = arith.constant 0 : i32
      %dma_wait3A_995 = tpu.memref_slice %arg6[%dma_wait3A_993, %dma_wait3A_994] : memref<10000x128xf32, #tpu.memory_space<vmem_shared>> -> memref<10000x128xf32, #tpu.memory_space<vmem_shared>>
      tpu.wait_indirect_dma semaphore(%arg19 : memref<!tpu.dma_semaphore, #tpu.memory_space<semaphore_mem>>) src(%arg15 : memref<128x128xf32, #tpu.memory_space<vmem>>) dst(%dma_wait3A_995 : memref<10000x128xf32, #tpu.memory_space<vmem_shared>>)
      %add3A_996 = arith.constant 4 : i32
      %add3A_997 = arith.addi %add3A_980, %add3A_996 : i32
      %mul3A_998 = arith.constant 32 : i32
      %mul3A_999 = arith.muli %mul3A_998, %add3A_997 : i32
      %add3A_1000 = arith.addi %add3A, %mul3A_999 : i32
      %min3A_1001 = arith.constant 2499 : i32
      %min3A_1002 = arith.minsi %add3A_1000, %min3A_1001 : i32
      %mul3A_1003 = arith.constant 128 : i32
      %mul3A_1004 = arith.muli %min3A_1002, %mul3A_1003 : i32
      %multiple_of3A_1005 = tpu.assume_multiple %mul3A_1004, 8 : i32
      %dma_start3A_1006 = arith.constant 0 : i32
      %dma_start3A_1007 = tpu.memref_slice %arg3[%dma_start3A_1006, %multiple_of3A_1005] : memref<2x320000xi32, #tpu.memory_space<hbm>> -> memref<1x128xi32, #tpu.memory_space<hbm>>
      %dma_start3A_1008 = tpu.memref_squeeze %dma_start3A_1007 : memref<1x128xi32, #tpu.memory_space<hbm>> -> memref<128xi32, #tpu.memory_space<hbm>>
      %dma_start3A_1009 = tpu.memref_slice %arg3[%dma_start3A_1006, %multiple_of3A_1005] : memref<2x320000xi32, #tpu.memory_space<hbm>> -> memref<1x128xi32, #tpu.memory_space<hbm>>
      %dma_start3A_1010 = tpu.memref_squeeze %dma_start3A_1009 : memref<1x128xi32, #tpu.memory_space<hbm>> -> memref<128xi32, #tpu.memory_space<hbm>>
      tpu.enqueue_dma source(%dma_start3A_1010 : memref<128xi32, #tpu.memory_space<hbm>>) target(%arg9 : memref<128xi32, #tpu.memory_space<vmem>>) target_semaphore(%arg23 : memref<!tpu.dma_semaphore, #tpu.memory_space<semaphore_mem>>)
      %mul3A_1011 = arith.constant 32 : i32
      %mul3A_1012 = arith.muli %mul3A_1011, %add3A_997 : i32
      %add3A_1013 = arith.addi %add3A, %mul3A_1012 : i32
      %min3A_1014 = arith.constant 2499 : i32
      %min3A_1015 = arith.minsi %add3A_1013, %min3A_1014 : i32
      %mul3A_1016 = arith.constant 128 : i32
      %mul3A_1017 = arith.muli %min3A_1015, %mul3A_1016 : i32
      %multiple_of3A_1018 = tpu.assume_multiple %mul3A_1017, 8 : i32
      %dma_start3A_1019 = arith.constant 1 : i32
      %dma_start3A_1020 = tpu.memref_slice %arg3[%dma_start3A_1019, %multiple_of3A_1018] : memref<2x320000xi32, #tpu.memory_space<hbm>> -> memref<1x128xi32, #tpu.memory_space<hbm>>
      %dma_start3A_1021 = tpu.memref_squeeze %dma_start3A_1020 : memref<1x128xi32, #tpu.memory_space<hbm>> -> memref<128xi32, #tpu.memory_space<hbm>>
      %dma_start3A_1022 = tpu.memref_slice %arg3[%dma_start3A_1019, %multiple_of3A_1018] : memref<2x320000xi32, #tpu.memory_space<hbm>> -> memref<1x128xi32, #tpu.memory_space<hbm>>
      %dma_start3A_1023 = tpu.memref_squeeze %dma_start3A_1022 : memref<1x128xi32, #tpu.memory_space<hbm>> -> memref<128xi32, #tpu.memory_space<hbm>>
      tpu.enqueue_dma source(%dma_start3A_1023 : memref<128xi32, #tpu.memory_space<hbm>>) target(%arg13 : memref<128xi32, #tpu.memory_space<vmem>>) target_semaphore(%arg23 : memref<!tpu.dma_semaphore, #tpu.memory_space<semaphore_mem>>)
      %dma_wait3A_1024 = arith.constant 1 : i32
      %dma_wait3A_1025 = arith.constant 0 : i32
      %dma_wait3A_1026 = tpu.memref_slice %arg3[%dma_wait3A_1024, %dma_wait3A_1025] : memref<2x320000xi32, #tpu.memory_space<hbm>> -> memref<1x128xi32, #tpu.memory_space<hbm>>
      %dma_wait3A_1027 = tpu.memref_squeeze %dma_wait3A_1026 : memref<1x128xi32, #tpu.memory_space<hbm>> -> memref<128xi32, #tpu.memory_space<hbm>>
      %dma_wait3A_1028 = arith.constant 0 : i32
      %dma_wait3A_1029 = tpu.memref_slice %arg3[%dma_wait3A_1024, %dma_wait3A_1028] : memref<2x320000xi32, #tpu.memory_space<hbm>> -> memref<1x128xi32, #tpu.memory_space<hbm>>
      %dma_wait3A_1030 = tpu.memref_squeeze %dma_wait3A_1029 : memref<1x128xi32, #tpu.memory_space<hbm>> -> memref<128xi32, #tpu.memory_space<hbm>>
      tpu.wait_dma2 semaphore(%arg21 : memref<!tpu.dma_semaphore, #tpu.memory_space<semaphore_mem>>) src(%dma_wait3A_1030 : memref<128xi32, #tpu.memory_space<hbm>>) dst(%arg11 : memref<128xi32, #tpu.memory_space<vmem>>)
      %dma_wait3A_1031 = arith.constant 0 : i32
      %dma_wait3A_1032 = arith.constant 0 : i32
      %dma_wait3A_1033 = tpu.memref_slice %arg3[%dma_wait3A_1031, %dma_wait3A_1032] : memref<2x320000xi32, #tpu.memory_space<hbm>> -> memref<1x128xi32, #tpu.memory_space<hbm>>
      %dma_wait3A_1034 = tpu.memref_squeeze %dma_wait3A_1033 : memref<1x128xi32, #tpu.memory_space<hbm>> -> memref<128xi32, #tpu.memory_space<hbm>>
      %dma_wait3A_1035 = arith.constant 0 : i32
      %dma_wait3A_1036 = tpu.memref_slice %arg3[%dma_wait3A_1031, %dma_wait3A_1035] : memref<2x320000xi32, #tpu.memory_space<hbm>> -> memref<1x128xi32, #tpu.memory_space<hbm>>
      %dma_wait3A_1037 = tpu.memref_squeeze %dma_wait3A_1036 : memref<1x128xi32, #tpu.memory_space<hbm>> -> memref<128xi32, #tpu.memory_space<hbm>>
      tpu.wait_dma2 semaphore(%arg21 : memref<!tpu.dma_semaphore, #tpu.memory_space<semaphore_mem>>) src(%dma_wait3A_1037 : memref<128xi32, #tpu.memory_space<hbm>>) dst(%arg7 : memref<128xi32, #tpu.memory_space<vmem>>)
      %dma_start3A_1038 = arith.constant 0 : i32
      %dma_start3A_1039 = arith.constant 0 : i32
      %dma_start3A_1040 = tpu.memref_slice %arg2[%dma_start3A_1038, %dma_start3A_1039] : memref<10000x128xf32, #tpu.memory_space<hbm>> -> memref<10000x128xf32, #tpu.memory_space<hbm>>
      tpu.enqueue_indirect_dma source(%dma_start3A_1040 : memref<10000x128xf32, #tpu.memory_space<hbm>>) target(%arg15 : memref<128x128xf32, #tpu.memory_space<vmem>>) offsets(%arg7 : memref<128xi32, #tpu.memory_space<vmem>>) semaphore(%arg17 : memref<!tpu.dma_semaphore, #tpu.memory_space<semaphore_mem>>)
      %dma_wait3A_1041 = arith.constant 0 : i32
      %dma_wait3A_1042 = arith.constant 0 : i32
      %dma_wait3A_1043 = tpu.memref_slice %arg6[%dma_wait3A_1041, %dma_wait3A_1042] : memref<10000x128xf32, #tpu.memory_space<vmem_shared>> -> memref<10000x128xf32, #tpu.memory_space<vmem_shared>>
      tpu.wait_indirect_dma semaphore(%arg20 : memref<!tpu.dma_semaphore, #tpu.memory_space<semaphore_mem>>) src(%arg16 : memref<128x128xf32, #tpu.memory_space<vmem>>) dst(%dma_wait3A_1043 : memref<10000x128xf32, #tpu.memory_space<vmem_shared>>)
      %add3A_1044 = arith.constant 5 : i32
      %add3A_1045 = arith.addi %add3A_980, %add3A_1044 : i32
      %mul3A_1046 = arith.constant 32 : i32
      %mul3A_1047 = arith.muli %mul3A_1046, %add3A_1045 : i32
      %add3A_1048 = arith.addi %add3A, %mul3A_1047 : i32
      %min3A_1049 = arith.constant 2499 : i32
      %min3A_1050 = arith.minsi %add3A_1048, %min3A_1049 : i32
      %mul3A_1051 = arith.constant 128 : i32
      %mul3A_1052 = arith.muli %min3A_1050, %mul3A_1051 : i32
      %multiple_of3A_1053 = tpu.assume_multiple %mul3A_1052, 8 : i32
      %dma_start3A_1054 = arith.constant 0 : i32
      %dma_start3A_1055 = tpu.memref_slice %arg3[%dma_start3A_1054, %multiple_of3A_1053] : memref<2x320000xi32, #tpu.memory_space<hbm>> -> memref<1x128xi32, #tpu.memory_space<hbm>>
      %dma_start3A_1056 = tpu.memref_squeeze %dma_start3A_1055 : memref<1x128xi32, #tpu.memory_space<hbm>> -> memref<128xi32, #tpu.memory_space<hbm>>
      %dma_start3A_1057 = tpu.memref_slice %arg3[%dma_start3A_1054, %multiple_of3A_1053] : memref<2x320000xi32, #tpu.memory_space<hbm>> -> memref<1x128xi32, #tpu.memory_space<hbm>>
      %dma_start3A_1058 = tpu.memref_squeeze %dma_start3A_1057 : memref<1x128xi32, #tpu.memory_space<hbm>> -> memref<128xi32, #tpu.memory_space<hbm>>
      tpu.enqueue_dma source(%dma_start3A_1058 : memref<128xi32, #tpu.memory_space<hbm>>) target(%arg10 : memref<128xi32, #tpu.memory_space<vmem>>) target_semaphore(%arg24 : memref<!tpu.dma_semaphore, #tpu.memory_space<semaphore_mem>>)
      %mul3A_1059 = arith.constant 32 : i32
      %mul3A_1060 = arith.muli %mul3A_1059, %add3A_1045 : i32
      %add3A_1061 = arith.addi %add3A, %mul3A_1060 : i32
      %min3A_1062 = arith.constant 2499 : i32
      %min3A_1063 = arith.minsi %add3A_1061, %min3A_1062 : i32
      %mul3A_1064 = arith.constant 128 : i32
      %mul3A_1065 = arith.muli %min3A_1063, %mul3A_1064 : i32
      %multiple_of3A_1066 = tpu.assume_multiple %mul3A_1065, 8 : i32
      %dma_start3A_1067 = arith.constant 1 : i32
      %dma_start3A_1068 = tpu.memref_slice %arg3[%dma_start3A_1067, %multiple_of3A_1066] : memref<2x320000xi32, #tpu.memory_space<hbm>> -> memref<1x128xi32, #tpu.memory_space<hbm>>
      %dma_start3A_1069 = tpu.memref_squeeze %dma_start3A_1068 : memref<1x128xi32, #tpu.memory_space<hbm>> -> memref<128xi32, #tpu.memory_space<hbm>>
      %dma_start3A_1070 = tpu.memref_slice %arg3[%dma_start3A_1067, %multiple_of3A_1066] : memref<2x320000xi32, #tpu.memory_space<hbm>> -> memref<1x128xi32, #tpu.memory_space<hbm>>
      %dma_start3A_1071 = tpu.memref_squeeze %dma_start3A_1070 : memref<1x128xi32, #tpu.memory_space<hbm>> -> memref<128xi32, #tpu.memory_space<hbm>>
      tpu.enqueue_dma source(%dma_start3A_1071 : memref<128xi32, #tpu.memory_space<hbm>>) target(%arg14 : memref<128xi32, #tpu.memory_space<vmem>>) target_semaphore(%arg24 : memref<!tpu.dma_semaphore, #tpu.memory_space<semaphore_mem>>)
      %dma_wait3A_1072 = arith.constant 1 : i32
      %dma_wait3A_1073 = arith.constant 0 : i32
      %dma_wait3A_1074 = tpu.memref_slice %arg3[%dma_wait3A_1072, %dma_wait3A_1073] : memref<2x320000xi32, #tpu.memory_space<hbm>> -> memref<1x128xi32, #tpu.memory_space<hbm>>
      %dma_wait3A_1075 = tpu.memref_squeeze %dma_wait3A_1074 : memref<1x128xi32, #tpu.memory_space<hbm>> -> memref<128xi32, #tpu.memory_space<hbm>>
      %dma_wait3A_1076 = arith.constant 0 : i32
      %dma_wait3A_1077 = tpu.memref_slice %arg3[%dma_wait3A_1072, %dma_wait3A_1076] : memref<2x320000xi32, #tpu.memory_space<hbm>> -> memref<1x128xi32, #tpu.memory_space<hbm>>
      %dma_wait3A_1078 = tpu.memref_squeeze %dma_wait3A_1077 : memref<1x128xi32, #tpu.memory_space<hbm>> -> memref<128xi32, #tpu.memory_space<hbm>>
      tpu.wait_dma2 semaphore(%arg22 : memref<!tpu.dma_semaphore, #tpu.memory_space<semaphore_mem>>) src(%dma_wait3A_1078 : memref<128xi32, #tpu.memory_space<hbm>>) dst(%arg12 : memref<128xi32, #tpu.memory_space<vmem>>)
      %dma_wait3A_1079 = arith.constant 0 : i32
      %dma_wait3A_1080 = arith.constant 0 : i32
      %dma_wait3A_1081 = tpu.memref_slice %arg3[%dma_wait3A_1079, %dma_wait3A_1080] : memref<2x320000xi32, #tpu.memory_space<hbm>> -> memref<1x128xi32, #tpu.memory_space<hbm>>
      %dma_wait3A_1082 = tpu.memref_squeeze %dma_wait3A_1081 : memref<1x128xi32, #tpu.memory_space<hbm>> -> memref<128xi32, #tpu.memory_space<hbm>>
      %dma_wait3A_1083 = arith.constant 0 : i32
      %dma_wait3A_1084 = tpu.memref_slice %arg3[%dma_wait3A_1079, %dma_wait3A_1083] : memref<2x320000xi32, #tpu.memory_space<hbm>> -> memref<1x128xi32, #tpu.memory_space<hbm>>
      %dma_wait3A_1085 = tpu.memref_squeeze %dma_wait3A_1084 : memref<1x128xi32, #tpu.memory_space<hbm>> -> memref<128xi32, #tpu.memory_space<hbm>>
      tpu.wait_dma2 semaphore(%arg22 : memref<!tpu.dma_semaphore, #tpu.memory_space<semaphore_mem>>) src(%dma_wait3A_1085 : memref<128xi32, #tpu.memory_space<hbm>>) dst(%arg8 : memref<128xi32, #tpu.memory_space<vmem>>)
      %dma_start3A_1086 = arith.constant 0 : i32
      %dma_start3A_1087 = arith.constant 0 : i32
      %dma_start3A_1088 = tpu.memref_slice %arg2[%dma_start3A_1086, %dma_start3A_1087] : memref<10000x128xf32, #tpu.memory_space<hbm>> -> memref<10000x128xf32, #tpu.memory_space<hbm>>
      tpu.enqueue_indirect_dma source(%dma_start3A_1088 : memref<10000x128xf32, #tpu.memory_space<hbm>>) target(%arg16 : memref<128x128xf32, #tpu.memory_space<vmem>>) offsets(%arg8 : memref<128xi32, #tpu.memory_space<vmem>>) semaphore(%arg18 : memref<!tpu.dma_semaphore, #tpu.memory_space<semaphore_mem>>)
      %scan3A_1089 = arith.constant 0 : i32
      scf.yield %scan3A_1089 : i32
    }
    %scan3A_387 = arith.constant 19 : i32
    %dma_wait3A_388 = arith.constant 0 : i32
    %dma_wait3A_389 = arith.constant 0 : i32
    %dma_wait3A_390 = tpu.memref_slice %arg2[%dma_wait3A_388, %dma_wait3A_389] : memref<10000x128xf32, #tpu.memory_space<hbm>> -> memref<10000x128xf32, #tpu.memory_space<hbm>>
    tpu.wait_indirect_dma semaphore(%arg17 : memref<!tpu.dma_semaphore, #tpu.memory_space<semaphore_mem>>) src(%dma_wait3A_390 : memref<10000x128xf32, #tpu.memory_space<hbm>>) dst(%arg15 : memref<128x128xf32, #tpu.memory_space<vmem>>)
    %dma_start3A_391 = arith.constant 0 : i32
    %dma_start3A_392 = arith.constant 0 : i32
    %dma_start3A_393 = tpu.memref_slice %arg6[%dma_start3A_391, %dma_start3A_392] : memref<10000x128xf32, #tpu.memory_space<vmem_shared>> -> memref<10000x128xf32, #tpu.memory_space<vmem_shared>>
    tpu.enqueue_indirect_dma source(%arg15 : memref<128x128xf32, #tpu.memory_space<vmem>>) target(%dma_start3A_393 : memref<10000x128xf32, #tpu.memory_space<vmem_shared>>) offsets(%arg11 : memref<128xi32, #tpu.memory_space<vmem>>) semaphore(%arg19 : memref<!tpu.dma_semaphore, #tpu.memory_space<semaphore_mem>>) {add = true}
    %dma_wait3A_394 = arith.constant 0 : i32
    %dma_wait3A_395 = arith.constant 0 : i32
    %dma_wait3A_396 = tpu.memref_slice %arg2[%dma_wait3A_394, %dma_wait3A_395] : memref<10000x128xf32, #tpu.memory_space<hbm>> -> memref<10000x128xf32, #tpu.memory_space<hbm>>
    tpu.wait_indirect_dma semaphore(%arg18 : memref<!tpu.dma_semaphore, #tpu.memory_space<semaphore_mem>>) src(%dma_wait3A_396 : memref<10000x128xf32, #tpu.memory_space<hbm>>) dst(%arg16 : memref<128x128xf32, #tpu.memory_space<vmem>>)
    %dma_start3A_397 = arith.constant 0 : i32
    %dma_start3A_398 = arith.constant 0 : i32
    %dma_start3A_399 = tpu.memref_slice %arg6[%dma_start3A_397, %dma_start3A_398] : memref<10000x128xf32, #tpu.memory_space<vmem_shared>> -> memref<10000x128xf32, #tpu.memory_space<vmem_shared>>
    tpu.enqueue_indirect_dma source(%arg16 : memref<128x128xf32, #tpu.memory_space<vmem>>) target(%dma_start3A_399 : memref<10000x128xf32, #tpu.memory_space<vmem_shared>>) offsets(%arg12 : memref<128xi32, #tpu.memory_space<vmem>>) semaphore(%arg20 : memref<!tpu.dma_semaphore, #tpu.memory_space<semaphore_mem>>) {add = true}
    %dma_wait3A_400 = arith.constant 0 : i32
    %dma_wait3A_401 = arith.constant 0 : i32
    %dma_wait3A_402 = tpu.memref_slice %arg6[%dma_wait3A_400, %dma_wait3A_401] : memref<10000x128xf32, #tpu.memory_space<vmem_shared>> -> memref<10000x128xf32, #tpu.memory_space<vmem_shared>>
    tpu.wait_indirect_dma semaphore(%arg19 : memref<!tpu.dma_semaphore, #tpu.memory_space<semaphore_mem>>) src(%arg15 : memref<128x128xf32, #tpu.memory_space<vmem>>) dst(%dma_wait3A_402 : memref<10000x128xf32, #tpu.memory_space<vmem_shared>>)
    %dma_wait3A_403 = arith.constant 0 : i32
    %dma_wait3A_404 = arith.constant 0 : i32
    %dma_wait3A_405 = tpu.memref_slice %arg6[%dma_wait3A_403, %dma_wait3A_404] : memref<10000x128xf32, #tpu.memory_space<vmem_shared>> -> memref<10000x128xf32, #tpu.memory_space<vmem_shared>>
    tpu.wait_indirect_dma semaphore(%arg20 : memref<!tpu.dma_semaphore, #tpu.memory_space<semaphore_mem>>) src(%arg16 : memref<128x128xf32, #tpu.memory_space<vmem>>) dst(%dma_wait3A_405 : memref<10000x128xf32, #tpu.memory_space<vmem_shared>>)
    %lt3A = arith.constant 4 : i32
    %lt3A_406 = arith.cmpi slt, %add3A, %lt3A : i32
    %convert_element_type3A_407 = arith.extui %lt3A_406 : i1 to i32
    %cond3A_408 = arith.constant 0 : i32
    %cond3A_409 = arith.cmpi ne, %convert_element_type3A_407, %cond3A_408 : i32
    scf.if %cond3A_409 {
      %dma_wait3A_865 = arith.constant 1 : i32
      %dma_wait3A_866 = arith.constant 0 : i32
      %dma_wait3A_867 = tpu.memref_slice %arg3[%dma_wait3A_865, %dma_wait3A_866] : memref<2x320000xi32, #tpu.memory_space<hbm>> -> memref<1x128xi32, #tpu.memory_space<hbm>>
      %dma_wait3A_868 = tpu.memref_squeeze %dma_wait3A_867 : memref<1x128xi32, #tpu.memory_space<hbm>> -> memref<128xi32, #tpu.memory_space<hbm>>
      %dma_wait3A_869 = arith.constant 0 : i32
      %dma_wait3A_870 = tpu.memref_slice %arg3[%dma_wait3A_865, %dma_wait3A_869] : memref<2x320000xi32, #tpu.memory_space<hbm>> -> memref<1x128xi32, #tpu.memory_space<hbm>>
      %dma_wait3A_871 = tpu.memref_squeeze %dma_wait3A_870 : memref<1x128xi32, #tpu.memory_space<hbm>> -> memref<128xi32, #tpu.memory_space<hbm>>
      tpu.wait_dma2 semaphore(%arg23 : memref<!tpu.dma_semaphore, #tpu.memory_space<semaphore_mem>>) src(%dma_wait3A_871 : memref<128xi32, #tpu.memory_space<hbm>>) dst(%arg13 : memref<128xi32, #tpu.memory_space<vmem>>)
      %dma_wait3A_872 = arith.constant 0 : i32
      %dma_wait3A_873 = arith.constant 0 : i32
      %dma_wait3A_874 = tpu.memref_slice %arg3[%dma_wait3A_872, %dma_wait3A_873] : memref<2x320000xi32, #tpu.memory_space<hbm>> -> memref<1x128xi32, #tpu.memory_space<hbm>>
      %dma_wait3A_875 = tpu.memref_squeeze %dma_wait3A_874 : memref<1x128xi32, #tpu.memory_space<hbm>> -> memref<128xi32, #tpu.memory_space<hbm>>
      %dma_wait3A_876 = arith.constant 0 : i32
      %dma_wait3A_877 = tpu.memref_slice %arg3[%dma_wait3A_872, %dma_wait3A_876] : memref<2x320000xi32, #tpu.memory_space<hbm>> -> memref<1x128xi32, #tpu.memory_space<hbm>>
      %dma_wait3A_878 = tpu.memref_squeeze %dma_wait3A_877 : memref<1x128xi32, #tpu.memory_space<hbm>> -> memref<128xi32, #tpu.memory_space<hbm>>
      tpu.wait_dma2 semaphore(%arg23 : memref<!tpu.dma_semaphore, #tpu.memory_space<semaphore_mem>>) src(%dma_wait3A_878 : memref<128xi32, #tpu.memory_space<hbm>>) dst(%arg9 : memref<128xi32, #tpu.memory_space<vmem>>)
      %dma_start3A_879 = arith.constant 0 : i32
      %dma_start3A_880 = arith.constant 0 : i32
      %dma_start3A_881 = tpu.memref_slice %arg2[%dma_start3A_879, %dma_start3A_880] : memref<10000x128xf32, #tpu.memory_space<hbm>> -> memref<10000x128xf32, #tpu.memory_space<hbm>>
      tpu.enqueue_indirect_dma source(%dma_start3A_881 : memref<10000x128xf32, #tpu.memory_space<hbm>>) target(%arg15 : memref<128x128xf32, #tpu.memory_space<vmem>>) offsets(%arg9 : memref<128xi32, #tpu.memory_space<vmem>>) semaphore(%arg17 : memref<!tpu.dma_semaphore, #tpu.memory_space<semaphore_mem>>)
      %dma_wait3A_882 = arith.constant 0 : i32
      %dma_wait3A_883 = arith.constant 0 : i32
      %dma_wait3A_884 = tpu.memref_slice %arg2[%dma_wait3A_882, %dma_wait3A_883] : memref<10000x128xf32, #tpu.memory_space<hbm>> -> memref<10000x128xf32, #tpu.memory_space<hbm>>
      tpu.wait_indirect_dma semaphore(%arg17 : memref<!tpu.dma_semaphore, #tpu.memory_space<semaphore_mem>>) src(%dma_wait3A_884 : memref<10000x128xf32, #tpu.memory_space<hbm>>) dst(%arg15 : memref<128x128xf32, #tpu.memory_space<vmem>>)
      %dma_start3A_885 = arith.constant 0 : i32
      %dma_start3A_886 = arith.constant 0 : i32
      %dma_start3A_887 = tpu.memref_slice %arg6[%dma_start3A_885, %dma_start3A_886] : memref<10000x128xf32, #tpu.memory_space<vmem_shared>> -> memref<10000x128xf32, #tpu.memory_space<vmem_shared>>
      tpu.enqueue_indirect_dma source(%arg15 : memref<128x128xf32, #tpu.memory_space<vmem>>) target(%dma_start3A_887 : memref<10000x128xf32, #tpu.memory_space<vmem_shared>>) offsets(%arg13 : memref<128xi32, #tpu.memory_space<vmem>>) semaphore(%arg19 : memref<!tpu.dma_semaphore, #tpu.memory_space<semaphore_mem>>) {add = true}
      %dma_wait3A_888 = arith.constant 0 : i32
      %dma_wait3A_889 = arith.constant 0 : i32
      %dma_wait3A_890 = tpu.memref_slice %arg6[%dma_wait3A_888, %dma_wait3A_889] : memref<10000x128xf32, #tpu.memory_space<vmem_shared>> -> memref<10000x128xf32, #tpu.memory_space<vmem_shared>>
      tpu.wait_indirect_dma semaphore(%arg19 : memref<!tpu.dma_semaphore, #tpu.memory_space<semaphore_mem>>) src(%arg15 : memref<128x128xf32, #tpu.memory_space<vmem>>) dst(%dma_wait3A_890 : memref<10000x128xf32, #tpu.memory_space<vmem_shared>>)
    } else {
    }
    %ge3A = arith.constant 4 : i32
    %ge3A_410 = arith.cmpi sge, %add3A, %ge3A : i32
    %convert_element_type3A_411 = arith.extui %ge3A_410 : i1 to i32
    %cond3A_412 = arith.constant 0 : i32
    %cond3A_413 = arith.cmpi ne, %convert_element_type3A_411, %cond3A_412 : i32
    scf.if %cond3A_413 {
      %dma_wait3A_865 = arith.constant 1 : i32
      %dma_wait3A_866 = arith.constant 0 : i32
      %dma_wait3A_867 = tpu.memref_slice %arg3[%dma_wait3A_865, %dma_wait3A_866] : memref<2x320000xi32, #tpu.memory_space<hbm>> -> memref<1x128xi32, #tpu.memory_space<hbm>>
      %dma_wait3A_868 = tpu.memref_squeeze %dma_wait3A_867 : memref<1x128xi32, #tpu.memory_space<hbm>> -> memref<128xi32, #tpu.memory_space<hbm>>
      %dma_wait3A_869 = arith.constant 0 : i32
      %dma_wait3A_870 = tpu.memref_slice %arg3[%dma_wait3A_865, %dma_wait3A_869] : memref<2x320000xi32, #tpu.memory_space<hbm>> -> memref<1x128xi32, #tpu.memory_space<hbm>>
      %dma_wait3A_871 = tpu.memref_squeeze %dma_wait3A_870 : memref<1x128xi32, #tpu.memory_space<hbm>> -> memref<128xi32, #tpu.memory_space<hbm>>
      tpu.wait_dma2 semaphore(%arg23 : memref<!tpu.dma_semaphore, #tpu.memory_space<semaphore_mem>>) src(%dma_wait3A_871 : memref<128xi32, #tpu.memory_space<hbm>>) dst(%arg13 : memref<128xi32, #tpu.memory_space<vmem>>)
      %dma_wait3A_872 = arith.constant 0 : i32
      %dma_wait3A_873 = arith.constant 0 : i32
      %dma_wait3A_874 = tpu.memref_slice %arg3[%dma_wait3A_872, %dma_wait3A_873] : memref<2x320000xi32, #tpu.memory_space<hbm>> -> memref<1x128xi32, #tpu.memory_space<hbm>>
      %dma_wait3A_875 = tpu.memref_squeeze %dma_wait3A_874 : memref<1x128xi32, #tpu.memory_space<hbm>> -> memref<128xi32, #tpu.memory_space<hbm>>
      %dma_wait3A_876 = arith.constant 0 : i32
      %dma_wait3A_877 = tpu.memref_slice %arg3[%dma_wait3A_872, %dma_wait3A_876] : memref<2x320000xi32, #tpu.memory_space<hbm>> -> memref<1x128xi32, #tpu.memory_space<hbm>>
      %dma_wait3A_878 = tpu.memref_squeeze %dma_wait3A_877 : memref<1x128xi32, #tpu.memory_space<hbm>> -> memref<128xi32, #tpu.memory_space<hbm>>
      tpu.wait_dma2 semaphore(%arg23 : memref<!tpu.dma_semaphore, #tpu.memory_space<semaphore_mem>>) src(%dma_wait3A_878 : memref<128xi32, #tpu.memory_space<hbm>>) dst(%arg9 : memref<128xi32, #tpu.memory_space<vmem>>)
    } else {
    }
    %dma_wait3A_414 = arith.constant 1 : i32
    %dma_wait3A_415 = arith.constant 0 : i32
    %dma_wait3A_416 = tpu.memref_slice %arg3[%dma_wait3A_414, %dma_wait3A_415] : memref<2x320000xi32, #tpu.memory_space<hbm>> -> memref<1x128xi32, #tpu.memory_space<hbm>>
    %dma_wait3A_417 = tpu.memref_squeeze %dma_wait3A_416 : memref<1x128xi32, #tpu.memory_space<hbm>> -> memref<128xi32, #tpu.memory_space<hbm>>
    %dma_wait3A_418 = arith.constant 0 : i32
    %dma_wait3A_419 = tpu.memref_slice %arg3[%dma_wait3A_414, %dma_wait3A_418] : memref<2x320000xi32, #tpu.memory_space<hbm>> -> memref<1x128xi32, #tpu.memory_space<hbm>>
    %dma_wait3A_420 = tpu.memref_squeeze %dma_wait3A_419 : memref<1x128xi32, #tpu.memory_space<hbm>> -> memref<128xi32, #tpu.memory_space<hbm>>
    tpu.wait_dma2 semaphore(%arg24 : memref<!tpu.dma_semaphore, #tpu.memory_space<semaphore_mem>>) src(%dma_wait3A_420 : memref<128xi32, #tpu.memory_space<hbm>>) dst(%arg14 : memref<128xi32, #tpu.memory_space<vmem>>)
    %dma_wait3A_421 = arith.constant 0 : i32
    %dma_wait3A_422 = arith.constant 0 : i32
    %dma_wait3A_423 = tpu.memref_slice %arg3[%dma_wait3A_421, %dma_wait3A_422] : memref<2x320000xi32, #tpu.memory_space<hbm>> -> memref<1x128xi32, #tpu.memory_space<hbm>>
    %dma_wait3A_424 = tpu.memref_squeeze %dma_wait3A_423 : memref<1x128xi32, #tpu.memory_space<hbm>> -> memref<128xi32, #tpu.memory_space<hbm>>
    %dma_wait3A_425 = arith.constant 0 : i32
    %dma_wait3A_426 = tpu.memref_slice %arg3[%dma_wait3A_421, %dma_wait3A_425] : memref<2x320000xi32, #tpu.memory_space<hbm>> -> memref<1x128xi32, #tpu.memory_space<hbm>>
    %dma_wait3A_427 = tpu.memref_squeeze %dma_wait3A_426 : memref<1x128xi32, #tpu.memory_space<hbm>> -> memref<128xi32, #tpu.memory_space<hbm>>
    tpu.wait_dma2 semaphore(%arg24 : memref<!tpu.dma_semaphore, #tpu.memory_space<semaphore_mem>>) src(%dma_wait3A_427 : memref<128xi32, #tpu.memory_space<hbm>>) dst(%arg10 : memref<128xi32, #tpu.memory_space<vmem>>)
    %barrier3A_428 = arith.constant 0 : index
    tpu.barrier barrier_id(%barrier3A_428)
    %dma_start3A_429 = arith.constant 0 : i32
    %dma_start3A_430 = tpu.memref_slice %arg4[%arg0, %mul3A_2, %dma_start3A_429] : memref<2x10000x128xf32, #tpu.memory_space<hbm>> -> memref<1x624x128xf32, #tpu.memory_space<hbm>>
    %dma_start3A_431 = tpu.memref_squeeze %dma_start3A_430 : memref<1x624x128xf32, #tpu.memory_space<hbm>> -> memref<624x128xf32, #tpu.memory_space<hbm>>
    %dma_start3A_432 = arith.constant 0 : i32
    %dma_start3A_433 = tpu.memref_slice %arg6[%mul3A_2, %dma_start3A_432] : memref<10000x128xf32, #tpu.memory_space<vmem_shared>> -> memref<624x128xf32, #tpu.memory_space<vmem_shared>>
    tpu.enqueue_dma source(%dma_start3A_433 : memref<624x128xf32, #tpu.memory_space<vmem_shared>>) target(%dma_start3A_431 : memref<624x128xf32, #tpu.memory_space<hbm>>) target_semaphore(%arg25 : memref<!tpu.dma_semaphore, #tpu.memory_space<semaphore_mem>>)
    %eq3A_434 = arith.constant 15 : i32
    %eq3A_435 = arith.cmpi eq, %arg1, %eq3A_434 : i32
    %convert_element_type3A_436 = arith.extui %eq3A_435 : i1 to i32
    %cond3A_437 = arith.constant 0 : i32
    %cond3A_438 = arith.cmpi ne, %convert_element_type3A_436, %cond3A_437 : i32
    scf.if %cond3A_438 {
      "tpu.region"() ({
        %run_scoped3A_865 = tpu.sem_alloc : memref<!tpu.dma_semaphore, #tpu.memory_space<semaphore_mem>>
        %dma_start3A_866 = arith.constant 9984 : i32
        %dma_start3A_867 = arith.constant 0 : i32
        %dma_start3A_868 = tpu.memref_slice %arg4[%arg0, %dma_start3A_866, %dma_start3A_867] : memref<2x10000x128xf32, #tpu.memory_space<hbm>> -> memref<1x16x128xf32, #tpu.memory_space<hbm>>
        %dma_start3A_869 = tpu.memref_squeeze %dma_start3A_868 : memref<1x16x128xf32, #tpu.memory_space<hbm>> -> memref<16x128xf32, #tpu.memory_space<hbm>>
        %dma_start3A_870 = arith.constant 9984 : i32
        %dma_start3A_871 = arith.constant 0 : i32
        %dma_start3A_872 = tpu.memref_slice %arg6[%dma_start3A_870, %dma_start3A_871] : memref<10000x128xf32, #tpu.memory_space<vmem_shared>> -> memref<16x128xf32, #tpu.memory_space<vmem_shared>>
        tpu.enqueue_dma source(%dma_start3A_872 : memref<16x128xf32, #tpu.memory_space<vmem_shared>>) target(%dma_start3A_869 : memref<16x128xf32, #tpu.memory_space<hbm>>) target_semaphore(%run_scoped3A_865 : memref<!tpu.dma_semaphore, #tpu.memory_space<semaphore_mem>>)
        %dma_wait3A_873 = arith.constant 9984 : i32
        %dma_wait3A_874 = arith.constant 0 : i32
        %dma_wait3A_875 = tpu.memref_slice %arg4[%arg0, %dma_wait3A_873, %dma_wait3A_874] : memref<2x10000x128xf32, #tpu.memory_space<hbm>> -> memref<1x16x128xf32, #tpu.memory_space<hbm>>
        %dma_wait3A_876 = tpu.memref_squeeze %dma_wait3A_875 : memref<1x16x128xf32, #tpu.memory_space<hbm>> -> memref<16x128xf32, #tpu.memory_space<hbm>>
        %dma_wait3A_877 = arith.constant 9984 : i32
        %dma_wait3A_878 = arith.constant 0 : i32
        %dma_wait3A_879 = tpu.memref_slice %arg6[%dma_wait3A_877, %dma_wait3A_878] : memref<10000x128xf32, #tpu.memory_space<vmem_shared>> -> memref<16x128xf32, #tpu.memory_space<vmem_shared>>
        tpu.wait_dma2 semaphore(%run_scoped3A_865 : memref<!tpu.dma_semaphore, #tpu.memory_space<semaphore_mem>>) src(%dma_wait3A_879 : memref<16x128xf32, #tpu.memory_space<vmem_shared>>) dst(%dma_wait3A_876 : memref<16x128xf32, #tpu.memory_space<hbm>>)
        tpu.yield
      }) : () -> ()
    } else {
    }
    %dma_wait3A_439 = arith.constant 0 : i32
    %dma_wait3A_440 = tpu.memref_slice %arg4[%arg0, %mul3A_2, %dma_wait3A_439] : memref<2x10000x128xf32, #tpu.memory_space<hbm>> -> memref<1x624x128xf32, #tpu.memory_space<hbm>>
    %dma_wait3A_441 = tpu.memref_squeeze %dma_wait3A_440 : memref<1x624x128xf32, #tpu.memory_space<hbm>> -> memref<624x128xf32, #tpu.memory_space<hbm>>
    %dma_wait3A_442 = arith.constant 0 : i32
    %dma_wait3A_443 = tpu.memref_slice %arg6[%mul3A_2, %dma_wait3A_442] : memref<10000x128xf32, #tpu.memory_space<vmem_shared>> -> memref<624x128xf32, #tpu.memory_space<vmem_shared>>
    tpu.wait_dma2 semaphore(%arg25 : memref<!tpu.dma_semaphore, #tpu.memory_space<semaphore_mem>>) src(%dma_wait3A_443 : memref<624x128xf32, #tpu.memory_space<vmem_shared>>) dst(%dma_wait3A_441 : memref<624x128xf32, #tpu.memory_space<hbm>>)
    %barrier3A_444 = arith.constant 0 : index
    tpu.barrier barrier_id(%barrier3A_444)
    %scan3A_445 = arith.constant 0 : i32
    %scan3A_446 = arith.constant 0 : i32
    %scan3A_447 = arith.constant 48 : i32
    %scan3A_448 = arith.addi %scan3A_446, %scan3A_447 : i32
    %scan3A_449 = arith.constant 1 : i32
    %scan3A_450 = scf.for %scan3A_865 = %scan3A_446 to %scan3A_448 step %scan3A_449 iter_args(%scan3A_866 = %scan3A_445) -> (i32)  : i32 {
      %swap3A = arith.index_cast %scan3A_865 : i32 to index
      %swap3A_867 = arith.constant 0 : index
      %swap3A_868 = tpu.vector_load %arg15[%swap3A, %swap3A_867] {strides = array<i32>} : memref<128x128xf32, #tpu.memory_space<vmem>>, vector<1x16xf32>,
      %swap3A_869 = vector.shape_cast %swap3A_868 : vector<1x16xf32> to vector<16xf32>
      %swap3A_870 = vector.shape_cast %broadcast_in_dim3A_3 : vector<16xf32> to vector<1x16xf32>
      tpu.vector_store %arg15[%swap3A, %swap3A_867], %swap3A_870 {strides = array<i32>} : memref<128x128xf32, #tpu.memory_space<vmem>>, vector<1x16xf32>,
      %swap3A_871 = arith.index_cast %scan3A_865 : i32 to index
      %swap3A_872 = arith.constant 16 : index
      %swap3A_873 = tpu.vector_load %arg15[%swap3A_871, %swap3A_872] {strides = array<i32>} : memref<128x128xf32, #tpu.memory_space<vmem>>, vector<1x16xf32>,
      %swap3A_874 = vector.shape_cast %swap3A_873 : vector<1x16xf32> to vector<16xf32>
      %swap3A_875 = vector.shape_cast %broadcast_in_dim3A_3 : vector<16xf32> to vector<1x16xf32>
      tpu.vector_store %arg15[%swap3A_871, %swap3A_872], %swap3A_875 {strides = array<i32>} : memref<128x128xf32, #tpu.memory_space<vmem>>, vector<1x16xf32>,
      %swap3A_876 = arith.index_cast %scan3A_865 : i32 to index
      %swap3A_877 = arith.constant 32 : index
      %swap3A_878 = tpu.vector_load %arg15[%swap3A_876, %swap3A_877] {strides = array<i32>} : memref<128x128xf32, #tpu.memory_space<vmem>>, vector<1x16xf32>,
      %swap3A_879 = vector.shape_cast %swap3A_878 : vector<1x16xf32> to vector<16xf32>
      %swap3A_880 = vector.shape_cast %broadcast_in_dim3A_3 : vector<16xf32> to vector<1x16xf32>
      tpu.vector_store %arg15[%swap3A_876, %swap3A_877], %swap3A_880 {strides = array<i32>} : memref<128x128xf32, #tpu.memory_space<vmem>>, vector<1x16xf32>,
      %swap3A_881 = arith.index_cast %scan3A_865 : i32 to index
      %swap3A_882 = arith.constant 48 : index
      %swap3A_883 = tpu.vector_load %arg15[%swap3A_881, %swap3A_882] {strides = array<i32>} : memref<128x128xf32, #tpu.memory_space<vmem>>, vector<1x16xf32>,
      %swap3A_884 = vector.shape_cast %swap3A_883 : vector<1x16xf32> to vector<16xf32>
      %swap3A_885 = vector.shape_cast %broadcast_in_dim3A_3 : vector<16xf32> to vector<1x16xf32>
      tpu.vector_store %arg15[%swap3A_881, %swap3A_882], %swap3A_885 {strides = array<i32>} : memref<128x128xf32, #tpu.memory_space<vmem>>, vector<1x16xf32>,
      %swap3A_886 = arith.index_cast %scan3A_865 : i32 to index
      %swap3A_887 = arith.constant 64 : index
      %swap3A_888 = tpu.vector_load %arg15[%swap3A_886, %swap3A_887] {strides = array<i32>} : memref<128x128xf32, #tpu.memory_space<vmem>>, vector<1x16xf32>,
      %swap3A_889 = vector.shape_cast %swap3A_888 : vector<1x16xf32> to vector<16xf32>
      %swap3A_890 = vector.shape_cast %broadcast_in_dim3A_3 : vector<16xf32> to vector<1x16xf32>
      tpu.vector_store %arg15[%swap3A_886, %swap3A_887], %swap3A_890 {strides = array<i32>} : memref<128x128xf32, #tpu.memory_space<vmem>>, vector<1x16xf32>,
      %swap3A_891 = arith.index_cast %scan3A_865 : i32 to index
      %swap3A_892 = arith.constant 80 : index
      %swap3A_893 = tpu.vector_load %arg15[%swap3A_891, %swap3A_892] {strides = array<i32>} : memref<128x128xf32, #tpu.memory_space<vmem>>, vector<1x16xf32>,
      %swap3A_894 = vector.shape_cast %swap3A_893 : vector<1x16xf32> to vector<16xf32>
      %swap3A_895 = vector.shape_cast %broadcast_in_dim3A_3 : vector<16xf32> to vector<1x16xf32>
      tpu.vector_store %arg15[%swap3A_891, %swap3A_892], %swap3A_895 {strides = array<i32>} : memref<128x128xf32, #tpu.memory_space<vmem>>, vector<1x16xf32>,
      %swap3A_896 = arith.index_cast %scan3A_865 : i32 to index
      %swap3A_897 = arith.constant 96 : index
      %swap3A_898 = tpu.vector_load %arg15[%swap3A_896, %swap3A_897] {strides = array<i32>} : memref<128x128xf32, #tpu.memory_space<vmem>>, vector<1x16xf32>,
      %swap3A_899 = vector.shape_cast %swap3A_898 : vector<1x16xf32> to vector<16xf32>
      %swap3A_900 = vector.shape_cast %broadcast_in_dim3A_3 : vector<16xf32> to vector<1x16xf32>
      tpu.vector_store %arg15[%swap3A_896, %swap3A_897], %swap3A_900 {strides = array<i32>} : memref<128x128xf32, #tpu.memory_space<vmem>>, vector<1x16xf32>,
      %swap3A_901 = arith.index_cast %scan3A_865 : i32 to index
      %swap3A_902 = arith.constant 112 : index
      %swap3A_903 = tpu.vector_load %arg15[%swap3A_901, %swap3A_902] {strides = array<i32>} : memref<128x128xf32, #tpu.memory_space<vmem>>, vector<1x16xf32>,
      %swap3A_904 = vector.shape_cast %swap3A_903 : vector<1x16xf32> to vector<16xf32>
      %swap3A_905 = vector.shape_cast %broadcast_in_dim3A_3 : vector<16xf32> to vector<1x16xf32>
      tpu.vector_store %arg15[%swap3A_901, %swap3A_902], %swap3A_905 {strides = array<i32>} : memref<128x128xf32, #tpu.memory_space<vmem>>, vector<1x16xf32>,
      %scan3A_906 = arith.constant 0 : i32
      scf.yield %scan3A_906 : i32
    }
    %scan3A_451 = arith.constant 48 : i32
    %add3A_452 = arith.constant 0 : i32
    %add3A_453 = arith.addi %mul3A_2, %add3A_452 : i32
    %dma_start3A_454 = arith.constant 0 : i32
    %dma_start3A_455 = arith.constant 0 : i32
    %dma_start3A_456 = tpu.memref_slice %arg15[%dma_start3A_454, %dma_start3A_455] : memref<128x128xf32, #tpu.memory_space<vmem>> -> memref<48x128xf32, #tpu.memory_space<vmem>>
    %dma_start3A_457 = arith.constant 0 : i32
    %dma_start3A_458 = tpu.memref_slice %arg6[%add3A_453, %dma_start3A_457] : memref<10000x128xf32, #tpu.memory_space<vmem_shared>> -> memref<48x128xf32, #tpu.memory_space<vmem_shared>>
    %dma_start3A_459 = arith.constant 0 : i32
    %dma_start3A_460 = tpu.memref_slice %arg6[%add3A_453, %dma_start3A_459] : memref<10000x128xf32, #tpu.memory_space<vmem_shared>> -> memref<48x128xf32, #tpu.memory_space<vmem_shared>>
    %dma_start3A_461 = arith.constant 0 : i32
    %dma_start3A_462 = arith.constant 0 : i32
    %dma_start3A_463 = tpu.memref_slice %arg15[%dma_start3A_461, %dma_start3A_462] : memref<128x128xf32, #tpu.memory_space<vmem>> -> memref<48x128xf32, #tpu.memory_space<vmem>>
    tpu.enqueue_dma source(%dma_start3A_463 : memref<48x128xf32, #tpu.memory_space<vmem>>) target(%dma_start3A_460 : memref<48x128xf32, #tpu.memory_space<vmem_shared>>) target_semaphore(%arg25 : memref<!tpu.dma_semaphore, #tpu.memory_space<semaphore_mem>>)
    %add3A_464 = arith.constant 48 : i32
    %add3A_465 = arith.addi %mul3A_2, %add3A_464 : i32
    %dma_start3A_466 = arith.constant 0 : i32
    %dma_start3A_467 = arith.constant 0 : i32
    %dma_start3A_468 = tpu.memref_slice %arg15[%dma_start3A_466, %dma_start3A_467] : memref<128x128xf32, #tpu.memory_space<vmem>> -> memref<48x128xf32, #tpu.memory_space<vmem>>
    %dma_start3A_469 = arith.constant 0 : i32
    %dma_start3A_470 = tpu.memref_slice %arg6[%add3A_465, %dma_start3A_469] : memref<10000x128xf32, #tpu.memory_space<vmem_shared>> -> memref<48x128xf32, #tpu.memory_space<vmem_shared>>
    %dma_start3A_471 = arith.constant 0 : i32
    %dma_start3A_472 = tpu.memref_slice %arg6[%add3A_465, %dma_start3A_471] : memref<10000x128xf32, #tpu.memory_space<vmem_shared>> -> memref<48x128xf32, #tpu.memory_space<vmem_shared>>
    %dma_start3A_473 = arith.constant 0 : i32
    %dma_start3A_474 = arith.constant 0 : i32
    %dma_start3A_475 = tpu.memref_slice %arg15[%dma_start3A_473, %dma_start3A_474] : memref<128x128xf32, #tpu.memory_space<vmem>> -> memref<48x128xf32, #tpu.memory_space<vmem>>
    tpu.enqueue_dma source(%dma_start3A_475 : memref<48x128xf32, #tpu.memory_space<vmem>>) target(%dma_start3A_472 : memref<48x128xf32, #tpu.memory_space<vmem_shared>>) target_semaphore(%arg25 : memref<!tpu.dma_semaphore, #tpu.memory_space<semaphore_mem>>)
    %add3A_476 = arith.constant 96 : i32
    %add3A_477 = arith.addi %mul3A_2, %add3A_476 : i32
    %dma_start3A_478 = arith.constant 0 : i32
    %dma_start3A_479 = arith.constant 0 : i32
    %dma_start3A_480 = tpu.memref_slice %arg15[%dma_start3A_478, %dma_start3A_479] : memref<128x128xf32, #tpu.memory_space<vmem>> -> memref<48x128xf32, #tpu.memory_space<vmem>>
    %dma_start3A_481 = arith.constant 0 : i32
    %dma_start3A_482 = tpu.memref_slice %arg6[%add3A_477, %dma_start3A_481] : memref<10000x128xf32, #tpu.memory_space<vmem_shared>> -> memref<48x128xf32, #tpu.memory_space<vmem_shared>>
    %dma_start3A_483 = arith.constant 0 : i32
    %dma_start3A_484 = tpu.memref_slice %arg6[%add3A_477, %dma_start3A_483] : memref<10000x128xf32, #tpu.memory_space<vmem_shared>> -> memref<48x128xf32, #tpu.memory_space<vmem_shared>>
    %dma_start3A_485 = arith.constant 0 : i32
    %dma_start3A_486 = arith.constant 0 : i32
    %dma_start3A_487 = tpu.memref_slice %arg15[%dma_start3A_485, %dma_start3A_486] : memref<128x128xf32, #tpu.memory_space<vmem>> -> memref<48x128xf32, #tpu.memory_space<vmem>>
    tpu.enqueue_dma source(%dma_start3A_487 : memref<48x128xf32, #tpu.memory_space<vmem>>) target(%dma_start3A_484 : memref<48x128xf32, #tpu.memory_space<vmem_shared>>) target_semaphore(%arg25 : memref<!tpu.dma_semaphore, #tpu.memory_space<semaphore_mem>>)
    %add3A_488 = arith.constant 144 : i32
    %add3A_489 = arith.addi %mul3A_2, %add3A_488 : i32
    %dma_start3A_490 = arith.constant 0 : i32
    %dma_start3A_491 = arith.constant 0 : i32
    %dma_start3A_492 = tpu.memref_slice %arg15[%dma_start3A_490, %dma_start3A_491] : memref<128x128xf32, #tpu.memory_space<vmem>> -> memref<48x128xf32, #tpu.memory_space<vmem>>
    %dma_start3A_493 = arith.constant 0 : i32
    %dma_start3A_494 = tpu.memref_slice %arg6[%add3A_489, %dma_start3A_493] : memref<10000x128xf32, #tpu.memory_space<vmem_shared>> -> memref<48x128xf32, #tpu.memory_space<vmem_shared>>
    %dma_start3A_495 = arith.constant 0 : i32
    %dma_start3A_496 = tpu.memref_slice %arg6[%add3A_489, %dma_start3A_495] : memref<10000x128xf32, #tpu.memory_space<vmem_shared>> -> memref<48x128xf32, #tpu.memory_space<vmem_shared>>
    %dma_start3A_497 = arith.constant 0 : i32
    %dma_start3A_498 = arith.constant 0 : i32
    %dma_start3A_499 = tpu.memref_slice %arg15[%dma_start3A_497, %dma_start3A_498] : memref<128x128xf32, #tpu.memory_space<vmem>> -> memref<48x128xf32, #tpu.memory_space<vmem>>
    tpu.enqueue_dma source(%dma_start3A_499 : memref<48x128xf32, #tpu.memory_space<vmem>>) target(%dma_start3A_496 : memref<48x128xf32, #tpu.memory_space<vmem_shared>>) target_semaphore(%arg25 : memref<!tpu.dma_semaphore, #tpu.memory_space<semaphore_mem>>)
    %add3A_500 = arith.constant 192 : i32
    %add3A_501 = arith.addi %mul3A_2, %add3A_500 : i32
    %dma_start3A_502 = arith.constant 0 : i32
    %dma_start3A_503 = arith.constant 0 : i32
    %dma_start3A_504 = tpu.memref_slice %arg15[%dma_start3A_502, %dma_start3A_503] : memref<128x128xf32, #tpu.memory_space<vmem>> -> memref<48x128xf32, #tpu.memory_space<vmem>>
    %dma_start3A_505 = arith.constant 0 : i32
    %dma_start3A_506 = tpu.memref_slice %arg6[%add3A_501, %dma_start3A_505] : memref<10000x128xf32, #tpu.memory_space<vmem_shared>> -> memref<48x128xf32, #tpu.memory_space<vmem_shared>>
    %dma_start3A_507 = arith.constant 0 : i32
    %dma_start3A_508 = tpu.memref_slice %arg6[%add3A_501, %dma_start3A_507] : memref<10000x128xf32, #tpu.memory_space<vmem_shared>> -> memref<48x128xf32, #tpu.memory_space<vmem_shared>>
    %dma_start3A_509 = arith.constant 0 : i32
    %dma_start3A_510 = arith.constant 0 : i32
    %dma_start3A_511 = tpu.memref_slice %arg15[%dma_start3A_509, %dma_start3A_510] : memref<128x128xf32, #tpu.memory_space<vmem>> -> memref<48x128xf32, #tpu.memory_space<vmem>>
    tpu.enqueue_dma source(%dma_start3A_511 : memref<48x128xf32, #tpu.memory_space<vmem>>) target(%dma_start3A_508 : memref<48x128xf32, #tpu.memory_space<vmem_shared>>) target_semaphore(%arg25 : memref<!tpu.dma_semaphore, #tpu.memory_space<semaphore_mem>>)
    %add3A_512 = arith.constant 240 : i32
    %add3A_513 = arith.addi %mul3A_2, %add3A_512 : i32
    %dma_start3A_514 = arith.constant 0 : i32
    %dma_start3A_515 = arith.constant 0 : i32
    %dma_start3A_516 = tpu.memref_slice %arg15[%dma_start3A_514, %dma_start3A_515] : memref<128x128xf32, #tpu.memory_space<vmem>> -> memref<48x128xf32, #tpu.memory_space<vmem>>
    %dma_start3A_517 = arith.constant 0 : i32
    %dma_start3A_518 = tpu.memref_slice %arg6[%add3A_513, %dma_start3A_517] : memref<10000x128xf32, #tpu.memory_space<vmem_shared>> -> memref<48x128xf32, #tpu.memory_space<vmem_shared>>
    %dma_start3A_519 = arith.constant 0 : i32
    %dma_start3A_520 = tpu.memref_slice %arg6[%add3A_513, %dma_start3A_519] : memref<10000x128xf32, #tpu.memory_space<vmem_shared>> -> memref<48x128xf32, #tpu.memory_space<vmem_shared>>
    %dma_start3A_521 = arith.constant 0 : i32
    %dma_start3A_522 = arith.constant 0 : i32
    %dma_start3A_523 = tpu.memref_slice %arg15[%dma_start3A_521, %dma_start3A_522] : memref<128x128xf32, #tpu.memory_space<vmem>> -> memref<48x128xf32, #tpu.memory_space<vmem>>
    tpu.enqueue_dma source(%dma_start3A_523 : memref<48x128xf32, #tpu.memory_space<vmem>>) target(%dma_start3A_520 : memref<48x128xf32, #tpu.memory_space<vmem_shared>>) target_semaphore(%arg25 : memref<!tpu.dma_semaphore, #tpu.memory_space<semaphore_mem>>)
    %add3A_524 = arith.constant 288 : i32
    %add3A_525 = arith.addi %mul3A_2, %add3A_524 : i32
    %dma_start3A_526 = arith.constant 0 : i32
    %dma_start3A_527 = arith.constant 0 : i32
    %dma_start3A_528 = tpu.memref_slice %arg15[%dma_start3A_526, %dma_start3A_527] : memref<128x128xf32, #tpu.memory_space<vmem>> -> memref<48x128xf32, #tpu.memory_space<vmem>>
    %dma_start3A_529 = arith.constant 0 : i32
    %dma_start3A_530 = tpu.memref_slice %arg6[%add3A_525, %dma_start3A_529] : memref<10000x128xf32, #tpu.memory_space<vmem_shared>> -> memref<48x128xf32, #tpu.memory_space<vmem_shared>>
    %dma_start3A_531 = arith.constant 0 : i32
    %dma_start3A_532 = tpu.memref_slice %arg6[%add3A_525, %dma_start3A_531] : memref<10000x128xf32, #tpu.memory_space<vmem_shared>> -> memref<48x128xf32, #tpu.memory_space<vmem_shared>>
    %dma_start3A_533 = arith.constant 0 : i32
    %dma_start3A_534 = arith.constant 0 : i32
    %dma_start3A_535 = tpu.memref_slice %arg15[%dma_start3A_533, %dma_start3A_534] : memref<128x128xf32, #tpu.memory_space<vmem>> -> memref<48x128xf32, #tpu.memory_space<vmem>>
    tpu.enqueue_dma source(%dma_start3A_535 : memref<48x128xf32, #tpu.memory_space<vmem>>) target(%dma_start3A_532 : memref<48x128xf32, #tpu.memory_space<vmem_shared>>) target_semaphore(%arg25 : memref<!tpu.dma_semaphore, #tpu.memory_space<semaphore_mem>>)
    %add3A_536 = arith.constant 336 : i32
    %add3A_537 = arith.addi %mul3A_2, %add3A_536 : i32
    %dma_start3A_538 = arith.constant 0 : i32
    %dma_start3A_539 = arith.constant 0 : i32
    %dma_start3A_540 = tpu.memref_slice %arg15[%dma_start3A_538, %dma_start3A_539] : memref<128x128xf32, #tpu.memory_space<vmem>> -> memref<48x128xf32, #tpu.memory_space<vmem>>
    %dma_start3A_541 = arith.constant 0 : i32
    %dma_start3A_542 = tpu.memref_slice %arg6[%add3A_537, %dma_start3A_541] : memref<10000x128xf32, #tpu.memory_space<vmem_shared>> -> memref<48x128xf32, #tpu.memory_space<vmem_shared>>
    %dma_start3A_543 = arith.constant 0 : i32
    %dma_start3A_544 = tpu.memref_slice %arg6[%add3A_537, %dma_start3A_543] : memref<10000x128xf32, #tpu.memory_space<vmem_shared>> -> memref<48x128xf32, #tpu.memory_space<vmem_shared>>
    %dma_start3A_545 = arith.constant 0 : i32
    %dma_start3A_546 = arith.constant 0 : i32
    %dma_start3A_547 = tpu.memref_slice %arg15[%dma_start3A_545, %dma_start3A_546] : memref<128x128xf32, #tpu.memory_space<vmem>> -> memref<48x128xf32, #tpu.memory_space<vmem>>
    tpu.enqueue_dma source(%dma_start3A_547 : memref<48x128xf32, #tpu.memory_space<vmem>>) target(%dma_start3A_544 : memref<48x128xf32, #tpu.memory_space<vmem_shared>>) target_semaphore(%arg25 : memref<!tpu.dma_semaphore, #tpu.memory_space<semaphore_mem>>)
    %add3A_548 = arith.constant 384 : i32
    %add3A_549 = arith.addi %mul3A_2, %add3A_548 : i32
    %dma_start3A_550 = arith.constant 0 : i32
    %dma_start3A_551 = arith.constant 0 : i32
    %dma_start3A_552 = tpu.memref_slice %arg15[%dma_start3A_550, %dma_start3A_551] : memref<128x128xf32, #tpu.memory_space<vmem>> -> memref<48x128xf32, #tpu.memory_space<vmem>>
    %dma_start3A_553 = arith.constant 0 : i32
    %dma_start3A_554 = tpu.memref_slice %arg6[%add3A_549, %dma_start3A_553] : memref<10000x128xf32, #tpu.memory_space<vmem_shared>> -> memref<48x128xf32, #tpu.memory_space<vmem_shared>>
    %dma_start3A_555 = arith.constant 0 : i32
    %dma_start3A_556 = tpu.memref_slice %arg6[%add3A_549, %dma_start3A_555] : memref<10000x128xf32, #tpu.memory_space<vmem_shared>> -> memref<48x128xf32, #tpu.memory_space<vmem_shared>>
    %dma_start3A_557 = arith.constant 0 : i32
    %dma_start3A_558 = arith.constant 0 : i32
    %dma_start3A_559 = tpu.memref_slice %arg15[%dma_start3A_557, %dma_start3A_558] : memref<128x128xf32, #tpu.memory_space<vmem>> -> memref<48x128xf32, #tpu.memory_space<vmem>>
    tpu.enqueue_dma source(%dma_start3A_559 : memref<48x128xf32, #tpu.memory_space<vmem>>) target(%dma_start3A_556 : memref<48x128xf32, #tpu.memory_space<vmem_shared>>) target_semaphore(%arg25 : memref<!tpu.dma_semaphore, #tpu.memory_space<semaphore_mem>>)
    %add3A_560 = arith.constant 432 : i32
    %add3A_561 = arith.addi %mul3A_2, %add3A_560 : i32
    %dma_start3A_562 = arith.constant 0 : i32
    %dma_start3A_563 = arith.constant 0 : i32
    %dma_start3A_564 = tpu.memref_slice %arg15[%dma_start3A_562, %dma_start3A_563] : memref<128x128xf32, #tpu.memory_space<vmem>> -> memref<48x128xf32, #tpu.memory_space<vmem>>
    %dma_start3A_565 = arith.constant 0 : i32
    %dma_start3A_566 = tpu.memref_slice %arg6[%add3A_561, %dma_start3A_565] : memref<10000x128xf32, #tpu.memory_space<vmem_shared>> -> memref<48x128xf32, #tpu.memory_space<vmem_shared>>
    %dma_start3A_567 = arith.constant 0 : i32
    %dma_start3A_568 = tpu.memref_slice %arg6[%add3A_561, %dma_start3A_567] : memref<10000x128xf32, #tpu.memory_space<vmem_shared>> -> memref<48x128xf32, #tpu.memory_space<vmem_shared>>
    %dma_start3A_569 = arith.constant 0 : i32
    %dma_start3A_570 = arith.constant 0 : i32
    %dma_start3A_571 = tpu.memref_slice %arg15[%dma_start3A_569, %dma_start3A_570] : memref<128x128xf32, #tpu.memory_space<vmem>> -> memref<48x128xf32, #tpu.memory_space<vmem>>
    tpu.enqueue_dma source(%dma_start3A_571 : memref<48x128xf32, #tpu.memory_space<vmem>>) target(%dma_start3A_568 : memref<48x128xf32, #tpu.memory_space<vmem_shared>>) target_semaphore(%arg25 : memref<!tpu.dma_semaphore, #tpu.memory_space<semaphore_mem>>)
    %add3A_572 = arith.constant 480 : i32
    %add3A_573 = arith.addi %mul3A_2, %add3A_572 : i32
    %dma_start3A_574 = arith.constant 0 : i32
    %dma_start3A_575 = arith.constant 0 : i32
    %dma_start3A_576 = tpu.memref_slice %arg15[%dma_start3A_574, %dma_start3A_575] : memref<128x128xf32, #tpu.memory_space<vmem>> -> memref<48x128xf32, #tpu.memory_space<vmem>>
    %dma_start3A_577 = arith.constant 0 : i32
    %dma_start3A_578 = tpu.memref_slice %arg6[%add3A_573, %dma_start3A_577] : memref<10000x128xf32, #tpu.memory_space<vmem_shared>> -> memref<48x128xf32, #tpu.memory_space<vmem_shared>>
    %dma_start3A_579 = arith.constant 0 : i32
    %dma_start3A_580 = tpu.memref_slice %arg6[%add3A_573, %dma_start3A_579] : memref<10000x128xf32, #tpu.memory_space<vmem_shared>> -> memref<48x128xf32, #tpu.memory_space<vmem_shared>>
    %dma_start3A_581 = arith.constant 0 : i32
    %dma_start3A_582 = arith.constant 0 : i32
    %dma_start3A_583 = tpu.memref_slice %arg15[%dma_start3A_581, %dma_start3A_582] : memref<128x128xf32, #tpu.memory_space<vmem>> -> memref<48x128xf32, #tpu.memory_space<vmem>>
    tpu.enqueue_dma source(%dma_start3A_583 : memref<48x128xf32, #tpu.memory_space<vmem>>) target(%dma_start3A_580 : memref<48x128xf32, #tpu.memory_space<vmem_shared>>) target_semaphore(%arg25 : memref<!tpu.dma_semaphore, #tpu.memory_space<semaphore_mem>>)
    %add3A_584 = arith.constant 528 : i32
    %add3A_585 = arith.addi %mul3A_2, %add3A_584 : i32
    %dma_start3A_586 = arith.constant 0 : i32
    %dma_start3A_587 = arith.constant 0 : i32
    %dma_start3A_588 = tpu.memref_slice %arg15[%dma_start3A_586, %dma_start3A_587] : memref<128x128xf32, #tpu.memory_space<vmem>> -> memref<48x128xf32, #tpu.memory_space<vmem>>
    %dma_start3A_589 = arith.constant 0 : i32
    %dma_start3A_590 = tpu.memref_slice %arg6[%add3A_585, %dma_start3A_589] : memref<10000x128xf32, #tpu.memory_space<vmem_shared>> -> memref<48x128xf32, #tpu.memory_space<vmem_shared>>
    %dma_start3A_591 = arith.constant 0 : i32
    %dma_start3A_592 = tpu.memref_slice %arg6[%add3A_585, %dma_start3A_591] : memref<10000x128xf32, #tpu.memory_space<vmem_shared>> -> memref<48x128xf32, #tpu.memory_space<vmem_shared>>
    %dma_start3A_593 = arith.constant 0 : i32
    %dma_start3A_594 = arith.constant 0 : i32
    %dma_start3A_595 = tpu.memref_slice %arg15[%dma_start3A_593, %dma_start3A_594] : memref<128x128xf32, #tpu.memory_space<vmem>> -> memref<48x128xf32, #tpu.memory_space<vmem>>
    tpu.enqueue_dma source(%dma_start3A_595 : memref<48x128xf32, #tpu.memory_space<vmem>>) target(%dma_start3A_592 : memref<48x128xf32, #tpu.memory_space<vmem_shared>>) target_semaphore(%arg25 : memref<!tpu.dma_semaphore, #tpu.memory_space<semaphore_mem>>)
    %add3A_596 = arith.constant 576 : i32
    %add3A_597 = arith.addi %mul3A_2, %add3A_596 : i32
    %dma_start3A_598 = arith.constant 0 : i32
    %dma_start3A_599 = arith.constant 0 : i32
    %dma_start3A_600 = tpu.memref_slice %arg15[%dma_start3A_598, %dma_start3A_599] : memref<128x128xf32, #tpu.memory_space<vmem>> -> memref<48x128xf32, #tpu.memory_space<vmem>>
    %dma_start3A_601 = arith.constant 0 : i32
    %dma_start3A_602 = tpu.memref_slice %arg6[%add3A_597, %dma_start3A_601] : memref<10000x128xf32, #tpu.memory_space<vmem_shared>> -> memref<48x128xf32, #tpu.memory_space<vmem_shared>>
    %dma_start3A_603 = arith.constant 0 : i32
    %dma_start3A_604 = tpu.memref_slice %arg6[%add3A_597, %dma_start3A_603] : memref<10000x128xf32, #tpu.memory_space<vmem_shared>> -> memref<48x128xf32, #tpu.memory_space<vmem_shared>>
    %dma_start3A_605 = arith.constant 0 : i32
    %dma_start3A_606 = arith.constant 0 : i32
    %dma_start3A_607 = tpu.memref_slice %arg15[%dma_start3A_605, %dma_start3A_606] : memref<128x128xf32, #tpu.memory_space<vmem>> -> memref<48x128xf32, #tpu.memory_space<vmem>>
    tpu.enqueue_dma source(%dma_start3A_607 : memref<48x128xf32, #tpu.memory_space<vmem>>) target(%dma_start3A_604 : memref<48x128xf32, #tpu.memory_space<vmem_shared>>) target_semaphore(%arg25 : memref<!tpu.dma_semaphore, #tpu.memory_space<semaphore_mem>>)
    %dma_wait3A_608 = arith.constant 0 : i32
    %dma_wait3A_609 = arith.constant 0 : i32
    %dma_wait3A_610 = tpu.memref_slice %arg15[%dma_wait3A_608, %dma_wait3A_609] : memref<128x128xf32, #tpu.memory_space<vmem>> -> memref<48x128xf32, #tpu.memory_space<vmem>>
    %dma_wait3A_611 = arith.constant 0 : i32
    %dma_wait3A_612 = tpu.memref_slice %arg6[%mul3A_2, %dma_wait3A_611] : memref<10000x128xf32, #tpu.memory_space<vmem_shared>> -> memref<48x128xf32, #tpu.memory_space<vmem_shared>>
    %dma_wait3A_613 = arith.constant 0 : i32
    %dma_wait3A_614 = tpu.memref_slice %arg6[%mul3A_2, %dma_wait3A_613] : memref<10000x128xf32, #tpu.memory_space<vmem_shared>> -> memref<48x128xf32, #tpu.memory_space<vmem_shared>>
    %dma_wait3A_615 = arith.constant 0 : i32
    %dma_wait3A_616 = arith.constant 0 : i32
    %dma_wait3A_617 = tpu.memref_slice %arg15[%dma_wait3A_615, %dma_wait3A_616] : memref<128x128xf32, #tpu.memory_space<vmem>> -> memref<48x128xf32, #tpu.memory_space<vmem>>
    tpu.wait_dma2 semaphore(%arg25 : memref<!tpu.dma_semaphore, #tpu.memory_space<semaphore_mem>>) src(%dma_wait3A_617 : memref<48x128xf32, #tpu.memory_space<vmem>>) dst(%dma_wait3A_614 : memref<48x128xf32, #tpu.memory_space<vmem_shared>>)
    %dma_wait3A_618 = arith.constant 0 : i32
    %dma_wait3A_619 = arith.constant 0 : i32
    %dma_wait3A_620 = tpu.memref_slice %arg15[%dma_wait3A_618, %dma_wait3A_619] : memref<128x128xf32, #tpu.memory_space<vmem>> -> memref<48x128xf32, #tpu.memory_space<vmem>>
    %dma_wait3A_621 = arith.constant 0 : i32
    %dma_wait3A_622 = tpu.memref_slice %arg6[%mul3A_2, %dma_wait3A_621] : memref<10000x128xf32, #tpu.memory_space<vmem_shared>> -> memref<48x128xf32, #tpu.memory_space<vmem_shared>>
    %dma_wait3A_623 = arith.constant 0 : i32
    %dma_wait3A_624 = tpu.memref_slice %arg6[%mul3A_2, %dma_wait3A_623] : memref<10000x128xf32, #tpu.memory_space<vmem_shared>> -> memref<48x128xf32, #tpu.memory_space<vmem_shared>>
    %dma_wait3A_625 = arith.constant 0 : i32
    %dma_wait3A_626 = arith.constant 0 : i32
    %dma_wait3A_627 = tpu.memref_slice %arg15[%dma_wait3A_625, %dma_wait3A_626] : memref<128x128xf32, #tpu.memory_space<vmem>> -> memref<48x128xf32, #tpu.memory_space<vmem>>
    tpu.wait_dma2 semaphore(%arg25 : memref<!tpu.dma_semaphore, #tpu.memory_space<semaphore_mem>>) src(%dma_wait3A_627 : memref<48x128xf32, #tpu.memory_space<vmem>>) dst(%dma_wait3A_624 : memref<48x128xf32, #tpu.memory_space<vmem_shared>>)
    %dma_wait3A_628 = arith.constant 0 : i32
    %dma_wait3A_629 = arith.constant 0 : i32
    %dma_wait3A_630 = tpu.memref_slice %arg15[%dma_wait3A_628, %dma_wait3A_629] : memref<128x128xf32, #tpu.memory_space<vmem>> -> memref<48x128xf32, #tpu.memory_space<vmem>>
    %dma_wait3A_631 = arith.constant 0 : i32
    %dma_wait3A_632 = tpu.memref_slice %arg6[%mul3A_2, %dma_wait3A_631] : memref<10000x128xf32, #tpu.memory_space<vmem_shared>> -> memref<48x128xf32, #tpu.memory_space<vmem_shared>>
    %dma_wait3A_633 = arith.constant 0 : i32
    %dma_wait3A_634 = tpu.memref_slice %arg6[%mul3A_2, %dma_wait3A_633] : memref<10000x128xf32, #tpu.memory_space<vmem_shared>> -> memref<48x128xf32, #tpu.memory_space<vmem_shared>>
    %dma_wait3A_635 = arith.constant 0 : i32
    %dma_wait3A_636 = arith.constant 0 : i32
    %dma_wait3A_637 = tpu.memref_slice %arg15[%dma_wait3A_635, %dma_wait3A_636] : memref<128x128xf32, #tpu.memory_space<vmem>> -> memref<48x128xf32, #tpu.memory_space<vmem>>
    tpu.wait_dma2 semaphore(%arg25 : memref<!tpu.dma_semaphore, #tpu.memory_space<semaphore_mem>>) src(%dma_wait3A_637 : memref<48x128xf32, #tpu.memory_space<vmem>>) dst(%dma_wait3A_634 : memref<48x128xf32, #tpu.memory_space<vmem_shared>>)
    %dma_wait3A_638 = arith.constant 0 : i32
    %dma_wait3A_639 = arith.constant 0 : i32
    %dma_wait3A_640 = tpu.memref_slice %arg15[%dma_wait3A_638, %dma_wait3A_639] : memref<128x128xf32, #tpu.memory_space<vmem>> -> memref<48x128xf32, #tpu.memory_space<vmem>>
    %dma_wait3A_641 = arith.constant 0 : i32
    %dma_wait3A_642 = tpu.memref_slice %arg6[%mul3A_2, %dma_wait3A_641] : memref<10000x128xf32, #tpu.memory_space<vmem_shared>> -> memref<48x128xf32, #tpu.memory_space<vmem_shared>>
    %dma_wait3A_643 = arith.constant 0 : i32
    %dma_wait3A_644 = tpu.memref_slice %arg6[%mul3A_2, %dma_wait3A_643] : memref<10000x128xf32, #tpu.memory_space<vmem_shared>> -> memref<48x128xf32, #tpu.memory_space<vmem_shared>>
    %dma_wait3A_645 = arith.constant 0 : i32
    %dma_wait3A_646 = arith.constant 0 : i32
    %dma_wait3A_647 = tpu.memref_slice %arg15[%dma_wait3A_645, %dma_wait3A_646] : memref<128x128xf32, #tpu.memory_space<vmem>> -> memref<48x128xf32, #tpu.memory_space<vmem>>
    tpu.wait_dma2 semaphore(%arg25 : memref<!tpu.dma_semaphore, #tpu.memory_space<semaphore_mem>>) src(%dma_wait3A_647 : memref<48x128xf32, #tpu.memory_space<vmem>>) dst(%dma_wait3A_644 : memref<48x128xf32, #tpu.memory_space<vmem_shared>>)
    %dma_wait3A_648 = arith.constant 0 : i32
    %dma_wait3A_649 = arith.constant 0 : i32
    %dma_wait3A_650 = tpu.memref_slice %arg15[%dma_wait3A_648, %dma_wait3A_649] : memref<128x128xf32, #tpu.memory_space<vmem>> -> memref<48x128xf32, #tpu.memory_space<vmem>>
    %dma_wait3A_651 = arith.constant 0 : i32
    %dma_wait3A_652 = tpu.memref_slice %arg6[%mul3A_2, %dma_wait3A_651] : memref<10000x128xf32, #tpu.memory_space<vmem_shared>> -> memref<48x128xf32, #tpu.memory_space<vmem_shared>>
    %dma_wait3A_653 = arith.constant 0 : i32
    %dma_wait3A_654 = tpu.memref_slice %arg6[%mul3A_2, %dma_wait3A_653] : memref<10000x128xf32, #tpu.memory_space<vmem_shared>> -> memref<48x128xf32, #tpu.memory_space<vmem_shared>>
    %dma_wait3A_655 = arith.constant 0 : i32
    %dma_wait3A_656 = arith.constant 0 : i32
    %dma_wait3A_657 = tpu.memref_slice %arg15[%dma_wait3A_655, %dma_wait3A_656] : memref<128x128xf32, #tpu.memory_space<vmem>> -> memref<48x128xf32, #tpu.memory_space<vmem>>
    tpu.wait_dma2 semaphore(%arg25 : memref<!tpu.dma_semaphore, #tpu.memory_space<semaphore_mem>>) src(%dma_wait3A_657 : memref<48x128xf32, #tpu.memory_space<vmem>>) dst(%dma_wait3A_654 : memref<48x128xf32, #tpu.memory_space<vmem_shared>>)
    %dma_wait3A_658 = arith.constant 0 : i32
    %dma_wait3A_659 = arith.constant 0 : i32
    %dma_wait3A_660 = tpu.memref_slice %arg15[%dma_wait3A_658, %dma_wait3A_659] : memref<128x128xf32, #tpu.memory_space<vmem>> -> memref<48x128xf32, #tpu.memory_space<vmem>>
    %dma_wait3A_661 = arith.constant 0 : i32
    %dma_wait3A_662 = tpu.memref_slice %arg6[%mul3A_2, %dma_wait3A_661] : memref<10000x128xf32, #tpu.memory_space<vmem_shared>> -> memref<48x128xf32, #tpu.memory_space<vmem_shared>>
    %dma_wait3A_663 = arith.constant 0 : i32
    %dma_wait3A_664 = tpu.memref_slice %arg6[%mul3A_2, %dma_wait3A_663] : memref<10000x128xf32, #tpu.memory_space<vmem_shared>> -> memref<48x128xf32, #tpu.memory_space<vmem_shared>>
    %dma_wait3A_665 = arith.constant 0 : i32
    %dma_wait3A_666 = arith.constant 0 : i32
    %dma_wait3A_667 = tpu.memref_slice %arg15[%dma_wait3A_665, %dma_wait3A_666] : memref<128x128xf32, #tpu.memory_space<vmem>> -> memref<48x128xf32, #tpu.memory_space<vmem>>
    tpu.wait_dma2 semaphore(%arg25 : memref<!tpu.dma_semaphore, #tpu.memory_space<semaphore_mem>>) src(%dma_wait3A_667 : memref<48x128xf32, #tpu.memory_space<vmem>>) dst(%dma_wait3A_664 : memref<48x128xf32, #tpu.memory_space<vmem_shared>>)
    %dma_wait3A_668 = arith.constant 0 : i32
    %dma_wait3A_669 = arith.constant 0 : i32
    %dma_wait3A_670 = tpu.memref_slice %arg15[%dma_wait3A_668, %dma_wait3A_669] : memref<128x128xf32, #tpu.memory_space<vmem>> -> memref<48x128xf32, #tpu.memory_space<vmem>>
    %dma_wait3A_671 = arith.constant 0 : i32
    %dma_wait3A_672 = tpu.memref_slice %arg6[%mul3A_2, %dma_wait3A_671] : memref<10000x128xf32, #tpu.memory_space<vmem_shared>> -> memref<48x128xf32, #tpu.memory_space<vmem_shared>>
    %dma_wait3A_673 = arith.constant 0 : i32
    %dma_wait3A_674 = tpu.memref_slice %arg6[%mul3A_2, %dma_wait3A_673] : memref<10000x128xf32, #tpu.memory_space<vmem_shared>> -> memref<48x128xf32, #tpu.memory_space<vmem_shared>>
    %dma_wait3A_675 = arith.constant 0 : i32
    %dma_wait3A_676 = arith.constant 0 : i32
    %dma_wait3A_677 = tpu.memref_slice %arg15[%dma_wait3A_675, %dma_wait3A_676] : memref<128x128xf32, #tpu.memory_space<vmem>> -> memref<48x128xf32, #tpu.memory_space<vmem>>
    tpu.wait_dma2 semaphore(%arg25 : memref<!tpu.dma_semaphore, #tpu.memory_space<semaphore_mem>>) src(%dma_wait3A_677 : memref<48x128xf32, #tpu.memory_space<vmem>>) dst(%dma_wait3A_674 : memref<48x128xf32, #tpu.memory_space<vmem_shared>>)
    %dma_wait3A_678 = arith.constant 0 : i32
    %dma_wait3A_679 = arith.constant 0 : i32
    %dma_wait3A_680 = tpu.memref_slice %arg15[%dma_wait3A_678, %dma_wait3A_679] : memref<128x128xf32, #tpu.memory_space<vmem>> -> memref<48x128xf32, #tpu.memory_space<vmem>>
    %dma_wait3A_681 = arith.constant 0 : i32
    %dma_wait3A_682 = tpu.memref_slice %arg6[%mul3A_2, %dma_wait3A_681] : memref<10000x128xf32, #tpu.memory_space<vmem_shared>> -> memref<48x128xf32, #tpu.memory_space<vmem_shared>>
    %dma_wait3A_683 = arith.constant 0 : i32
    %dma_wait3A_684 = tpu.memref_slice %arg6[%mul3A_2, %dma_wait3A_683] : memref<10000x128xf32, #tpu.memory_space<vmem_shared>> -> memref<48x128xf32, #tpu.memory_space<vmem_shared>>
    %dma_wait3A_685 = arith.constant 0 : i32
    %dma_wait3A_686 = arith.constant 0 : i32
    %dma_wait3A_687 = tpu.memref_slice %arg15[%dma_wait3A_685, %dma_wait3A_686] : memref<128x128xf32, #tpu.memory_space<vmem>> -> memref<48x128xf32, #tpu.memory_space<vmem>>
    tpu.wait_dma2 semaphore(%arg25 : memref<!tpu.dma_semaphore, #tpu.memory_space<semaphore_mem>>) src(%dma_wait3A_687 : memref<48x128xf32, #tpu.memory_space<vmem>>) dst(%dma_wait3A_684 : memref<48x128xf32, #tpu.memory_space<vmem_shared>>)
    %dma_wait3A_688 = arith.constant 0 : i32
    %dma_wait3A_689 = arith.constant 0 : i32
    %dma_wait3A_690 = tpu.memref_slice %arg15[%dma_wait3A_688, %dma_wait3A_689] : memref<128x128xf32, #tpu.memory_space<vmem>> -> memref<48x128xf32, #tpu.memory_space<vmem>>
    %dma_wait3A_691 = arith.constant 0 : i32
    %dma_wait3A_692 = tpu.memref_slice %arg6[%mul3A_2, %dma_wait3A_691] : memref<10000x128xf32, #tpu.memory_space<vmem_shared>> -> memref<48x128xf32, #tpu.memory_space<vmem_shared>>
    %dma_wait3A_693 = arith.constant 0 : i32
    %dma_wait3A_694 = tpu.memref_slice %arg6[%mul3A_2, %dma_wait3A_693] : memref<10000x128xf32, #tpu.memory_space<vmem_shared>> -> memref<48x128xf32, #tpu.memory_space<vmem_shared>>
    %dma_wait3A_695 = arith.constant 0 : i32
    %dma_wait3A_696 = arith.constant 0 : i32
    %dma_wait3A_697 = tpu.memref_slice %arg15[%dma_wait3A_695, %dma_wait3A_696] : memref<128x128xf32, #tpu.memory_space<vmem>> -> memref<48x128xf32, #tpu.memory_space<vmem>>
    tpu.wait_dma2 semaphore(%arg25 : memref<!tpu.dma_semaphore, #tpu.memory_space<semaphore_mem>>) src(%dma_wait3A_697 : memref<48x128xf32, #tpu.memory_space<vmem>>) dst(%dma_wait3A_694 : memref<48x128xf32, #tpu.memory_space<vmem_shared>>)
    %dma_wait3A_698 = arith.constant 0 : i32
    %dma_wait3A_699 = arith.constant 0 : i32
    %dma_wait3A_700 = tpu.memref_slice %arg15[%dma_wait3A_698, %dma_wait3A_699] : memref<128x128xf32, #tpu.memory_space<vmem>> -> memref<48x128xf32, #tpu.memory_space<vmem>>
    %dma_wait3A_701 = arith.constant 0 : i32
    %dma_wait3A_702 = tpu.memref_slice %arg6[%mul3A_2, %dma_wait3A_701] : memref<10000x128xf32, #tpu.memory_space<vmem_shared>> -> memref<48x128xf32, #tpu.memory_space<vmem_shared>>
    %dma_wait3A_703 = arith.constant 0 : i32
    %dma_wait3A_704 = tpu.memref_slice %arg6[%mul3A_2, %dma_wait3A_703] : memref<10000x128xf32, #tpu.memory_space<vmem_shared>> -> memref<48x128xf32, #tpu.memory_space<vmem_shared>>
    %dma_wait3A_705 = arith.constant 0 : i32
    %dma_wait3A_706 = arith.constant 0 : i32
    %dma_wait3A_707 = tpu.memref_slice %arg15[%dma_wait3A_705, %dma_wait3A_706] : memref<128x128xf32, #tpu.memory_space<vmem>> -> memref<48x128xf32, #tpu.memory_space<vmem>>
    tpu.wait_dma2 semaphore(%arg25 : memref<!tpu.dma_semaphore, #tpu.memory_space<semaphore_mem>>) src(%dma_wait3A_707 : memref<48x128xf32, #tpu.memory_space<vmem>>) dst(%dma_wait3A_704 : memref<48x128xf32, #tpu.memory_space<vmem_shared>>)
    %dma_wait3A_708 = arith.constant 0 : i32
    %dma_wait3A_709 = arith.constant 0 : i32
    %dma_wait3A_710 = tpu.memref_slice %arg15[%dma_wait3A_708, %dma_wait3A_709] : memref<128x128xf32, #tpu.memory_space<vmem>> -> memref<48x128xf32, #tpu.memory_space<vmem>>
    %dma_wait3A_711 = arith.constant 0 : i32
    %dma_wait3A_712 = tpu.memref_slice %arg6[%mul3A_2, %dma_wait3A_711] : memref<10000x128xf32, #tpu.memory_space<vmem_shared>> -> memref<48x128xf32, #tpu.memory_space<vmem_shared>>
    %dma_wait3A_713 = arith.constant 0 : i32
    %dma_wait3A_714 = tpu.memref_slice %arg6[%mul3A_2, %dma_wait3A_713] : memref<10000x128xf32, #tpu.memory_space<vmem_shared>> -> memref<48x128xf32, #tpu.memory_space<vmem_shared>>
    %dma_wait3A_715 = arith.constant 0 : i32
    %dma_wait3A_716 = arith.constant 0 : i32
    %dma_wait3A_717 = tpu.memref_slice %arg15[%dma_wait3A_715, %dma_wait3A_716] : memref<128x128xf32, #tpu.memory_space<vmem>> -> memref<48x128xf32, #tpu.memory_space<vmem>>
    tpu.wait_dma2 semaphore(%arg25 : memref<!tpu.dma_semaphore, #tpu.memory_space<semaphore_mem>>) src(%dma_wait3A_717 : memref<48x128xf32, #tpu.memory_space<vmem>>) dst(%dma_wait3A_714 : memref<48x128xf32, #tpu.memory_space<vmem_shared>>)
    %dma_wait3A_718 = arith.constant 0 : i32
    %dma_wait3A_719 = arith.constant 0 : i32
    %dma_wait3A_720 = tpu.memref_slice %arg15[%dma_wait3A_718, %dma_wait3A_719] : memref<128x128xf32, #tpu.memory_space<vmem>> -> memref<48x128xf32, #tpu.memory_space<vmem>>
    %dma_wait3A_721 = arith.constant 0 : i32
    %dma_wait3A_722 = tpu.memref_slice %arg6[%mul3A_2, %dma_wait3A_721] : memref<10000x128xf32, #tpu.memory_space<vmem_shared>> -> memref<48x128xf32, #tpu.memory_space<vmem_shared>>
    %dma_wait3A_723 = arith.constant 0 : i32
    %dma_wait3A_724 = tpu.memref_slice %arg6[%mul3A_2, %dma_wait3A_723] : memref<10000x128xf32, #tpu.memory_space<vmem_shared>> -> memref<48x128xf32, #tpu.memory_space<vmem_shared>>
    %dma_wait3A_725 = arith.constant 0 : i32
    %dma_wait3A_726 = arith.constant 0 : i32
    %dma_wait3A_727 = tpu.memref_slice %arg15[%dma_wait3A_725, %dma_wait3A_726] : memref<128x128xf32, #tpu.memory_space<vmem>> -> memref<48x128xf32, #tpu.memory_space<vmem>>
    tpu.wait_dma2 semaphore(%arg25 : memref<!tpu.dma_semaphore, #tpu.memory_space<semaphore_mem>>) src(%dma_wait3A_727 : memref<48x128xf32, #tpu.memory_space<vmem>>) dst(%dma_wait3A_724 : memref<48x128xf32, #tpu.memory_space<vmem_shared>>)
    %dma_wait3A_728 = arith.constant 0 : i32
    %dma_wait3A_729 = arith.constant 0 : i32
    %dma_wait3A_730 = tpu.memref_slice %arg15[%dma_wait3A_728, %dma_wait3A_729] : memref<128x128xf32, #tpu.memory_space<vmem>> -> memref<48x128xf32, #tpu.memory_space<vmem>>
    %dma_wait3A_731 = arith.constant 0 : i32
    %dma_wait3A_732 = tpu.memref_slice %arg6[%mul3A_2, %dma_wait3A_731] : memref<10000x128xf32, #tpu.memory_space<vmem_shared>> -> memref<48x128xf32, #tpu.memory_space<vmem_shared>>
    %dma_wait3A_733 = arith.constant 0 : i32
    %dma_wait3A_734 = tpu.memref_slice %arg6[%mul3A_2, %dma_wait3A_733] : memref<10000x128xf32, #tpu.memory_space<vmem_shared>> -> memref<48x128xf32, #tpu.memory_space<vmem_shared>>
    %dma_wait3A_735 = arith.constant 0 : i32
    %dma_wait3A_736 = arith.constant 0 : i32
    %dma_wait3A_737 = tpu.memref_slice %arg15[%dma_wait3A_735, %dma_wait3A_736] : memref<128x128xf32, #tpu.memory_space<vmem>> -> memref<48x128xf32, #tpu.memory_space<vmem>>
    tpu.wait_dma2 semaphore(%arg25 : memref<!tpu.dma_semaphore, #tpu.memory_space<semaphore_mem>>) src(%dma_wait3A_737 : memref<48x128xf32, #tpu.memory_space<vmem>>) dst(%dma_wait3A_734 : memref<48x128xf32, #tpu.memory_space<vmem_shared>>)
    %eq3A_738 = arith.constant 15 : i32
    %eq3A_739 = arith.cmpi eq, %arg1, %eq3A_738 : i32
    %convert_element_type3A_740 = arith.extui %eq3A_739 : i1 to i32
    %cond3A_741 = arith.constant 0 : i32
    %cond3A_742 = arith.cmpi ne, %convert_element_type3A_740, %cond3A_741 : i32
    scf.if %cond3A_742 {
      "tpu.region"() ({
        %run_scoped3A_865 = tpu.sem_alloc : memref<!tpu.dma_semaphore, #tpu.memory_space<semaphore_mem>>
        %dma_start3A_866 = arith.constant 0 : i32
        %dma_start3A_867 = arith.constant 0 : i32
        %dma_start3A_868 = tpu.memref_slice %arg15[%dma_start3A_866, %dma_start3A_867] : memref<128x128xf32, #tpu.memory_space<vmem>> -> memref<16x128xf32, #tpu.memory_space<vmem>>
        %dma_start3A_869 = arith.constant 9984 : i32
        %dma_start3A_870 = arith.constant 0 : i32
        %dma_start3A_871 = tpu.memref_slice %arg6[%dma_start3A_869, %dma_start3A_870] : memref<10000x128xf32, #tpu.memory_space<vmem_shared>> -> memref<16x128xf32, #tpu.memory_space<vmem_shared>>
        %dma_start3A_872 = arith.constant 9984 : i32
        %dma_start3A_873 = arith.constant 0 : i32
        %dma_start3A_874 = tpu.memref_slice %arg6[%dma_start3A_872, %dma_start3A_873] : memref<10000x128xf32, #tpu.memory_space<vmem_shared>> -> memref<16x128xf32, #tpu.memory_space<vmem_shared>>
        %dma_start3A_875 = arith.constant 0 : i32
        %dma_start3A_876 = arith.constant 0 : i32
        %dma_start3A_877 = tpu.memref_slice %arg15[%dma_start3A_875, %dma_start3A_876] : memref<128x128xf32, #tpu.memory_space<vmem>> -> memref<16x128xf32, #tpu.memory_space<vmem>>
        tpu.enqueue_dma source(%dma_start3A_877 : memref<16x128xf32, #tpu.memory_space<vmem>>) target(%dma_start3A_874 : memref<16x128xf32, #tpu.memory_space<vmem_shared>>) target_semaphore(%run_scoped3A_865 : memref<!tpu.dma_semaphore, #tpu.memory_space<semaphore_mem>>)
        %dma_wait3A_878 = arith.constant 0 : i32
        %dma_wait3A_879 = arith.constant 0 : i32
        %dma_wait3A_880 = tpu.memref_slice %arg15[%dma_wait3A_878, %dma_wait3A_879] : memref<128x128xf32, #tpu.memory_space<vmem>> -> memref<16x128xf32, #tpu.memory_space<vmem>>
        %dma_wait3A_881 = arith.constant 9984 : i32
        %dma_wait3A_882 = arith.constant 0 : i32
        %dma_wait3A_883 = tpu.memref_slice %arg6[%dma_wait3A_881, %dma_wait3A_882] : memref<10000x128xf32, #tpu.memory_space<vmem_shared>> -> memref<16x128xf32, #tpu.memory_space<vmem_shared>>
        %dma_wait3A_884 = arith.constant 9984 : i32
        %dma_wait3A_885 = arith.constant 0 : i32
        %dma_wait3A_886 = tpu.memref_slice %arg6[%dma_wait3A_884, %dma_wait3A_885] : memref<10000x128xf32, #tpu.memory_space<vmem_shared>> -> memref<16x128xf32, #tpu.memory_space<vmem_shared>>
        %dma_wait3A_887 = arith.constant 0 : i32
        %dma_wait3A_888 = arith.constant 0 : i32
        %dma_wait3A_889 = tpu.memref_slice %arg15[%dma_wait3A_887, %dma_wait3A_888] : memref<128x128xf32, #tpu.memory_space<vmem>> -> memref<16x128xf32, #tpu.memory_space<vmem>>
        tpu.wait_dma2 semaphore(%run_scoped3A_865 : memref<!tpu.dma_semaphore, #tpu.memory_space<semaphore_mem>>) src(%dma_wait3A_889 : memref<16x128xf32, #tpu.memory_space<vmem>>) dst(%dma_wait3A_886 : memref<16x128xf32, #tpu.memory_space<vmem_shared>>)
        tpu.yield
      }) : () -> ()
    } else {
    }
    %barrier3A_743 = arith.constant 0 : index
    tpu.barrier barrier_id(%barrier3A_743)
    %scan3A_744 = arith.constant 0 : i32
    %scan3A_745 = arith.constant 0 : i32
    %scan3A_746 = arith.constant 128 : i32
    %scan3A_747 = arith.addi %scan3A_745, %scan3A_746 : i32
    %scan3A_748 = arith.constant 1 : i32
    %scan3A_749 = scf.for %scan3A_865 = %scan3A_745 to %scan3A_747 step %scan3A_748 iter_args(%scan3A_866 = %scan3A_744) -> (i32)  : i32 {
      %swap3A = arith.index_cast %scan3A_865 : i32 to index
      %swap3A_867 = arith.constant 0 : index
      %swap3A_868 = tpu.vector_load %arg15[%swap3A, %swap3A_867] {strides = array<i32>} : memref<128x128xf32, #tpu.memory_space<vmem>>, vector<1x16xf32>,
      %swap3A_869 = vector.shape_cast %swap3A_868 : vector<1x16xf32> to vector<16xf32>
      %swap3A_870 = vector.shape_cast %broadcast_in_dim3A_5 : vector<16xf32> to vector<1x16xf32>
      tpu.vector_store %arg15[%swap3A, %swap3A_867], %swap3A_870 {strides = array<i32>} : memref<128x128xf32, #tpu.memory_space<vmem>>, vector<1x16xf32>,
      %swap3A_871 = arith.index_cast %scan3A_865 : i32 to index
      %swap3A_872 = arith.constant 16 : index
      %swap3A_873 = tpu.vector_load %arg15[%swap3A_871, %swap3A_872] {strides = array<i32>} : memref<128x128xf32, #tpu.memory_space<vmem>>, vector<1x16xf32>,
      %swap3A_874 = vector.shape_cast %swap3A_873 : vector<1x16xf32> to vector<16xf32>
      %swap3A_875 = vector.shape_cast %broadcast_in_dim3A_5 : vector<16xf32> to vector<1x16xf32>
      tpu.vector_store %arg15[%swap3A_871, %swap3A_872], %swap3A_875 {strides = array<i32>} : memref<128x128xf32, #tpu.memory_space<vmem>>, vector<1x16xf32>,
      %swap3A_876 = arith.index_cast %scan3A_865 : i32 to index
      %swap3A_877 = arith.constant 32 : index
      %swap3A_878 = tpu.vector_load %arg15[%swap3A_876, %swap3A_877] {strides = array<i32>} : memref<128x128xf32, #tpu.memory_space<vmem>>, vector<1x16xf32>,
      %swap3A_879 = vector.shape_cast %swap3A_878 : vector<1x16xf32> to vector<16xf32>
      %swap3A_880 = vector.shape_cast %broadcast_in_dim3A_5 : vector<16xf32> to vector<1x16xf32>
      tpu.vector_store %arg15[%swap3A_876, %swap3A_877], %swap3A_880 {strides = array<i32>} : memref<128x128xf32, #tpu.memory_space<vmem>>, vector<1x16xf32>,
      %swap3A_881 = arith.index_cast %scan3A_865 : i32 to index
      %swap3A_882 = arith.constant 48 : index
      %swap3A_883 = tpu.vector_load %arg15[%swap3A_881, %swap3A_882] {strides = array<i32>} : memref<128x128xf32, #tpu.memory_space<vmem>>, vector<1x16xf32>,
      %swap3A_884 = vector.shape_cast %swap3A_883 : vector<1x16xf32> to vector<16xf32>
      %swap3A_885 = vector.shape_cast %broadcast_in_dim3A_5 : vector<16xf32> to vector<1x16xf32>
      tpu.vector_store %arg15[%swap3A_881, %swap3A_882], %swap3A_885 {strides = array<i32>} : memref<128x128xf32, #tpu.memory_space<vmem>>, vector<1x16xf32>,
      %swap3A_886 = arith.index_cast %scan3A_865 : i32 to index
      %swap3A_887 = arith.constant 64 : index
      %swap3A_888 = tpu.vector_load %arg15[%swap3A_886, %swap3A_887] {strides = array<i32>} : memref<128x128xf32, #tpu.memory_space<vmem>>, vector<1x16xf32>,
      %swap3A_889 = vector.shape_cast %swap3A_888 : vector<1x16xf32> to vector<16xf32>
      %swap3A_890 = vector.shape_cast %broadcast_in_dim3A_5 : vector<16xf32> to vector<1x16xf32>
      tpu.vector_store %arg15[%swap3A_886, %swap3A_887], %swap3A_890 {strides = array<i32>} : memref<128x128xf32, #tpu.memory_space<vmem>>, vector<1x16xf32>,
      %swap3A_891 = arith.index_cast %scan3A_865 : i32 to index
      %swap3A_892 = arith.constant 80 : index
      %swap3A_893 = tpu.vector_load %arg15[%swap3A_891, %swap3A_892] {strides = array<i32>} : memref<128x128xf32, #tpu.memory_space<vmem>>, vector<1x16xf32>,
      %swap3A_894 = vector.shape_cast %swap3A_893 : vector<1x16xf32> to vector<16xf32>
      %swap3A_895 = vector.shape_cast %broadcast_in_dim3A_5 : vector<16xf32> to vector<1x16xf32>
      tpu.vector_store %arg15[%swap3A_891, %swap3A_892], %swap3A_895 {strides = array<i32>} : memref<128x128xf32, #tpu.memory_space<vmem>>, vector<1x16xf32>,
      %swap3A_896 = arith.index_cast %scan3A_865 : i32 to index
      %swap3A_897 = arith.constant 96 : index
      %swap3A_898 = tpu.vector_load %arg15[%swap3A_896, %swap3A_897] {strides = array<i32>} : memref<128x128xf32, #tpu.memory_space<vmem>>, vector<1x16xf32>,
      %swap3A_899 = vector.shape_cast %swap3A_898 : vector<1x16xf32> to vector<16xf32>
      %swap3A_900 = vector.shape_cast %broadcast_in_dim3A_5 : vector<16xf32> to vector<1x16xf32>
      tpu.vector_store %arg15[%swap3A_896, %swap3A_897], %swap3A_900 {strides = array<i32>} : memref<128x128xf32, #tpu.memory_space<vmem>>, vector<1x16xf32>,
      %swap3A_901 = arith.index_cast %scan3A_865 : i32 to index
      %swap3A_902 = arith.constant 112 : index
      %swap3A_903 = tpu.vector_load %arg15[%swap3A_901, %swap3A_902] {strides = array<i32>} : memref<128x128xf32, #tpu.memory_space<vmem>>, vector<1x16xf32>,
      %swap3A_904 = vector.shape_cast %swap3A_903 : vector<1x16xf32> to vector<16xf32>
      %swap3A_905 = vector.shape_cast %broadcast_in_dim3A_5 : vector<16xf32> to vector<1x16xf32>
      tpu.vector_store %arg15[%swap3A_901, %swap3A_902], %swap3A_905 {strides = array<i32>} : memref<128x128xf32, #tpu.memory_space<vmem>>, vector<1x16xf32>,
      %scan3A_906 = arith.constant 0 : i32
      scf.yield %scan3A_906 : i32
    }
    %scan3A_750 = arith.constant 128 : i32
    %add3A_751 = arith.constant 0 : i32
    %add3A_752 = arith.addi %add3A, %add3A_751 : i32
    %min3A_753 = arith.constant 2499 : i32
    %min3A_754 = arith.minsi %add3A_752, %min3A_753 : i32
    %mul3A_755 = arith.constant 128 : i32
    %mul3A_756 = arith.muli %min3A_754, %mul3A_755 : i32
    %multiple_of3A_757 = tpu.assume_multiple %mul3A_756, 8 : i32
    %run_scoped3A_758 = arith.constant 1 : i32
    "tpu.region"() ({
      %run_scoped3A_865 = tpu.sem_alloc : memref<!tpu.dma_semaphore, #tpu.memory_space<semaphore_mem>>
      %dma_start3A_866 = tpu.memref_slice %arg3[%run_scoped3A_758, %multiple_of3A_757] : memref<2x320000xi32, #tpu.memory_space<hbm>> -> memref<1x128xi32, #tpu.memory_space<hbm>>
      %dma_start3A_867 = tpu.memref_squeeze %dma_start3A_866 : memref<1x128xi32, #tpu.memory_space<hbm>> -> memref<128xi32, #tpu.memory_space<hbm>>
      %dma_start3A_868 = tpu.memref_slice %arg3[%run_scoped3A_758, %multiple_of3A_757] : memref<2x320000xi32, #tpu.memory_space<hbm>> -> memref<1x128xi32, #tpu.memory_space<hbm>>
      %dma_start3A_869 = tpu.memref_squeeze %dma_start3A_868 : memref<1x128xi32, #tpu.memory_space<hbm>> -> memref<128xi32, #tpu.memory_space<hbm>>
      tpu.enqueue_dma source(%dma_start3A_869 : memref<128xi32, #tpu.memory_space<hbm>>) target(%arg11 : memref<128xi32, #tpu.memory_space<vmem>>) target_semaphore(%run_scoped3A_865 : memref<!tpu.dma_semaphore, #tpu.memory_space<semaphore_mem>>)
      %dma_wait3A_870 = tpu.memref_slice %arg3[%run_scoped3A_758, %multiple_of3A_757] : memref<2x320000xi32, #tpu.memory_space<hbm>> -> memref<1x128xi32, #tpu.memory_space<hbm>>
      %dma_wait3A_871 = tpu.memref_squeeze %dma_wait3A_870 : memref<1x128xi32, #tpu.memory_space<hbm>> -> memref<128xi32, #tpu.memory_space<hbm>>
      %dma_wait3A_872 = tpu.memref_slice %arg3[%run_scoped3A_758, %multiple_of3A_757] : memref<2x320000xi32, #tpu.memory_space<hbm>> -> memref<1x128xi32, #tpu.memory_space<hbm>>
      %dma_wait3A_873 = tpu.memref_squeeze %dma_wait3A_872 : memref<1x128xi32, #tpu.memory_space<hbm>> -> memref<128xi32, #tpu.memory_space<hbm>>
      tpu.wait_dma2 semaphore(%run_scoped3A_865 : memref<!tpu.dma_semaphore, #tpu.memory_space<semaphore_mem>>) src(%dma_wait3A_873 : memref<128xi32, #tpu.memory_space<hbm>>) dst(%arg11 : memref<128xi32, #tpu.memory_space<vmem>>)
      tpu.yield
    }) : () -> ()
    %dma_start3A_759 = arith.constant 0 : i32
    %dma_start3A_760 = arith.constant 0 : i32
    %dma_start3A_761 = tpu.memref_slice %arg6[%dma_start3A_759, %dma_start3A_760] : memref<10000x128xf32, #tpu.memory_space<vmem_shared>> -> memref<10000x128xf32, #tpu.memory_space<vmem_shared>>
    tpu.enqueue_indirect_dma source(%arg15 : memref<128x128xf32, #tpu.memory_space<vmem>>) target(%dma_start3A_761 : memref<10000x128xf32, #tpu.memory_space<vmem_shared>>) offsets(%arg11 : memref<128xi32, #tpu.memory_space<vmem>>) semaphore(%arg19 : memref<!tpu.dma_semaphore, #tpu.memory_space<semaphore_mem>>) {add = true}
    %add3A_762 = arith.constant 32 : i32
    %add3A_763 = arith.addi %add3A, %add3A_762 : i32
    %min3A_764 = arith.constant 2499 : i32
    %min3A_765 = arith.minsi %add3A_763, %min3A_764 : i32
    %mul3A_766 = arith.constant 128 : i32
    %mul3A_767 = arith.muli %min3A_765, %mul3A_766 : i32
    %multiple_of3A_768 = tpu.assume_multiple %mul3A_767, 8 : i32
    %run_scoped3A_769 = arith.constant 1 : i32
    "tpu.region"() ({
      %run_scoped3A_865 = tpu.sem_alloc : memref<!tpu.dma_semaphore, #tpu.memory_space<semaphore_mem>>
      %dma_start3A_866 = tpu.memref_slice %arg3[%run_scoped3A_769, %multiple_of3A_768] : memref<2x320000xi32, #tpu.memory_space<hbm>> -> memref<1x128xi32, #tpu.memory_space<hbm>>
      %dma_start3A_867 = tpu.memref_squeeze %dma_start3A_866 : memref<1x128xi32, #tpu.memory_space<hbm>> -> memref<128xi32, #tpu.memory_space<hbm>>
      %dma_start3A_868 = tpu.memref_slice %arg3[%run_scoped3A_769, %multiple_of3A_768] : memref<2x320000xi32, #tpu.memory_space<hbm>> -> memref<1x128xi32, #tpu.memory_space<hbm>>
      %dma_start3A_869 = tpu.memref_squeeze %dma_start3A_868 : memref<1x128xi32, #tpu.memory_space<hbm>> -> memref<128xi32, #tpu.memory_space<hbm>>
      tpu.enqueue_dma source(%dma_start3A_869 : memref<128xi32, #tpu.memory_space<hbm>>) target(%arg12 : memref<128xi32, #tpu.memory_space<vmem>>) target_semaphore(%run_scoped3A_865 : memref<!tpu.dma_semaphore, #tpu.memory_space<semaphore_mem>>)
      %dma_wait3A_870 = tpu.memref_slice %arg3[%run_scoped3A_769, %multiple_of3A_768] : memref<2x320000xi32, #tpu.memory_space<hbm>> -> memref<1x128xi32, #tpu.memory_space<hbm>>
      %dma_wait3A_871 = tpu.memref_squeeze %dma_wait3A_870 : memref<1x128xi32, #tpu.memory_space<hbm>> -> memref<128xi32, #tpu.memory_space<hbm>>
      %dma_wait3A_872 = tpu.memref_slice %arg3[%run_scoped3A_769, %multiple_of3A_768] : memref<2x320000xi32, #tpu.memory_space<hbm>> -> memref<1x128xi32, #tpu.memory_space<hbm>>
      %dma_wait3A_873 = tpu.memref_squeeze %dma_wait3A_872 : memref<1x128xi32, #tpu.memory_space<hbm>> -> memref<128xi32, #tpu.memory_space<hbm>>
      tpu.wait_dma2 semaphore(%run_scoped3A_865 : memref<!tpu.dma_semaphore, #tpu.memory_space<semaphore_mem>>) src(%dma_wait3A_873 : memref<128xi32, #tpu.memory_space<hbm>>) dst(%arg12 : memref<128xi32, #tpu.memory_space<vmem>>)
      tpu.yield
    }) : () -> ()
    %dma_start3A_770 = arith.constant 0 : i32
    %dma_start3A_771 = arith.constant 0 : i32
    %dma_start3A_772 = tpu.memref_slice %arg6[%dma_start3A_770, %dma_start3A_771] : memref<10000x128xf32, #tpu.memory_space<vmem_shared>> -> memref<10000x128xf32, #tpu.memory_space<vmem_shared>>
    tpu.enqueue_indirect_dma source(%arg15 : memref<128x128xf32, #tpu.memory_space<vmem>>) target(%dma_start3A_772 : memref<10000x128xf32, #tpu.memory_space<vmem_shared>>) offsets(%arg12 : memref<128xi32, #tpu.memory_space<vmem>>) semaphore(%arg20 : memref<!tpu.dma_semaphore, #tpu.memory_space<semaphore_mem>>) {add = true}
    %add3A_773 = arith.constant 64 : i32
    %add3A_774 = arith.addi %add3A, %add3A_773 : i32
    %min3A_775 = arith.constant 2499 : i32
    %min3A_776 = arith.minsi %add3A_774, %min3A_775 : i32
    %mul3A_777 = arith.constant 128 : i32
    %mul3A_778 = arith.muli %min3A_776, %mul3A_777 : i32
    %multiple_of3A_779 = tpu.assume_multiple %mul3A_778, 8 : i32
    %run_scoped3A_780 = arith.constant 1 : i32
    "tpu.region"() ({
      %run_scoped3A_865 = tpu.sem_alloc : memref<!tpu.dma_semaphore, #tpu.memory_space<semaphore_mem>>
      %dma_start3A_866 = tpu.memref_slice %arg3[%run_scoped3A_780, %multiple_of3A_779] : memref<2x320000xi32, #tpu.memory_space<hbm>> -> memref<1x128xi32, #tpu.memory_space<hbm>>
      %dma_start3A_867 = tpu.memref_squeeze %dma_start3A_866 : memref<1x128xi32, #tpu.memory_space<hbm>> -> memref<128xi32, #tpu.memory_space<hbm>>
      %dma_start3A_868 = tpu.memref_slice %arg3[%run_scoped3A_780, %multiple_of3A_779] : memref<2x320000xi32, #tpu.memory_space<hbm>> -> memref<1x128xi32, #tpu.memory_space<hbm>>
      %dma_start3A_869 = tpu.memref_squeeze %dma_start3A_868 : memref<1x128xi32, #tpu.memory_space<hbm>> -> memref<128xi32, #tpu.memory_space<hbm>>
      tpu.enqueue_dma source(%dma_start3A_869 : memref<128xi32, #tpu.memory_space<hbm>>) target(%arg13 : memref<128xi32, #tpu.memory_space<vmem>>) target_semaphore(%run_scoped3A_865 : memref<!tpu.dma_semaphore, #tpu.memory_space<semaphore_mem>>)
      %dma_wait3A_870 = tpu.memref_slice %arg3[%run_scoped3A_780, %multiple_of3A_779] : memref<2x320000xi32, #tpu.memory_space<hbm>> -> memref<1x128xi32, #tpu.memory_space<hbm>>
      %dma_wait3A_871 = tpu.memref_squeeze %dma_wait3A_870 : memref<1x128xi32, #tpu.memory_space<hbm>> -> memref<128xi32, #tpu.memory_space<hbm>>
      %dma_wait3A_872 = tpu.memref_slice %arg3[%run_scoped3A_780, %multiple_of3A_779] : memref<2x320000xi32, #tpu.memory_space<hbm>> -> memref<1x128xi32, #tpu.memory_space<hbm>>
      %dma_wait3A_873 = tpu.memref_squeeze %dma_wait3A_872 : memref<1x128xi32, #tpu.memory_space<hbm>> -> memref<128xi32, #tpu.memory_space<hbm>>
      tpu.wait_dma2 semaphore(%run_scoped3A_865 : memref<!tpu.dma_semaphore, #tpu.memory_space<semaphore_mem>>) src(%dma_wait3A_873 : memref<128xi32, #tpu.memory_space<hbm>>) dst(%arg13 : memref<128xi32, #tpu.memory_space<vmem>>)
      tpu.yield
    }) : () -> ()
    %dma_start3A_781 = arith.constant 0 : i32
    %dma_start3A_782 = arith.constant 0 : i32
    %dma_start3A_783 = tpu.memref_slice %arg6[%dma_start3A_781, %dma_start3A_782] : memref<10000x128xf32, #tpu.memory_space<vmem_shared>> -> memref<10000x128xf32, #tpu.memory_space<vmem_shared>>
    tpu.enqueue_indirect_dma source(%arg15 : memref<128x128xf32, #tpu.memory_space<vmem>>) target(%dma_start3A_783 : memref<10000x128xf32, #tpu.memory_space<vmem_shared>>) offsets(%arg13 : memref<128xi32, #tpu.memory_space<vmem>>) semaphore(%arg17 : memref<!tpu.dma_semaphore, #tpu.memory_space<semaphore_mem>>) {add = true}
    %add3A_784 = arith.constant 96 : i32
    %add3A_785 = arith.addi %add3A, %add3A_784 : i32
    %min3A_786 = arith.constant 2499 : i32
    %min3A_787 = arith.minsi %add3A_785, %min3A_786 : i32
    %mul3A_788 = arith.constant 128 : i32
    %mul3A_789 = arith.muli %min3A_787, %mul3A_788 : i32
    %multiple_of3A_790 = tpu.assume_multiple %mul3A_789, 8 : i32
    %run_scoped3A_791 = arith.constant 1 : i32
    "tpu.region"() ({
      %run_scoped3A_865 = tpu.sem_alloc : memref<!tpu.dma_semaphore, #tpu.memory_space<semaphore_mem>>
      %dma_start3A_866 = tpu.memref_slice %arg3[%run_scoped3A_791, %multiple_of3A_790] : memref<2x320000xi32, #tpu.memory_space<hbm>> -> memref<1x128xi32, #tpu.memory_space<hbm>>
      %dma_start3A_867 = tpu.memref_squeeze %dma_start3A_866 : memref<1x128xi32, #tpu.memory_space<hbm>> -> memref<128xi32, #tpu.memory_space<hbm>>
      %dma_start3A_868 = tpu.memref_slice %arg3[%run_scoped3A_791, %multiple_of3A_790] : memref<2x320000xi32, #tpu.memory_space<hbm>> -> memref<1x128xi32, #tpu.memory_space<hbm>>
      %dma_start3A_869 = tpu.memref_squeeze %dma_start3A_868 : memref<1x128xi32, #tpu.memory_space<hbm>> -> memref<128xi32, #tpu.memory_space<hbm>>
      tpu.enqueue_dma source(%dma_start3A_869 : memref<128xi32, #tpu.memory_space<hbm>>) target(%arg14 : memref<128xi32, #tpu.memory_space<vmem>>) target_semaphore(%run_scoped3A_865 : memref<!tpu.dma_semaphore, #tpu.memory_space<semaphore_mem>>)
      %dma_wait3A_870 = tpu.memref_slice %arg3[%run_scoped3A_791, %multiple_of3A_790] : memref<2x320000xi32, #tpu.memory_space<hbm>> -> memref<1x128xi32, #tpu.memory_space<hbm>>
      %dma_wait3A_871 = tpu.memref_squeeze %dma_wait3A_870 : memref<1x128xi32, #tpu.memory_space<hbm>> -> memref<128xi32, #tpu.memory_space<hbm>>
      %dma_wait3A_872 = tpu.memref_slice %arg3[%run_scoped3A_791, %multiple_of3A_790] : memref<2x320000xi32, #tpu.memory_space<hbm>> -> memref<1x128xi32, #tpu.memory_space<hbm>>
      %dma_wait3A_873 = tpu.memref_squeeze %dma_wait3A_872 : memref<1x128xi32, #tpu.memory_space<hbm>> -> memref<128xi32, #tpu.memory_space<hbm>>
      tpu.wait_dma2 semaphore(%run_scoped3A_865 : memref<!tpu.dma_semaphore, #tpu.memory_space<semaphore_mem>>) src(%dma_wait3A_873 : memref<128xi32, #tpu.memory_space<hbm>>) dst(%arg14 : memref<128xi32, #tpu.memory_space<vmem>>)
      tpu.yield
    }) : () -> ()
    %dma_start3A_792 = arith.constant 0 : i32
    %dma_start3A_793 = arith.constant 0 : i32
    %dma_start3A_794 = tpu.memref_slice %arg6[%dma_start3A_792, %dma_start3A_793] : memref<10000x128xf32, #tpu.memory_space<vmem_shared>> -> memref<10000x128xf32, #tpu.memory_space<vmem_shared>>
    tpu.enqueue_indirect_dma source(%arg15 : memref<128x128xf32, #tpu.memory_space<vmem>>) target(%dma_start3A_794 : memref<10000x128xf32, #tpu.memory_space<vmem_shared>>) offsets(%arg14 : memref<128xi32, #tpu.memory_space<vmem>>) semaphore(%arg18 : memref<!tpu.dma_semaphore, #tpu.memory_space<semaphore_mem>>) {add = true}
    %scan3A_795 = arith.constant 0 : i32
    %scan3A_796 = arith.constant 0 : i32
    %scan3A_797 = arith.constant 18 : i32
    %scan3A_798 = arith.addi %scan3A_796, %scan3A_797 : i32
    %scan3A_799 = arith.constant 1 : i32
    %scan3A_800 = scf.for %scan3A_865 = %scan3A_796 to %scan3A_798 step %scan3A_799 iter_args(%scan3A_866 = %scan3A_795) -> (i32)  : i32 {
      %mul3A_867 = arith.constant 4 : i32
      %mul3A_868 = arith.muli %mul3A_867, %scan3A_865 : i32
      %add3A_869 = arith.constant 4 : i32
      %add3A_870 = arith.addi %mul3A_868, %add3A_869 : i32
      %dma_wait3A_871 = arith.constant 0 : i32
      %dma_wait3A_872 = arith.constant 0 : i32
      %dma_wait3A_873 = tpu.memref_slice %arg6[%dma_wait3A_871, %dma_wait3A_872] : memref<10000x128xf32, #tpu.memory_space<vmem_shared>> -> memref<10000x128xf32, #tpu.memory_space<vmem_shared>>
      tpu.wait_indirect_dma semaphore(%arg19 : memref<!tpu.dma_semaphore, #tpu.memory_space<semaphore_mem>>) src(%arg15 : memref<128x128xf32, #tpu.memory_space<vmem>>) dst(%dma_wait3A_873 : memref<10000x128xf32, #tpu.memory_space<vmem_shared>>)
      %add3A_874 = arith.constant 0 : i32
      %add3A_875 = arith.addi %add3A_870, %add3A_874 : i32
      %mul3A_876 = arith.constant 32 : i32
      %mul3A_877 = arith.muli %mul3A_876, %add3A_875 : i32
      %add3A_878 = arith.addi %add3A, %mul3A_877 : i32
      %min3A_879 = arith.constant 2499 : i32
      %min3A_880 = arith.minsi %add3A_878, %min3A_879 : i32
      %mul3A_881 = arith.constant 128 : i32
      %mul3A_882 = arith.muli %min3A_880, %mul3A_881 : i32
      %multiple_of3A_883 = tpu.assume_multiple %mul3A_882, 8 : i32
      %run_scoped3A_884 = arith.constant 1 : i32
      "tpu.region"() ({
        %run_scoped3A_940 = tpu.sem_alloc : memref<!tpu.dma_semaphore, #tpu.memory_space<semaphore_mem>>
        %dma_start3A_941 = tpu.memref_slice %arg3[%run_scoped3A_884, %multiple_of3A_883] : memref<2x320000xi32, #tpu.memory_space<hbm>> -> memref<1x128xi32, #tpu.memory_space<hbm>>
        %dma_start3A_942 = tpu.memref_squeeze %dma_start3A_941 : memref<1x128xi32, #tpu.memory_space<hbm>> -> memref<128xi32, #tpu.memory_space<hbm>>
        %dma_start3A_943 = tpu.memref_slice %arg3[%run_scoped3A_884, %multiple_of3A_883] : memref<2x320000xi32, #tpu.memory_space<hbm>> -> memref<1x128xi32, #tpu.memory_space<hbm>>
        %dma_start3A_944 = tpu.memref_squeeze %dma_start3A_943 : memref<1x128xi32, #tpu.memory_space<hbm>> -> memref<128xi32, #tpu.memory_space<hbm>>
        tpu.enqueue_dma source(%dma_start3A_944 : memref<128xi32, #tpu.memory_space<hbm>>) target(%arg11 : memref<128xi32, #tpu.memory_space<vmem>>) target_semaphore(%run_scoped3A_940 : memref<!tpu.dma_semaphore, #tpu.memory_space<semaphore_mem>>)
        %dma_wait3A_945 = tpu.memref_slice %arg3[%run_scoped3A_884, %multiple_of3A_883] : memref<2x320000xi32, #tpu.memory_space<hbm>> -> memref<1x128xi32, #tpu.memory_space<hbm>>
        %dma_wait3A_946 = tpu.memref_squeeze %dma_wait3A_945 : memref<1x128xi32, #tpu.memory_space<hbm>> -> memref<128xi32, #tpu.memory_space<hbm>>
        %dma_wait3A_947 = tpu.memref_slice %arg3[%run_scoped3A_884, %multiple_of3A_883] : memref<2x320000xi32, #tpu.memory_space<hbm>> -> memref<1x128xi32, #tpu.memory_space<hbm>>
        %dma_wait3A_948 = tpu.memref_squeeze %dma_wait3A_947 : memref<1x128xi32, #tpu.memory_space<hbm>> -> memref<128xi32, #tpu.memory_space<hbm>>
        tpu.wait_dma2 semaphore(%run_scoped3A_940 : memref<!tpu.dma_semaphore, #tpu.memory_space<semaphore_mem>>) src(%dma_wait3A_948 : memref<128xi32, #tpu.memory_space<hbm>>) dst(%arg11 : memref<128xi32, #tpu.memory_space<vmem>>)
        tpu.yield
      }) : () -> ()
      %dma_start3A_885 = arith.constant 0 : i32
      %dma_start3A_886 = arith.constant 0 : i32
      %dma_start3A_887 = tpu.memref_slice %arg6[%dma_start3A_885, %dma_start3A_886] : memref<10000x128xf32, #tpu.memory_space<vmem_shared>> -> memref<10000x128xf32, #tpu.memory_space<vmem_shared>>
      tpu.enqueue_indirect_dma source(%arg15 : memref<128x128xf32, #tpu.memory_space<vmem>>) target(%dma_start3A_887 : memref<10000x128xf32, #tpu.memory_space<vmem_shared>>) offsets(%arg11 : memref<128xi32, #tpu.memory_space<vmem>>) semaphore(%arg19 : memref<!tpu.dma_semaphore, #tpu.memory_space<semaphore_mem>>) {add = true}
      %dma_wait3A_888 = arith.constant 0 : i32
      %dma_wait3A_889 = arith.constant 0 : i32
      %dma_wait3A_890 = tpu.memref_slice %arg6[%dma_wait3A_888, %dma_wait3A_889] : memref<10000x128xf32, #tpu.memory_space<vmem_shared>> -> memref<10000x128xf32, #tpu.memory_space<vmem_shared>>
      tpu.wait_indirect_dma semaphore(%arg20 : memref<!tpu.dma_semaphore, #tpu.memory_space<semaphore_mem>>) src(%arg15 : memref<128x128xf32, #tpu.memory_space<vmem>>) dst(%dma_wait3A_890 : memref<10000x128xf32, #tpu.memory_space<vmem_shared>>)
      %add3A_891 = arith.constant 1 : i32
      %add3A_892 = arith.addi %add3A_870, %add3A_891 : i32
      %mul3A_893 = arith.constant 32 : i32
      %mul3A_894 = arith.muli %mul3A_893, %add3A_892 : i32
      %add3A_895 = arith.addi %add3A, %mul3A_894 : i32
      %min3A_896 = arith.constant 2499 : i32
      %min3A_897 = arith.minsi %add3A_895, %min3A_896 : i32
      %mul3A_898 = arith.constant 128 : i32
      %mul3A_899 = arith.muli %min3A_897, %mul3A_898 : i32
      %multiple_of3A_900 = tpu.assume_multiple %mul3A_899, 8 : i32
      %run_scoped3A_901 = arith.constant 1 : i32
      "tpu.region"() ({
        %run_scoped3A_940 = tpu.sem_alloc : memref<!tpu.dma_semaphore, #tpu.memory_space<semaphore_mem>>
        %dma_start3A_941 = tpu.memref_slice %arg3[%run_scoped3A_901, %multiple_of3A_900] : memref<2x320000xi32, #tpu.memory_space<hbm>> -> memref<1x128xi32, #tpu.memory_space<hbm>>
        %dma_start3A_942 = tpu.memref_squeeze %dma_start3A_941 : memref<1x128xi32, #tpu.memory_space<hbm>> -> memref<128xi32, #tpu.memory_space<hbm>>
        %dma_start3A_943 = tpu.memref_slice %arg3[%run_scoped3A_901, %multiple_of3A_900] : memref<2x320000xi32, #tpu.memory_space<hbm>> -> memref<1x128xi32, #tpu.memory_space<hbm>>
        %dma_start3A_944 = tpu.memref_squeeze %dma_start3A_943 : memref<1x128xi32, #tpu.memory_space<hbm>> -> memref<128xi32, #tpu.memory_space<hbm>>
        tpu.enqueue_dma source(%dma_start3A_944 : memref<128xi32, #tpu.memory_space<hbm>>) target(%arg12 : memref<128xi32, #tpu.memory_space<vmem>>) target_semaphore(%run_scoped3A_940 : memref<!tpu.dma_semaphore, #tpu.memory_space<semaphore_mem>>)
        %dma_wait3A_945 = tpu.memref_slice %arg3[%run_scoped3A_901, %multiple_of3A_900] : memref<2x320000xi32, #tpu.memory_space<hbm>> -> memref<1x128xi32, #tpu.memory_space<hbm>>
        %dma_wait3A_946 = tpu.memref_squeeze %dma_wait3A_945 : memref<1x128xi32, #tpu.memory_space<hbm>> -> memref<128xi32, #tpu.memory_space<hbm>>
        %dma_wait3A_947 = tpu.memref_slice %arg3[%run_scoped3A_901, %multiple_of3A_900] : memref<2x320000xi32, #tpu.memory_space<hbm>> -> memref<1x128xi32, #tpu.memory_space<hbm>>
        %dma_wait3A_948 = tpu.memref_squeeze %dma_wait3A_947 : memref<1x128xi32, #tpu.memory_space<hbm>> -> memref<128xi32, #tpu.memory_space<hbm>>
        tpu.wait_dma2 semaphore(%run_scoped3A_940 : memref<!tpu.dma_semaphore, #tpu.memory_space<semaphore_mem>>) src(%dma_wait3A_948 : memref<128xi32, #tpu.memory_space<hbm>>) dst(%arg12 : memref<128xi32, #tpu.memory_space<vmem>>)
        tpu.yield
      }) : () -> ()
      %dma_start3A_902 = arith.constant 0 : i32
      %dma_start3A_903 = arith.constant 0 : i32
      %dma_start3A_904 = tpu.memref_slice %arg6[%dma_start3A_902, %dma_start3A_903] : memref<10000x128xf32, #tpu.memory_space<vmem_shared>> -> memref<10000x128xf32, #tpu.memory_space<vmem_shared>>
      tpu.enqueue_indirect_dma source(%arg15 : memref<128x128xf32, #tpu.memory_space<vmem>>) target(%dma_start3A_904 : memref<10000x128xf32, #tpu.memory_space<vmem_shared>>) offsets(%arg12 : memref<128xi32, #tpu.memory_space<vmem>>) semaphore(%arg20 : memref<!tpu.dma_semaphore, #tpu.memory_space<semaphore_mem>>) {add = true}
      %dma_wait3A_905 = arith.constant 0 : i32
      %dma_wait3A_906 = arith.constant 0 : i32
      %dma_wait3A_907 = tpu.memref_slice %arg6[%dma_wait3A_905, %dma_wait3A_906] : memref<10000x128xf32, #tpu.memory_space<vmem_shared>> -> memref<10000x128xf32, #tpu.memory_space<vmem_shared>>
      tpu.wait_indirect_dma semaphore(%arg17 : memref<!tpu.dma_semaphore, #tpu.memory_space<semaphore_mem>>) src(%arg15 : memref<128x128xf32, #tpu.memory_space<vmem>>) dst(%dma_wait3A_907 : memref<10000x128xf32, #tpu.memory_space<vmem_shared>>)
      %add3A_908 = arith.constant 2 : i32
      %add3A_909 = arith.addi %add3A_870, %add3A_908 : i32
      %mul3A_910 = arith.constant 32 : i32
      %mul3A_911 = arith.muli %mul3A_910, %add3A_909 : i32
      %add3A_912 = arith.addi %add3A, %mul3A_911 : i32
      %min3A_913 = arith.constant 2499 : i32
      %min3A_914 = arith.minsi %add3A_912, %min3A_913 : i32
      %mul3A_915 = arith.constant 128 : i32
      %mul3A_916 = arith.muli %min3A_914, %mul3A_915 : i32
      %multiple_of3A_917 = tpu.assume_multiple %mul3A_916, 8 : i32
      %run_scoped3A_918 = arith.constant 1 : i32
      "tpu.region"() ({
        %run_scoped3A_940 = tpu.sem_alloc : memref<!tpu.dma_semaphore, #tpu.memory_space<semaphore_mem>>
        %dma_start3A_941 = tpu.memref_slice %arg3[%run_scoped3A_918, %multiple_of3A_917] : memref<2x320000xi32, #tpu.memory_space<hbm>> -> memref<1x128xi32, #tpu.memory_space<hbm>>
        %dma_start3A_942 = tpu.memref_squeeze %dma_start3A_941 : memref<1x128xi32, #tpu.memory_space<hbm>> -> memref<128xi32, #tpu.memory_space<hbm>>
        %dma_start3A_943 = tpu.memref_slice %arg3[%run_scoped3A_918, %multiple_of3A_917] : memref<2x320000xi32, #tpu.memory_space<hbm>> -> memref<1x128xi32, #tpu.memory_space<hbm>>
        %dma_start3A_944 = tpu.memref_squeeze %dma_start3A_943 : memref<1x128xi32, #tpu.memory_space<hbm>> -> memref<128xi32, #tpu.memory_space<hbm>>
        tpu.enqueue_dma source(%dma_start3A_944 : memref<128xi32, #tpu.memory_space<hbm>>) target(%arg13 : memref<128xi32, #tpu.memory_space<vmem>>) target_semaphore(%run_scoped3A_940 : memref<!tpu.dma_semaphore, #tpu.memory_space<semaphore_mem>>)
        %dma_wait3A_945 = tpu.memref_slice %arg3[%run_scoped3A_918, %multiple_of3A_917] : memref<2x320000xi32, #tpu.memory_space<hbm>> -> memref<1x128xi32, #tpu.memory_space<hbm>>
        %dma_wait3A_946 = tpu.memref_squeeze %dma_wait3A_945 : memref<1x128xi32, #tpu.memory_space<hbm>> -> memref<128xi32, #tpu.memory_space<hbm>>
        %dma_wait3A_947 = tpu.memref_slice %arg3[%run_scoped3A_918, %multiple_of3A_917] : memref<2x320000xi32, #tpu.memory_space<hbm>> -> memref<1x128xi32, #tpu.memory_space<hbm>>
        %dma_wait3A_948 = tpu.memref_squeeze %dma_wait3A_947 : memref<1x128xi32, #tpu.memory_space<hbm>> -> memref<128xi32, #tpu.memory_space<hbm>>
        tpu.wait_dma2 semaphore(%run_scoped3A_940 : memref<!tpu.dma_semaphore, #tpu.memory_space<semaphore_mem>>) src(%dma_wait3A_948 : memref<128xi32, #tpu.memory_space<hbm>>) dst(%arg13 : memref<128xi32, #tpu.memory_space<vmem>>)
        tpu.yield
      }) : () -> ()
      %dma_start3A_919 = arith.constant 0 : i32
      %dma_start3A_920 = arith.constant 0 : i32
      %dma_start3A_921 = tpu.memref_slice %arg6[%dma_start3A_919, %dma_start3A_920] : memref<10000x128xf32, #tpu.memory_space<vmem_shared>> -> memref<10000x128xf32, #tpu.memory_space<vmem_shared>>
      tpu.enqueue_indirect_dma source(%arg15 : memref<128x128xf32, #tpu.memory_space<vmem>>) target(%dma_start3A_921 : memref<10000x128xf32, #tpu.memory_space<vmem_shared>>) offsets(%arg13 : memref<128xi32, #tpu.memory_space<vmem>>) semaphore(%arg17 : memref<!tpu.dma_semaphore, #tpu.memory_space<semaphore_mem>>) {add = true}
      %dma_wait3A_922 = arith.constant 0 : i32
      %dma_wait3A_923 = arith.constant 0 : i32
      %dma_wait3A_924 = tpu.memref_slice %arg6[%dma_wait3A_922, %dma_wait3A_923] : memref<10000x128xf32, #tpu.memory_space<vmem_shared>> -> memref<10000x128xf32, #tpu.memory_space<vmem_shared>>
      tpu.wait_indirect_dma semaphore(%arg18 : memref<!tpu.dma_semaphore, #tpu.memory_space<semaphore_mem>>) src(%arg15 : memref<128x128xf32, #tpu.memory_space<vmem>>) dst(%dma_wait3A_924 : memref<10000x128xf32, #tpu.memory_space<vmem_shared>>)
      %add3A_925 = arith.constant 3 : i32
      %add3A_926 = arith.addi %add3A_870, %add3A_925 : i32
      %mul3A_927 = arith.constant 32 : i32
      %mul3A_928 = arith.muli %mul3A_927, %add3A_926 : i32
      %add3A_929 = arith.addi %add3A, %mul3A_928 : i32
      %min3A_930 = arith.constant 2499 : i32
      %min3A_931 = arith.minsi %add3A_929, %min3A_930 : i32
      %mul3A_932 = arith.constant 128 : i32
      %mul3A_933 = arith.muli %min3A_931, %mul3A_932 : i32
      %multiple_of3A_934 = tpu.assume_multiple %mul3A_933, 8 : i32
      %run_scoped3A_935 = arith.constant 1 : i32
      "tpu.region"() ({
        %run_scoped3A_940 = tpu.sem_alloc : memref<!tpu.dma_semaphore, #tpu.memory_space<semaphore_mem>>
        %dma_start3A_941 = tpu.memref_slice %arg3[%run_scoped3A_935, %multiple_of3A_934] : memref<2x320000xi32, #tpu.memory_space<hbm>> -> memref<1x128xi32, #tpu.memory_space<hbm>>
        %dma_start3A_942 = tpu.memref_squeeze %dma_start3A_941 : memref<1x128xi32, #tpu.memory_space<hbm>> -> memref<128xi32, #tpu.memory_space<hbm>>
        %dma_start3A_943 = tpu.memref_slice %arg3[%run_scoped3A_935, %multiple_of3A_934] : memref<2x320000xi32, #tpu.memory_space<hbm>> -> memref<1x128xi32, #tpu.memory_space<hbm>>
        %dma_start3A_944 = tpu.memref_squeeze %dma_start3A_943 : memref<1x128xi32, #tpu.memory_space<hbm>> -> memref<128xi32, #tpu.memory_space<hbm>>
        tpu.enqueue_dma source(%dma_start3A_944 : memref<128xi32, #tpu.memory_space<hbm>>) target(%arg14 : memref<128xi32, #tpu.memory_space<vmem>>) target_semaphore(%run_scoped3A_940 : memref<!tpu.dma_semaphore, #tpu.memory_space<semaphore_mem>>)
        %dma_wait3A_945 = tpu.memref_slice %arg3[%run_scoped3A_935, %multiple_of3A_934] : memref<2x320000xi32, #tpu.memory_space<hbm>> -> memref<1x128xi32, #tpu.memory_space<hbm>>
        %dma_wait3A_946 = tpu.memref_squeeze %dma_wait3A_945 : memref<1x128xi32, #tpu.memory_space<hbm>> -> memref<128xi32, #tpu.memory_space<hbm>>
        %dma_wait3A_947 = tpu.memref_slice %arg3[%run_scoped3A_935, %multiple_of3A_934] : memref<2x320000xi32, #tpu.memory_space<hbm>> -> memref<1x128xi32, #tpu.memory_space<hbm>>
        %dma_wait3A_948 = tpu.memref_squeeze %dma_wait3A_947 : memref<1x128xi32, #tpu.memory_space<hbm>> -> memref<128xi32, #tpu.memory_space<hbm>>
        tpu.wait_dma2 semaphore(%run_scoped3A_940 : memref<!tpu.dma_semaphore, #tpu.memory_space<semaphore_mem>>) src(%dma_wait3A_948 : memref<128xi32, #tpu.memory_space<hbm>>) dst(%arg14 : memref<128xi32, #tpu.memory_space<vmem>>)
        tpu.yield
      }) : () -> ()
      %dma_start3A_936 = arith.constant 0 : i32
      %dma_start3A_937 = arith.constant 0 : i32
      %dma_start3A_938 = tpu.memref_slice %arg6[%dma_start3A_936, %dma_start3A_937] : memref<10000x128xf32, #tpu.memory_space<vmem_shared>> -> memref<10000x128xf32, #tpu.memory_space<vmem_shared>>
      tpu.enqueue_indirect_dma source(%arg15 : memref<128x128xf32, #tpu.memory_space<vmem>>) target(%dma_start3A_938 : memref<10000x128xf32, #tpu.memory_space<vmem_shared>>) offsets(%arg14 : memref<128xi32, #tpu.memory_space<vmem>>) semaphore(%arg18 : memref<!tpu.dma_semaphore, #tpu.memory_space<semaphore_mem>>) {add = true}
      %scan3A_939 = arith.constant 0 : i32
      scf.yield %scan3A_939 : i32
    }
    %scan3A_801 = arith.constant 18 : i32
    %dma_wait3A_802 = arith.constant 0 : i32
    %dma_wait3A_803 = arith.constant 0 : i32
    %dma_wait3A_804 = tpu.memref_slice %arg6[%dma_wait3A_802, %dma_wait3A_803] : memref<10000x128xf32, #tpu.memory_space<vmem_shared>> -> memref<10000x128xf32, #tpu.memory_space<vmem_shared>>
    tpu.wait_indirect_dma semaphore(%arg19 : memref<!tpu.dma_semaphore, #tpu.memory_space<semaphore_mem>>) src(%arg15 : memref<128x128xf32, #tpu.memory_space<vmem>>) dst(%dma_wait3A_804 : memref<10000x128xf32, #tpu.memory_space<vmem_shared>>)
    %add3A_805 = arith.constant 2432 : i32
    %add3A_806 = arith.addi %add3A, %add3A_805 : i32
    %min3A_807 = arith.constant 2499 : i32
    %min3A_808 = arith.minsi %add3A_806, %min3A_807 : i32
    %mul3A_809 = arith.constant 128 : i32
    %mul3A_810 = arith.muli %min3A_808, %mul3A_809 : i32
    %multiple_of3A_811 = tpu.assume_multiple %mul3A_810, 8 : i32
    %run_scoped3A_812 = arith.constant 1 : i32
    "tpu.region"() ({
      %run_scoped3A_865 = tpu.sem_alloc : memref<!tpu.dma_semaphore, #tpu.memory_space<semaphore_mem>>
      %dma_start3A_866 = tpu.memref_slice %arg3[%run_scoped3A_812, %multiple_of3A_811] : memref<2x320000xi32, #tpu.memory_space<hbm>> -> memref<1x128xi32, #tpu.memory_space<hbm>>
      %dma_start3A_867 = tpu.memref_squeeze %dma_start3A_866 : memref<1x128xi32, #tpu.memory_space<hbm>> -> memref<128xi32, #tpu.memory_space<hbm>>
      %dma_start3A_868 = tpu.memref_slice %arg3[%run_scoped3A_812, %multiple_of3A_811] : memref<2x320000xi32, #tpu.memory_space<hbm>> -> memref<1x128xi32, #tpu.memory_space<hbm>>
      %dma_start3A_869 = tpu.memref_squeeze %dma_start3A_868 : memref<1x128xi32, #tpu.memory_space<hbm>> -> memref<128xi32, #tpu.memory_space<hbm>>
      tpu.enqueue_dma source(%dma_start3A_869 : memref<128xi32, #tpu.memory_space<hbm>>) target(%arg11 : memref<128xi32, #tpu.memory_space<vmem>>) target_semaphore(%run_scoped3A_865 : memref<!tpu.dma_semaphore, #tpu.memory_space<semaphore_mem>>)
      %dma_wait3A_870 = tpu.memref_slice %arg3[%run_scoped3A_812, %multiple_of3A_811] : memref<2x320000xi32, #tpu.memory_space<hbm>> -> memref<1x128xi32, #tpu.memory_space<hbm>>
      %dma_wait3A_871 = tpu.memref_squeeze %dma_wait3A_870 : memref<1x128xi32, #tpu.memory_space<hbm>> -> memref<128xi32, #tpu.memory_space<hbm>>
      %dma_wait3A_872 = tpu.memref_slice %arg3[%run_scoped3A_812, %multiple_of3A_811] : memref<2x320000xi32, #tpu.memory_space<hbm>> -> memref<1x128xi32, #tpu.memory_space<hbm>>
      %dma_wait3A_873 = tpu.memref_squeeze %dma_wait3A_872 : memref<1x128xi32, #tpu.memory_space<hbm>> -> memref<128xi32, #tpu.memory_space<hbm>>
      tpu.wait_dma2 semaphore(%run_scoped3A_865 : memref<!tpu.dma_semaphore, #tpu.memory_space<semaphore_mem>>) src(%dma_wait3A_873 : memref<128xi32, #tpu.memory_space<hbm>>) dst(%arg11 : memref<128xi32, #tpu.memory_space<vmem>>)
      tpu.yield
    }) : () -> ()
    %dma_start3A_813 = arith.constant 0 : i32
    %dma_start3A_814 = arith.constant 0 : i32
    %dma_start3A_815 = tpu.memref_slice %arg6[%dma_start3A_813, %dma_start3A_814] : memref<10000x128xf32, #tpu.memory_space<vmem_shared>> -> memref<10000x128xf32, #tpu.memory_space<vmem_shared>>
    tpu.enqueue_indirect_dma source(%arg15 : memref<128x128xf32, #tpu.memory_space<vmem>>) target(%dma_start3A_815 : memref<10000x128xf32, #tpu.memory_space<vmem_shared>>) offsets(%arg11 : memref<128xi32, #tpu.memory_space<vmem>>) semaphore(%arg19 : memref<!tpu.dma_semaphore, #tpu.memory_space<semaphore_mem>>) {add = true}
    %dma_wait3A_816 = arith.constant 0 : i32
    %dma_wait3A_817 = arith.constant 0 : i32
    %dma_wait3A_818 = tpu.memref_slice %arg6[%dma_wait3A_816, %dma_wait3A_817] : memref<10000x128xf32, #tpu.memory_space<vmem_shared>> -> memref<10000x128xf32, #tpu.memory_space<vmem_shared>>
    tpu.wait_indirect_dma semaphore(%arg20 : memref<!tpu.dma_semaphore, #tpu.memory_space<semaphore_mem>>) src(%arg15 : memref<128x128xf32, #tpu.memory_space<vmem>>) dst(%dma_wait3A_818 : memref<10000x128xf32, #tpu.memory_space<vmem_shared>>)
    %add3A_819 = arith.constant 2464 : i32
    %add3A_820 = arith.addi %add3A, %add3A_819 : i32
    %min3A_821 = arith.constant 2499 : i32
    %min3A_822 = arith.minsi %add3A_820, %min3A_821 : i32
    %mul3A_823 = arith.constant 128 : i32
    %mul3A_824 = arith.muli %min3A_822, %mul3A_823 : i32
    %multiple_of3A_825 = tpu.assume_multiple %mul3A_824, 8 : i32
    %run_scoped3A_826 = arith.constant 1 : i32
    "tpu.region"() ({
      %run_scoped3A_865 = tpu.sem_alloc : memref<!tpu.dma_semaphore, #tpu.memory_space<semaphore_mem>>
      %dma_start3A_866 = tpu.memref_slice %arg3[%run_scoped3A_826, %multiple_of3A_825] : memref<2x320000xi32, #tpu.memory_space<hbm>> -> memref<1x128xi32, #tpu.memory_space<hbm>>
      %dma_start3A_867 = tpu.memref_squeeze %dma_start3A_866 : memref<1x128xi32, #tpu.memory_space<hbm>> -> memref<128xi32, #tpu.memory_space<hbm>>
      %dma_start3A_868 = tpu.memref_slice %arg3[%run_scoped3A_826, %multiple_of3A_825] : memref<2x320000xi32, #tpu.memory_space<hbm>> -> memref<1x128xi32, #tpu.memory_space<hbm>>
      %dma_start3A_869 = tpu.memref_squeeze %dma_start3A_868 : memref<1x128xi32, #tpu.memory_space<hbm>> -> memref<128xi32, #tpu.memory_space<hbm>>
      tpu.enqueue_dma source(%dma_start3A_869 : memref<128xi32, #tpu.memory_space<hbm>>) target(%arg12 : memref<128xi32, #tpu.memory_space<vmem>>) target_semaphore(%run_scoped3A_865 : memref<!tpu.dma_semaphore, #tpu.memory_space<semaphore_mem>>)
      %dma_wait3A_870 = tpu.memref_slice %arg3[%run_scoped3A_826, %multiple_of3A_825] : memref<2x320000xi32, #tpu.memory_space<hbm>> -> memref<1x128xi32, #tpu.memory_space<hbm>>
      %dma_wait3A_871 = tpu.memref_squeeze %dma_wait3A_870 : memref<1x128xi32, #tpu.memory_space<hbm>> -> memref<128xi32, #tpu.memory_space<hbm>>
      %dma_wait3A_872 = tpu.memref_slice %arg3[%run_scoped3A_826, %multiple_of3A_825] : memref<2x320000xi32, #tpu.memory_space<hbm>> -> memref<1x128xi32, #tpu.memory_space<hbm>>
      %dma_wait3A_873 = tpu.memref_squeeze %dma_wait3A_872 : memref<1x128xi32, #tpu.memory_space<hbm>> -> memref<128xi32, #tpu.memory_space<hbm>>
      tpu.wait_dma2 semaphore(%run_scoped3A_865 : memref<!tpu.dma_semaphore, #tpu.memory_space<semaphore_mem>>) src(%dma_wait3A_873 : memref<128xi32, #tpu.memory_space<hbm>>) dst(%arg12 : memref<128xi32, #tpu.memory_space<vmem>>)
      tpu.yield
    }) : () -> ()
    %dma_start3A_827 = arith.constant 0 : i32
    %dma_start3A_828 = arith.constant 0 : i32
    %dma_start3A_829 = tpu.memref_slice %arg6[%dma_start3A_827, %dma_start3A_828] : memref<10000x128xf32, #tpu.memory_space<vmem_shared>> -> memref<10000x128xf32, #tpu.memory_space<vmem_shared>>
    tpu.enqueue_indirect_dma source(%arg15 : memref<128x128xf32, #tpu.memory_space<vmem>>) target(%dma_start3A_829 : memref<10000x128xf32, #tpu.memory_space<vmem_shared>>) offsets(%arg12 : memref<128xi32, #tpu.memory_space<vmem>>) semaphore(%arg20 : memref<!tpu.dma_semaphore, #tpu.memory_space<semaphore_mem>>) {add = true}
    %lt3A_830 = arith.constant 4 : i32
    %lt3A_831 = arith.cmpi slt, %add3A, %lt3A_830 : i32
    %convert_element_type3A_832 = arith.extui %lt3A_831 : i1 to i32
    %cond3A_833 = arith.constant 0 : i32
    %cond3A_834 = arith.cmpi ne, %convert_element_type3A_832, %cond3A_833 : i32
    scf.if %cond3A_834 {
      %dma_wait3A_865 = arith.constant 0 : i32
      %dma_wait3A_866 = arith.constant 0 : i32
      %dma_wait3A_867 = tpu.memref_slice %arg6[%dma_wait3A_865, %dma_wait3A_866] : memref<10000x128xf32, #tpu.memory_space<vmem_shared>> -> memref<10000x128xf32, #tpu.memory_space<vmem_shared>>
      tpu.wait_indirect_dma semaphore(%arg17 : memref<!tpu.dma_semaphore, #tpu.memory_space<semaphore_mem>>) src(%arg15 : memref<128x128xf32, #tpu.memory_space<vmem>>) dst(%dma_wait3A_867 : memref<10000x128xf32, #tpu.memory_space<vmem_shared>>)
      %add3A_868 = arith.constant 2496 : i32
      %add3A_869 = arith.addi %add3A, %add3A_868 : i32
      %min3A_870 = arith.constant 2499 : i32
      %min3A_871 = arith.minsi %add3A_869, %min3A_870 : i32
      %mul3A_872 = arith.constant 128 : i32
      %mul3A_873 = arith.muli %min3A_871, %mul3A_872 : i32
      %multiple_of3A_874 = tpu.assume_multiple %mul3A_873, 8 : i32
      %run_scoped3A_875 = arith.constant 1 : i32
      "tpu.region"() ({
        %run_scoped3A_882 = tpu.sem_alloc : memref<!tpu.dma_semaphore, #tpu.memory_space<semaphore_mem>>
        %dma_start3A_883 = tpu.memref_slice %arg3[%run_scoped3A_875, %multiple_of3A_874] : memref<2x320000xi32, #tpu.memory_space<hbm>> -> memref<1x128xi32, #tpu.memory_space<hbm>>
        %dma_start3A_884 = tpu.memref_squeeze %dma_start3A_883 : memref<1x128xi32, #tpu.memory_space<hbm>> -> memref<128xi32, #tpu.memory_space<hbm>>
        %dma_start3A_885 = tpu.memref_slice %arg3[%run_scoped3A_875, %multiple_of3A_874] : memref<2x320000xi32, #tpu.memory_space<hbm>> -> memref<1x128xi32, #tpu.memory_space<hbm>>
        %dma_start3A_886 = tpu.memref_squeeze %dma_start3A_885 : memref<1x128xi32, #tpu.memory_space<hbm>> -> memref<128xi32, #tpu.memory_space<hbm>>
        tpu.enqueue_dma source(%dma_start3A_886 : memref<128xi32, #tpu.memory_space<hbm>>) target(%arg13 : memref<128xi32, #tpu.memory_space<vmem>>) target_semaphore(%run_scoped3A_882 : memref<!tpu.dma_semaphore, #tpu.memory_space<semaphore_mem>>)
        %dma_wait3A_887 = tpu.memref_slice %arg3[%run_scoped3A_875, %multiple_of3A_874] : memref<2x320000xi32, #tpu.memory_space<hbm>> -> memref<1x128xi32, #tpu.memory_space<hbm>>
        %dma_wait3A_888 = tpu.memref_squeeze %dma_wait3A_887 : memref<1x128xi32, #tpu.memory_space<hbm>> -> memref<128xi32, #tpu.memory_space<hbm>>
        %dma_wait3A_889 = tpu.memref_slice %arg3[%run_scoped3A_875, %multiple_of3A_874] : memref<2x320000xi32, #tpu.memory_space<hbm>> -> memref<1x128xi32, #tpu.memory_space<hbm>>
        %dma_wait3A_890 = tpu.memref_squeeze %dma_wait3A_889 : memref<1x128xi32, #tpu.memory_space<hbm>> -> memref<128xi32, #tpu.memory_space<hbm>>
        tpu.wait_dma2 semaphore(%run_scoped3A_882 : memref<!tpu.dma_semaphore, #tpu.memory_space<semaphore_mem>>) src(%dma_wait3A_890 : memref<128xi32, #tpu.memory_space<hbm>>) dst(%arg13 : memref<128xi32, #tpu.memory_space<vmem>>)
        tpu.yield
      }) : () -> ()
      %dma_start3A_876 = arith.constant 0 : i32
      %dma_start3A_877 = arith.constant 0 : i32
      %dma_start3A_878 = tpu.memref_slice %arg6[%dma_start3A_876, %dma_start3A_877] : memref<10000x128xf32, #tpu.memory_space<vmem_shared>> -> memref<10000x128xf32, #tpu.memory_space<vmem_shared>>
      tpu.enqueue_indirect_dma source(%arg15 : memref<128x128xf32, #tpu.memory_space<vmem>>) target(%dma_start3A_878 : memref<10000x128xf32, #tpu.memory_space<vmem_shared>>) offsets(%arg13 : memref<128xi32, #tpu.memory_space<vmem>>) semaphore(%arg17 : memref<!tpu.dma_semaphore, #tpu.memory_space<semaphore_mem>>) {add = true}
      %dma_wait3A_879 = arith.constant 0 : i32
      %dma_wait3A_880 = arith.constant 0 : i32
      %dma_wait3A_881 = tpu.memref_slice %arg6[%dma_wait3A_879, %dma_wait3A_880] : memref<10000x128xf32, #tpu.memory_space<vmem_shared>> -> memref<10000x128xf32, #tpu.memory_space<vmem_shared>>
      tpu.wait_indirect_dma semaphore(%arg17 : memref<!tpu.dma_semaphore, #tpu.memory_space<semaphore_mem>>) src(%arg15 : memref<128x128xf32, #tpu.memory_space<vmem>>) dst(%dma_wait3A_881 : memref<10000x128xf32, #tpu.memory_space<vmem_shared>>)
    } else {
    }
    %ge3A_835 = arith.constant 4 : i32
    %ge3A_836 = arith.cmpi sge, %add3A, %ge3A_835 : i32
    %convert_element_type3A_837 = arith.extui %ge3A_836 : i1 to i32
    %cond3A_838 = arith.constant 0 : i32
    %cond3A_839 = arith.cmpi ne, %convert_element_type3A_837, %cond3A_838 : i32
    scf.if %cond3A_839 {
      %dma_wait3A_865 = arith.constant 0 : i32
      %dma_wait3A_866 = arith.constant 0 : i32
      %dma_wait3A_867 = tpu.memref_slice %arg6[%dma_wait3A_865, %dma_wait3A_866] : memref<10000x128xf32, #tpu.memory_space<vmem_shared>> -> memref<10000x128xf32, #tpu.memory_space<vmem_shared>>
      tpu.wait_indirect_dma semaphore(%arg17 : memref<!tpu.dma_semaphore, #tpu.memory_space<semaphore_mem>>) src(%arg15 : memref<128x128xf32, #tpu.memory_space<vmem>>) dst(%dma_wait3A_867 : memref<10000x128xf32, #tpu.memory_space<vmem_shared>>)
    } else {
    }
    %dma_wait3A_840 = arith.constant 0 : i32
    %dma_wait3A_841 = arith.constant 0 : i32
    %dma_wait3A_842 = tpu.memref_slice %arg6[%dma_wait3A_840, %dma_wait3A_841] : memref<10000x128xf32, #tpu.memory_space<vmem_shared>> -> memref<10000x128xf32, #tpu.memory_space<vmem_shared>>
    tpu.wait_indirect_dma semaphore(%arg18 : memref<!tpu.dma_semaphore, #tpu.memory_space<semaphore_mem>>) src(%arg15 : memref<128x128xf32, #tpu.memory_space<vmem>>) dst(%dma_wait3A_842 : memref<10000x128xf32, #tpu.memory_space<vmem_shared>>)
    %dma_wait3A_843 = arith.constant 0 : i32
    %dma_wait3A_844 = arith.constant 0 : i32
    %dma_wait3A_845 = tpu.memref_slice %arg6[%dma_wait3A_843, %dma_wait3A_844] : memref<10000x128xf32, #tpu.memory_space<vmem_shared>> -> memref<10000x128xf32, #tpu.memory_space<vmem_shared>>
    tpu.wait_indirect_dma semaphore(%arg19 : memref<!tpu.dma_semaphore, #tpu.memory_space<semaphore_mem>>) src(%arg15 : memref<128x128xf32, #tpu.memory_space<vmem>>) dst(%dma_wait3A_845 : memref<10000x128xf32, #tpu.memory_space<vmem_shared>>)
    %dma_wait3A_846 = arith.constant 0 : i32
    %dma_wait3A_847 = arith.constant 0 : i32
    %dma_wait3A_848 = tpu.memref_slice %arg6[%dma_wait3A_846, %dma_wait3A_847] : memref<10000x128xf32, #tpu.memory_space<vmem_shared>> -> memref<10000x128xf32, #tpu.memory_space<vmem_shared>>
    tpu.wait_indirect_dma semaphore(%arg20 : memref<!tpu.dma_semaphore, #tpu.memory_space<semaphore_mem>>) src(%arg15 : memref<128x128xf32, #tpu.memory_space<vmem>>) dst(%dma_wait3A_848 : memref<10000x128xf32, #tpu.memory_space<vmem_shared>>)
    %barrier3A_849 = arith.constant 0 : index
    tpu.barrier barrier_id(%barrier3A_849)
    %dma_start3A_850 = arith.constant 0 : i32
    %dma_start3A_851 = tpu.memref_slice %arg5[%arg0, %mul3A_2, %dma_start3A_850] : memref<2x10000x128xf32, #tpu.memory_space<hbm>> -> memref<1x624x128xf32, #tpu.memory_space<hbm>>
    %dma_start3A_852 = tpu.memref_squeeze %dma_start3A_851 : memref<1x624x128xf32, #tpu.memory_space<hbm>> -> memref<624x128xf32, #tpu.memory_space<hbm>>
    %dma_start3A_853 = arith.constant 0 : i32
    %dma_start3A_854 = tpu.memref_slice %arg6[%mul3A_2, %dma_start3A_853] : memref<10000x128xf32, #tpu.memory_space<vmem_shared>> -> memref<624x128xf32, #tpu.memory_space<vmem_shared>>
    tpu.enqueue_dma source(%dma_start3A_854 : memref<624x128xf32, #tpu.memory_space<vmem_shared>>) target(%dma_start3A_852 : memref<624x128xf32, #tpu.memory_space<hbm>>) target_semaphore(%arg25 : memref<!tpu.dma_semaphore, #tpu.memory_space<semaphore_mem>>)
    %eq3A_855 = arith.constant 15 : i32
    %eq3A_856 = arith.cmpi eq, %arg1, %eq3A_855 : i32
    %convert_element_type3A_857 = arith.extui %eq3A_856 : i1 to i32
    %cond3A_858 = arith.constant 0 : i32
    %cond3A_859 = arith.cmpi ne, %convert_element_type3A_857, %cond3A_858 : i32
    scf.if %cond3A_859 {
      "tpu.region"() ({
        %run_scoped3A_865 = tpu.sem_alloc : memref<!tpu.dma_semaphore, #tpu.memory_space<semaphore_mem>>
        %dma_start3A_866 = arith.constant 9984 : i32
        %dma_start3A_867 = arith.constant 0 : i32
        %dma_start3A_868 = tpu.memref_slice %arg5[%arg0, %dma_start3A_866, %dma_start3A_867] : memref<2x10000x128xf32, #tpu.memory_space<hbm>> -> memref<1x16x128xf32, #tpu.memory_space<hbm>>
        %dma_start3A_869 = tpu.memref_squeeze %dma_start3A_868 : memref<1x16x128xf32, #tpu.memory_space<hbm>> -> memref<16x128xf32, #tpu.memory_space<hbm>>
        %dma_start3A_870 = arith.constant 9984 : i32
        %dma_start3A_871 = arith.constant 0 : i32
        %dma_start3A_872 = tpu.memref_slice %arg6[%dma_start3A_870, %dma_start3A_871] : memref<10000x128xf32, #tpu.memory_space<vmem_shared>> -> memref<16x128xf32, #tpu.memory_space<vmem_shared>>
        tpu.enqueue_dma source(%dma_start3A_872 : memref<16x128xf32, #tpu.memory_space<vmem_shared>>) target(%dma_start3A_869 : memref<16x128xf32, #tpu.memory_space<hbm>>) target_semaphore(%run_scoped3A_865 : memref<!tpu.dma_semaphore, #tpu.memory_space<semaphore_mem>>)
        %dma_wait3A_873 = arith.constant 9984 : i32
        %dma_wait3A_874 = arith.constant 0 : i32
        %dma_wait3A_875 = tpu.memref_slice %arg5[%arg0, %dma_wait3A_873, %dma_wait3A_874] : memref<2x10000x128xf32, #tpu.memory_space<hbm>> -> memref<1x16x128xf32, #tpu.memory_space<hbm>>
        %dma_wait3A_876 = tpu.memref_squeeze %dma_wait3A_875 : memref<1x16x128xf32, #tpu.memory_space<hbm>> -> memref<16x128xf32, #tpu.memory_space<hbm>>
        %dma_wait3A_877 = arith.constant 9984 : i32
        %dma_wait3A_878 = arith.constant 0 : i32
        %dma_wait3A_879 = tpu.memref_slice %arg6[%dma_wait3A_877, %dma_wait3A_878] : memref<10000x128xf32, #tpu.memory_space<vmem_shared>> -> memref<16x128xf32, #tpu.memory_space<vmem_shared>>
        tpu.wait_dma2 semaphore(%run_scoped3A_865 : memref<!tpu.dma_semaphore, #tpu.memory_space<semaphore_mem>>) src(%dma_wait3A_879 : memref<16x128xf32, #tpu.memory_space<vmem_shared>>) dst(%dma_wait3A_876 : memref<16x128xf32, #tpu.memory_space<hbm>>)
        tpu.yield
      }) : () -> ()
    } else {
    }
    %dma_wait3A_860 = arith.constant 0 : i32
    %dma_wait3A_861 = tpu.memref_slice %arg5[%arg0, %mul3A_2, %dma_wait3A_860] : memref<2x10000x128xf32, #tpu.memory_space<hbm>> -> memref<1x624x128xf32, #tpu.memory_space<hbm>>
    %dma_wait3A_862 = tpu.memref_squeeze %dma_wait3A_861 : memref<1x624x128xf32, #tpu.memory_space<hbm>> -> memref<624x128xf32, #tpu.memory_space<hbm>>
    %dma_wait3A_863 = arith.constant 0 : i32
    %dma_wait3A_864 = tpu.memref_slice %arg6[%mul3A_2, %dma_wait3A_863] : memref<10000x128xf32, #tpu.memory_space<vmem_shared>> -> memref<624x128xf32, #tpu.memory_space<vmem_shared>>
    tpu.wait_dma2 semaphore(%arg25 : memref<!tpu.dma_semaphore, #tpu.memory_space<semaphore_mem>>) src(%dma_wait3A_864 : memref<624x128xf32, #tpu.memory_space<vmem_shared>>) dst(%dma_wait3A_862 : memref<624x128xf32, #tpu.memory_space<hbm>>)
    return
  }
}

</mosaic_0001>

<sc_bundles>
// kernel: _sc_aggregate.3.cloned.1.call-start
scs
__scs_entry_jumppad:
0x0: {  	(pc) =	sbr.rel $0x88, $3  }
0x1: {  	(tag) =	ssettag $0x0;
	lr =	simm.s32 $0x1  }
0x2: {  	[smem:$0x3F9F] =	sst lr;
	_ =	strace $0xD0000000  }
0x3: {  	_ = 	snop  }
0x4: {  	_ = 	snop  }
0x5: {  	_ = 	snop  }
0x6: {  	_ = 	snop  }
0x7: {  	_ = 	snop  }
__scs_overlays_trampoline_lowered:
0x8: {  	[smem:$0x3FAE] =	sst s0  }
0x9: {  	[smem:$0x3FAF] =	sst s1  }
0xa: {  	[smem:$0x3FB0] =	sst s2  }
0xb: {  	[smem:$0x3FB1] =	sst s3  }
0xc: {  	[smem:$0x3FB2] =	sst s4  }
0xd: {  	[smem:$0x3FB3] =	sst s5  }
0xe: {  	[smem:$0x3FB4] =	sst s6  }
0xf: {  	[smem:$0x3FB5] =	sst s7  }
0x10: {  	[smem:$0x3FB6] =	sst s8  }
0x11: {  	[smem:$0x3FB7] =	sst s9;
	s0 =	simm.s32 @!p0 $0x0  }
0x12: {  	s1 =	sld [smem:$0x3F9D];
	s0 =	simm.s32 @p0 $0x1  }
0x13: {  	[smem:$0x3FB8] =	sst s0;
	s0 =	simm.s32 @!p1 $0x0  }
0x14: {  	s2 =	sld [smem:$0x3F9C];
	s0 =	simm.s32 @p1 $0x1  }
0x15: {  	[smem:$0x3FB9] =	sst s0;
	s0 =	simm.s32 @!p2 $0x0  }
0x16: {  	s3 =	sld [smem:$0x3FDB];
	s0 =	simm.s32 @p2 $0x1  }
0x17: {  	s4 =	simm.s32 $0x1BF5;
	[smem:$0x3FBB] =	sst s0  }
0x18: {  	s0 =	sld [smem:$0x3F9E];
	_ =	swait.ge [sflag:s4], $0x0  }
0x19: {  	s7 =	sld [smem:$0x3F9F]  }
0x1a: {  	s8 =	sadd.s32 $0xFFFFE003, lr  }
0x1b: {  	s9 =	sadd.s32 $0xFFFFFEF7, lr;
	s5 =	simm.s32 $0xFFFFFFFF;
	p2 =	slt.u32 s8, $0xFFFFF086  }
0x1c: {  	p1 =	slt.u32 s9, $0xF7A;
	s5 =	simm.s32 @!p2 $0x0  }
0x1d: {  	s5 =	simm.s32 @p1 $0x1;
	p0 =	seq.s32 s7, s2  }
0x1e: {  	s7 =	smul.u32 @!p0 $0xF7A, s2;
	p2 =	seq.s32 @!p0 s5, $0x0  }
0x1f: {  	s9 =	smul.u32 $0xF7A, s1;
	s8 =	simm.s32 @!p0 $0x1BF5;
	p2 =	por !p2, p0  }
0x20: {  	[sflag:s8] =	ssyncset.s32 @!p0 $0xFFFFF086;
	s6 =	sadd.s32 @!p0 s3, s7;
	s7 =	simm.s32 @!p0 $0x108  }
0x21: {  	s3 =	sadd.s32 s3, s9;
	s6 =	sadd.s32 @!p0 $0x88, s6;
	s7 =	simm.s32 @p2 $0x1082  }
0x22: {  	[simem:s7], [sflag:s8] =	dma.local @!p0 [hbm:s6], $0xF7A  }
0x23: {  	s9 =	sor.u32 $0xD0000000, s2;
	s6 =	simm.s32 $0x108;
	_ =	swait.ge @!p0 [sflag:s8], $0x0  }
0x24: {  	s3 =	sadd.s32 $0x88, s3;
	s6 =	simm.s32 @!p1 $0x1082;
	[sflag:s4] =	ssyncset.s32 $0xFFFFF086  }
0x25: {  	[simem:s6], [sflag:s4] =	dma.local [hbm:s3], $0xF7A  }
0x26: {  	[smem:$0x3F9F] =	sst s1;
	(tag) =	ssettag s2;
	_ =	strace s9  }
0x27: {  	s1 =	sld [smem:$0x3FAF]  }
0x28: {  	s2 =	sld [smem:$0x3FB0]  }
0x29: {  	s4 =	sld [smem:$0x3FB2]  }
0x2a: {  	p0 =	seq.s32 s5, $0x0;
	s5 =	sld [smem:$0x3FB3]  }
0x2b: {  	s6 =	sld [smem:$0x3FB4]  }
0x2c: {  	s7 =	sld [smem:$0x3FB5]  }
0x2d: {  	s3 =	simm.s32 $0x108;
	s8 =	sld [smem:$0x3FB6]  }
0x2e: {  	s3 =	simm.s32 @!p0 $0x1082;
	s9 =	sld [smem:$0x3FB7]  }
0x2f: {  	lr =	sadd.s32 s0, s3;
	s0 =	sld [smem:$0x3FAE]  }
0x30: {  	s3 =	sld [smem:$0x3FB1]  }
0x31: {  	[smem:$0x3FBA] =	sst s10  }
0x32: {  	s10 =	sld [smem:$0x3FB8];
	_ =	sdelay $0x3  }
0x33: {  	p0 =	seq.s32 s10, $0x1;
	s10 =	sld [smem:$0x3FBA];
	_ =	sdelay $0x3  }
0x34: {  	[smem:$0x3FBA] =	sst s10  }
0x35: {  	s10 =	sld [smem:$0x3FB9];
	_ =	sdelay $0x3  }
0x36: {  	p1 =	seq.s32 s10, $0x1;
	s10 =	sld [smem:$0x3FBA];
	_ =	sdelay $0x3  }
0x37: {  	[smem:$0x3FBA] =	sst s10  }
0x38: {  	s10 =	sld [smem:$0x3FBB]  }
0x39: {  	_ = 	snop;
	(pc) =	sbr.ind lr, $3  }
0x3a: {  	_ = 	snop  }
0x3b: {  	_ = 	snop  }
0x3c: {  	p2 =	seq.s32 s10, $0x1;
	s10 =	sld [smem:$0x3FBA]  }
0x3d: {  	_ =	shalt  }
0x3e: {  	_ =	shalt  }
0x3f: {  	_ =	shalt  }
0x40: {  	_ =	shalt  }
0x41: {  	_ =	shalt  }
0x42: {  	_ =	shalt  }
0x43: {  	_ =	shalt  }
0x44: {  	_ =	shalt  }
0x45: {  	_ =	shalt  }
0x46: {  	_ =	shalt  }
0x47: {  	_ =	shalt  }
0x48: {  	_ =	shalt  }
0x49: {  	_ =	shalt  }
0x4a: {  	_ =	shalt  }
0x4b: {  	_ =	shalt  }
0x4c: {  	_ =	shalt  }
0x4d: {  	_ =	shalt  }
0x4e: {  	_ =	shalt  }
0x4f: {  	_ =	shalt  }
0x50: {  	_ =	shalt  }
0x51: {  	_ =	shalt  }
0x52: {  	_ =	shalt  }
0x53: {  	_ =	shalt  }
0x54: {  	_ =	shalt  }
0x55: {  	_ =	shalt  }
0x56: {  	_ =	shalt  }
0x57: {  	_ =	shalt  }
0x58: {  	_ =	shalt  }
0x59: {  	_ =	shalt  }
0x5a: {  	_ =	shalt  }
0x5b: {  	_ =	shalt  }
0x5c: {  	_ =	shalt  }
0x5d: {  	_ =	shalt  }
0x5e: {  	_ =	shalt  }
0x5f: {  	_ =	shalt  }
0x60: {  	_ =	shalt  }
0x61: {  	_ =	shalt  }
0x62: {  	_ =	shalt  }
0x63: {  	_ =	shalt  }
0x64: {  	_ =	shalt  }
0x65: {  	_ =	shalt  }
0x66: {  	_ =	shalt  }
0x67: {  	_ =	shalt  }
0x68: {  	_ =	shalt  }
0x69: {  	_ =	shalt  }
0x6a: {  	_ =	shalt  }
0x6b: {  	_ =	shalt  }
0x6c: {  	_ =	shalt  }
0x6d: {  	_ =	shalt  }
0x6e: {  	_ =	shalt  }
0x6f: {  	_ =	shalt  }
0x70: {  	_ =	shalt  }
0x71: {  	_ =	shalt  }
0x72: {  	_ =	shalt  }
0x73: {  	_ =	shalt  }
0x74: {  	_ =	shalt  }
0x75: {  	_ =	shalt  }
0x76: {  	_ =	shalt  }
0x77: {  	_ =	shalt  }
0x78: {  	_ =	shalt  }
0x79: {  	_ =	shalt  }
0x7a: {  	_ =	shalt  }
0x7b: {  	_ =	shalt  }
0x7c: {  	_ =	shalt  }
0x7d: {  	_ =	shalt  }
0x7e: {  	_ =	shalt  }
0x7f: {  	_ =	shalt  }
0x80: {  	_ =	shalt  }
0x81: {  	_ =	shalt  }
0x82: {  	_ =	shalt  }
0x83: {  	_ =	shalt  }
0x84: {  	_ =	shalt  }
0x85: {  	_ =	shalt  }
0x86: {  	_ =	shalt  }
0x87: {  	_ =	shalt  }
.Lfunc_end0:
.L_simem_size_0:
called_computation_lowered:
.L_overlay_start_0:
0x88: {  	s2 =	sld [smem:$0x3FD9]  }
0x89: {  	s3 =	sld [smem:$0x3FFE];
	_ =	sdelay $0x1  }
0x8a: {  	s1 =	srdreg.scid  }
0x8b: {  	s0 =	sand.u32 $0x1, s1  }
0x8c: {  	s15 =	sshll.u32 s0, $0xA;
	s2 =	sadd.s32 s3, s2  }
0x8d: {  	s2 =	sadd.s32 s2, s15  }
0x8e: {  	[smem:$0x3FC6] =	sst s2  }
0x8f: {  	_ = 	snop  }
0x90: {  	s2 =	sld [smem:$0x3FD0];
	_ =	sdelay $0x1  }
0x91: {  	s16 =	sld [smem:$0x3FC9]  }
0x92: {  	s5 =	simm.s32 $0xA;
	s6 =	simm.s32 $0x10;
	s4 =	sld [smem:$0x3FC8]  }
0x93: {  	[smem:s6], [sflag:s5] =	dma.local [hbm:s2], $0x1  }
0x94: {  	_ =	swait.eq [sflag:s5], $0x1  }
0x95: {  	[sflag:s5] =	ssyncset.done $0x0  }
0x96: {  	s17 =	sld [smem:$0x10];
	[sflag:s5] =	ssyncadd.s32 $0xFFFFFFFF  }
0x97: {  	s18 =	sld [smem:$0x11];
	(tm) =	ssettm $0x1  }
0x98: {  	s19 =	sld [smem:$0x3FFB];
	_ =	sdelay $0x3  }
0x99: {  	_ =	strace s19  }
0x9a: {  	s6 =	sld [smem:$0x3FFC];
	_ =	sdelay $0x3  }
0x9b: {  	_ =	strace s6  }
0x9c: {  	s6 =	sld [smem:$0x3FFD];
	_ =	sdelay $0x3  }
0x9d: {  	_ =	strace s6  }
0x9e: {  	_ =	strace $0x8FFFFFFF  }
0x9f: {  	s20 =	sld [smem:$0x3FDB];
	_ =	sdelay $0x1  }
0xa0: {  	s7 =	simm.s32 $_scs_section_size  }
0xa1: {  	s8 =	simm.s32 $_size__tile_overlayer_lowered;
	s9 =	simm.s32 $_tile_overlayer_lowered  }
0xa2: {  	s23 =	simm.s32 $0x1BFF;
	s22 =	sshll.u32 s9, $0x1;
	s6 =	sadd.s32 s7, s20  }
0xa3: {  	s10 =	simm.s32 $0x0;
	s21 =	sshll.u32 s8, $0x1;
	s8 =	sadd.s32 s22, s6  }
0xa4: {  	[timem:s10], [sflag:s23] =	dma.local [hbm:s8], s21  }
0xa5: {  	_ =	swait.ge [sflag:s23], s21  }
0xa6: {  	s7 =	ssub.s32 $0x0, s21;
	[sflag:s23] =	ssyncset.done $0x0  }
0xa7: {  	[sflag:s23] =	ssyncadd.s32 s7;
	_ =	sdelay $0x1  }
0xa8: {  	s24 =	simm.s32 $0x1B8B  }
0xa9: {  	_ =	swait.ge [sflag:s24], $0x1  }
0xaa: {  	[sflag:s24] =	ssyncset.done $0x0  }
0xab: {  	s25 =	simm.s32 $0x1B8E;
	[sflag:s24] =	ssyncadd.s32 $0xFFFFFFFF  }
0xac: {  	s26 =	simm.s32 $execute0_lowered;
	[smem:$0x3FD2] =	sst s25  }
0xad: {  	s7 =	sshll.u32 s26, $0x1;
	_ =	strace $0x80000046;
	[dreg:$0x1] =	wrdreg $0xFFFFFFFF  }
0xae: {  	s28 =	simm.s32 $_size_execute0_lowered;
	s6 =	sadd.s32 s6, s7;
	[dreg:$0x0] =	wrdreg $0x0  }
0xaf: {  	s7 =	sshll.u32 s28, $0x1;
	[dreg:$0x2] =	wrdreg s6  }
0xb0: {  	[dreg:$0x3] =	wrdreg s7  }
0xb1: {  	[dreg:$0x4] =	wrdreg $0xC0  }
0xb2: {  	_ =	task [dreg:s10], $0x5FFFF  }
0xb3: {  	[dreg:$0x1] =	wrdreg $0xFFFFFFFF  }
0xb4: {  	[dreg:$0x0] =	wrdreg $0x60  }
0xb5: {  	[dreg:$0x2] =	wrdreg s16  }
0xb6: {  	[dreg:$0x3] =	wrdreg s4  }
0xb7: {  	[dreg:$0x4] =	wrdreg s17  }
0xb8: {  	[dreg:$0x5] =	wrdreg s18  }
0xb9: {  	[dreg:$0x6] =	wrdreg $0x0  }
0xba: {  	[dreg:$0x7] =	wrdreg $0x9  }
0xbb: {  	_ =	task.clear_ibuf [dreg:s10], $0x8FFFF;
	_ =	strace $0x90000046  }
0xbc: {  	s29 =	simm.s32 $0x9;
	_ =	strace $0x80000048  }
0xbd: {  	_ =	swait.ge [sflag:s29], $0x1  }
0xbe: {  	[sflag:s29] =	ssyncadd.s32 $0xFFFFFFFF  }
0xbf: {  	_ =	strace $0x90000048  }
0xc0: {  	_ =	sfence  }
0xc1: {  	s30 =	sld [smem:$0x0];
	_ =	sdelay $0x2  }
0xc2: {  	s31 =	sshll.u32 s1, $0xD;
	s1 =	sshrl.u32 s1, $0x2  }
0xc3: {  	s3 =	sand.u32 $0x4000, s31;
	s1 =	sadd.s32 s1, s30  }
0xc4: {  	s0 =	sor.u32 s3, s0;
	s1 =	sshll.u32 s1, $0x11  }
0xc5: {  	s0 =	sor.u32 s1, s0  }
0xc6: {  	s0 =	sadd.s32 $0x8F2B, s0  }
0xc7: {  	[sflag:s0] =	ssyncadd.remote.s32 $0x1  }
0xc8: {  	_ =	sfence.sel $0xFFFF  }
0xc9: {  	[dreg:$0x0] =	wrdreg $0xFFFFFFFF;
	(pc) =	sbr.abs _section_cstart, $3  }
0xca: {  	[dreg:$0x1] =	wrdreg $0xFFFFFFFF  }
0xcb: {  	_ =	task.clear_ibuf [dreg:s10], $0x2FFFF;
	_ =	strace $0x9FFFFFFF  }
0xcc: {  	(tm) =	ssettm $0x7FFFFFFF  }
0xcd: {  	_ =	shalt  }
tec
execute0_lowered:
.L_overlay_start_1:
0x0: {  	(tag) =	ssettag $0x1  }
0x1: {  	s1 =	rddreg [dreg:$0x0]  }
0x2: {  	s2 =	rddreg [dreg:$0x1]  }
0x3: {  	s0 =	rddreg [dreg:$0x2]  }
0x4: {  	s3 =	rddreg [dreg:$0x3]  }
0x5: {  	s4 =	rddreg [dreg:$0x4];
	s12 =	stileid.u32  }
0x6: {  	s5 =	simm.s32 $0x0;
	s6 =	srdreg.scid;
	s7 =	smul.u32 $0x4E000, s12  }
0x7: {  	s28 =	simm.s32 $0x7;
	s29 =	simm.s32 $0x4;
	s30 =	simm.s32 $0x8  }
0x8: {  	[smem:$0x7FF] =	sst s5;
	s31 =	sshll.u32 s12, $0x6;
	s7 =	sshrl.u32 s7, $0x2  }
0x9: {  	_ =	strace $0x80000047;
	[dreg:$0x11] =	wrdreg s31;
	s13 =	sadd.s32 s7, s4  }
0xa: {  	s6 =	sand.u32 $0x1, s6;
	s7 =	sadd.s32 $0x1800, s13;
	[dreg:$0x6] =	wrdreg s13  }
0xb: {  	s10 =	sshll.u32 s12, $0x1;
	s18 =	sadd.s32 $0x3000, s13;
	[dreg:$0x7] =	wrdreg s7  }
0xc: {  	s22 =	smul.u32 $0x13800, s12;
	s20 =	sadd.s32 $0x4800, s13;
	[dreg:$0x8] =	wrdreg s18  }
0xd: {  	p0 =	sne.s32 s12, $0xF;
	s21 =	sadd.s32 $0x6000, s13;
	[dreg:$0x9] =	wrdreg s20  }
0xe: {  	p1 =	sgt.u32 s12, $0x1;
	s11 =	sadd.s32 $0x7800, s13;
	[dreg:$0xa] =	wrdreg s21  }
0xf: {  	s8 =	ssub.s32 $0x2, s6;
	s23 =	sadd.s32 $0x9000, s13;
	[dreg:$0xb] =	wrdreg s11  }
0x10: {  	s17 =	sor.u32 s6, s10;
	s24 =	sadd.s32 $0xA800, s13;
	[dreg:$0xc] =	wrdreg s23  }
0x11: {  	s19 =	smul.u32 $0x138800, s6;
	s25 =	sadd.s32 $0xC000, s13;
	[dreg:$0xd] =	wrdreg s24  }
0x12: {  	s6 =	sshll.u32 s6, $0x5;
	s12 =	sadd.s32 $0xD800, s13;
	[dreg:$0xe] =	wrdreg s25  }
0x13: {  	s10 =	sadd.s32 s22, s19;
	s15 =	sadd.s32 $0x10800, s13;
	[dreg:$0x18] =	wrdreg s12  }
0x14: {  	s10 =	sshrl.u32 s10, $0x3;
	s16 =	sadd.s32 $0x12000, s13;
	[dreg:$0x1a] =	wrdreg s15  }
0x15: {  	s9 =	sshrl.u32 s8, $0x1;
	s14 =	sadd.s32 s0, s10;
	[dreg:$0x1b] =	wrdreg s16  }
0x16: {  	s26 =	sshll.u32 s17, $0x5;
	s10 =	sadd.s32 s3, s10;
	[dreg:$0xf] =	wrdreg s14  }
0x17: {  	s8 =	ssub.s32 s8, s9;
	s11 =	sor.u32 $0xE0, s17;
	[dreg:$0x12] =	wrdreg s10  }
0x18: {  	s9 =	simm.s32 $0x13B80;
	s17 =	sadd.s32 $0x138000, s4;
	[dreg:$0x17] =	wrdreg s11  }
0x19: {  	s7 =	sshrl.u32 s19, $0x3;
	s10 =	smax.u32 s8, $0x1;
	[dreg:$0x1c] =	wrdreg s17  }
0x1a: {  	s7 =	sadd.s32 $0x27000, s7;
	s14 =	sadd.s32 $0xF000, s13;
	[dreg:$0x16] =	wrdreg s10  }
0x1b: {  	s20 =	sadd.s32 $0x10, s2;
	s0 =	sadd.s32 s0, s7;
	[dreg:$0x19] =	wrdreg s14  }
0x1c: {  	s15 =	simm.s32 $0x13A80;
	s3 =	sadd.s32 s3, s7;
	[dreg:$0x10] =	wrdreg s0  }
0x1d: {  	s7 =	sadd.s32 s26, s20;
	s0 =	sadd.s32 s31, s2;
	[dreg:$0x13] =	wrdreg s3  }
0x1e: {  	[dreg:$0x15] =	wrdreg s7;
	s21 =	sadd.s32 s6, s0;
	s6 =	sadd.s32 s2, s26  }
0x1f: {  	s12 =	simm.s32 $0x80;
	s18 =	sadd.s32 $0x400, s6;
	[dreg:$0x14] =	wrdreg s6  }
0x20: {  	s16 =	simm.s32 $0x6;
	s19 =	sadd.s32 $0x410, s6;
	[dreg:$0x1d] =	wrdreg s18  }
0x21: {  	s17 =	simm.s32 $0x9;
	s22 =	sadd.s32 $0x800, s6;
	[dreg:$0x1e] =	wrdreg s19  }
0x22: {  	s8 =	simm.s32 $0x13980;
	s23 =	sadd.s32 $0x810, s6;
	[dreg:$0x1f] =	wrdreg s22  }
0x23: {  	s11 =	simm.s32 $0x13C00;
	s24 =	sadd.s32 $0xC00, s6;
	[smem:$0x7F8] =	sst s23  }
0x24: {  	s13 =	simm.s32 $0x17C80;
	s25 =	sadd.s32 $0xC10, s6;
	[smem:$0x7F9] =	sst s24  }
0x25: {  	s10 =	simm.s32 $0x13A00;
	s26 =	sadd.s32 $0x13010, s6;
	[smem:$0x7FA] =	sst s25  }
0x26: {  	s14 =	simm.s32 $0x1;
	s31 =	sadd.s32 $0x13410, s6;
	[smem:$0x7FB] =	sst s26  }
0x27: {  	s7 =	simm.s32 $0x13B00;
	s0 =	sadd.s32 $0x13810, s6;
	[smem:$0x7FC] =	sst s31  }
0x28: {  	s3 =	simm.s32 $0x5;
	[smem:$0x7FD] =	sst s0;
	s18 =	simm.s32 $0x13C80  }
0x29: {  	s24 =	simm.s32 $0x13880;
	s0 =	simm.s32 $0xA;
	s22 =	simm.s32 $0x13900  }
0x2a: {  	v0 =	vimm.f32 $0.0e+00;
	v1 =	vimm.f32 $1.000000000e+00;
	s23 =	simm.s32 $0x2;
	s26 =	simm.s32 $0x3;
	s19 =	simm.s32 $0x0  }
.LBB2_1:
0x2b: {  	[smem:$0x7F7] =	sst s19;
	s6 =	simm.s32 $0x0;
	s25 =	simm.s32 $0x200  }
.LBB2_2:
0x2c: {  	p2 =	sne.s32 s25, $0x5E00;
	[tilespmem:s6+$0x13CF0] =	vst v0  }
0x2d: {  	[tilespmem:s6+$0x13C80] =	vst v0  }
0x2e: {  	[tilespmem:s6+$0x13C90] =	vst v0  }
.Ltmp0:
0x2f: {  	[tilespmem:s6+$0x13CA0] =	vst v0;
	(pc) =	sbr.rel @p2 .LBB2_2-.Ltmp0, $4  }
0x30: {  	[tilespmem:s6+$0x13CB0] =	vst v0  }
0x31: {  	[tilespmem:s6+$0x13CC0] =	vst v0  }
0x32: {  	[tilespmem:s6+$0x13CD0] =	vst v0  }
0x33: {  	[tilespmem:s6+$0x13CE0] =	vst v0;
	s6 =	sshra.s32 s25, $0x2;
	s25 =	sadd.s32 $0x200, s25  }
0x34: {  	[tilespmem:s6+$0x13CF0] =	vst v0  }
0x35: {  	[tilespmem:s6+$0x13C80] =	vst v0  }
0x36: {  	[tilespmem:s6+$0x13C90] =	vst v0  }
0x37: {  	[tilespmem:s6+$0x13CA0] =	vst v0  }
0x38: {  	[tilespmem:s6+$0x13CB0] =	vst v0  }
0x39: {  	[tilespmem:s6+$0x13CC0] =	vst v0  }
0x3a: {  	[tilespmem:s6+$0x13CD0] =	vst v0  }
0x3b: {  	[tilespmem:s6+$0x13CE0] =	vst v0;
	s25 =	rddreg [dreg:$0x6]  }
0x3c: {  	[spmem:s25] =	stream.linear.scatter [tilespmem:s18], [sflag:$0x9], $0x1800, $0x38;
	[tilespmem:$0x1BC80] =	vst v63  }
0x3d: {  	s31 =	rddreg [dreg:$0x7]  }
0x3e: {  	[spmem:s31] =	stream.linear.scatter [tilespmem:s18], [sflag:$0x9], $0x1800, $0x38;
	[tilespmem:$0x1BC80] =	vst v63  }
0x3f: {  	s19 =	rddreg [dreg:$0x8]  }
0x40: {  	[spmem:s19] =	stream.linear.scatter [tilespmem:s18], [sflag:$0x9], $0x1800, $0x38;
	[tilespmem:$0x1BC80] =	vst v63  }
0x41: {  	s25 =	rddreg [dreg:$0x9]  }
0x42: {  	[spmem:s25] =	stream.linear.scatter [tilespmem:s18], [sflag:$0x9], $0x1800, $0x38;
	[tilespmem:$0x1BC80] =	vst v63  }
0x43: {  	s31 =	rddreg [dreg:$0xa]  }
0x44: {  	[spmem:s31] =	stream.linear.scatter [tilespmem:s18], [sflag:$0x9], $0x1800, $0x38;
	[tilespmem:$0x1BC80] =	vst v63  }
0x45: {  	s19 =	rddreg [dreg:$0xb]  }
0x46: {  	[spmem:s19] =	stream.linear.scatter [tilespmem:s18], [sflag:$0x9], $0x1800, $0x38;
	[tilespmem:$0x1BC80] =	vst v63  }
0x47: {  	s25 =	rddreg [dreg:$0xc]  }
0x48: {  	[spmem:s25] =	stream.linear.scatter [tilespmem:s18], [sflag:$0x9], $0x1800, $0x38;
	[tilespmem:$0x1BC80] =	vst v63  }
0x49: {  	s31 =	rddreg [dreg:$0xd]  }
0x4a: {  	[spmem:s31] =	stream.linear.scatter [tilespmem:s18], [sflag:$0x9], $0x1800, $0x38;
	[tilespmem:$0x1BC80] =	vst v63  }
0x4b: {  	s19 =	rddreg [dreg:$0xe]  }
0x4c: {  	[spmem:s19] =	stream.linear.scatter [tilespmem:s18], [sflag:$0x9], $0x1800, $0x38;
	[tilespmem:$0x1BC80] =	vst v63  }
0x4d: {  	s25 =	rddreg [dreg:$0x18]  }
0x4e: {  	[spmem:s25] =	stream.linear.scatter [tilespmem:s18], [sflag:$0x9], $0x1800, $0x38;
	[tilespmem:$0x1BC80] =	vst v63  }
0x4f: {  	s31 =	rddreg [dreg:$0x19]  }
0x50: {  	[spmem:s31] =	stream.linear.scatter [tilespmem:s18], [sflag:$0x9], $0x1800, $0x38;
	[tilespmem:$0x1BC80] =	vst v63  }
0x51: {  	s19 =	rddreg [dreg:$0x1a]  }
0x52: {  	[spmem:s19] =	stream.linear.scatter [tilespmem:s18], [sflag:$0x9], $0x1800, $0x38;
	[tilespmem:$0x1BC80] =	vst v63  }
0x53: {  	s25 =	rddreg [dreg:$0x1b]  }
0x54: {  	[spmem:s25] =	stream.linear.scatter [tilespmem:s18], [sflag:$0x9], $0x1800, $0x38;
	[tilespmem:$0x1BC80] =	vst v63  }
0x55: {  	_ =	swait.ge [sflag:s17], $0x1800  }
0x56: {  	[sflag:s17] =	ssyncset.done $0x0  }
0x57: {  	[sflag:s17] =	ssyncadd.s32 $0xFFFFE800  }
0x58: {  	_ =	swait.ge [sflag:s17], $0x1800  }
0x59: {  	[sflag:s17] =	ssyncset.done $0x0  }
0x5a: {  	[sflag:s17] =	ssyncadd.s32 $0xFFFFE800  }
0x5b: {  	_ =	swait.ge [sflag:s17], $0x1800  }
0x5c: {  	[sflag:s17] =	ssyncset.done $0x0  }
0x5d: {  	[sflag:s17] =	ssyncadd.s32 $0xFFFFE800  }
0x5e: {  	_ =	swait.ge [sflag:s17], $0x1800  }
0x5f: {  	[sflag:s17] =	ssyncset.done $0x0  }
0x60: {  	[sflag:s17] =	ssyncadd.s32 $0xFFFFE800  }
0x61: {  	_ =	swait.ge [sflag:s17], $0x1800  }
0x62: {  	[sflag:s17] =	ssyncset.done $0x0  }
0x63: {  	[sflag:s17] =	ssyncadd.s32 $0xFFFFE800  }
0x64: {  	_ =	swait.ge [sflag:s17], $0x1800  }
0x65: {  	[sflag:s17] =	ssyncset.done $0x0  }
0x66: {  	[sflag:s17] =	ssyncadd.s32 $0xFFFFE800  }
0x67: {  	_ =	swait.ge [sflag:s17], $0x1800  }
0x68: {  	[sflag:s17] =	ssyncset.done $0x0  }
0x69: {  	[sflag:s17] =	ssyncadd.s32 $0xFFFFE800  }
0x6a: {  	_ =	swait.ge [sflag:s17], $0x1800  }
0x6b: {  	[sflag:s17] =	ssyncset.done $0x0  }
0x6c: {  	[sflag:s17] =	ssyncadd.s32 $0xFFFFE800  }
0x6d: {  	_ =	swait.ge [sflag:s17], $0x1800  }
0x6e: {  	[sflag:s17] =	ssyncset.done $0x0  }
0x6f: {  	[sflag:s17] =	ssyncadd.s32 $0xFFFFE800  }
0x70: {  	_ =	swait.ge [sflag:s17], $0x1800  }
0x71: {  	[sflag:s17] =	ssyncset.done $0x0  }
0x72: {  	[sflag:s17] =	ssyncadd.s32 $0xFFFFE800  }
0x73: {  	_ =	swait.ge [sflag:s17], $0x1800  }
0x74: {  	[sflag:s17] =	ssyncset.done $0x0  }
0x75: {  	[sflag:s17] =	ssyncadd.s32 $0xFFFFE800  }
0x76: {  	_ =	swait.ge [sflag:s17], $0x1800  }
0x77: {  	[sflag:s17] =	ssyncset.done $0x0  }
0x78: {  	[sflag:s17] =	ssyncadd.s32 $0xFFFFE800  }
0x79: {  	_ =	swait.ge [sflag:s17], $0x1800  }
0x7a: {  	[sflag:s17] =	ssyncset.done $0x0  }
0x7b: {  	s6 =	simm.s32 @!p0 $0x13C80;
	s19 =	rddreg [dreg:$0x1c];
	[sflag:s17] =	ssyncadd.s32 $0xFFFFE800  }
0x7c: {  	[spmem:s19] =	stream.linear.scatter @!p0 [tilespmem:s6], [sflag:$0xA], $0x800, $0x38;
	[tilespmem:$0x1BC80] =	vst v63  }
0x7d: {  	s6 =	simm.s32 @!p0 $0xA  }
0x7e: {  	_ =	swait.ge @!p0 [sflag:s6], $0x800  }
0x7f: {  	[sflag:s6] =	ssyncset.done @!p0 $0x0  }
0x80: {  	[sflag:s6] =	ssyncadd.s32 @!p0 $0xFFFFF800  }
0x81: {  	[bflag:$0x0] =	sbarrier.arrive $0xFFFF  }
0x82: {  	s6 =	simm.s32 $0x0;
	s31 =	rddreg [dreg:$0x14]  }
0x83: {  	[tilespmem:s24], [sflag:$0xA] =	stream.linear.gather [hbm4b:s31+s6], $0x80, $0x38;
	[tilespmem:$0x1BC80] =	vst v63  }
0x84: {  	_ =	swait.ge [sflag:s0], $0x80  }
0x85: {  	[sflag:s0] =	ssyncset.done $0x0  }
0x86: {  	s25 =	rddreg [dreg:$0x15];
	[sflag:s0] =	ssyncadd.s32 $0xFFFFFF80  }
0x87: {  	[tilespmem:s15], [sflag:$0xA] =	stream.linear.gather [hbm4b:s25+s6], $0x80, $0x38;
	[tilespmem:$0x1BC80] =	vst v63  }
0x88: {  	_ =	swait.ge [sflag:s0], $0x80  }
0x89: {  	[sflag:s0] =	ssyncset.done $0x0  }
0x8a: {  	s31 =	rddreg [dreg:$0x1d];
	[sflag:s0] =	ssyncadd.s32 $0xFFFFFF80  }
0x8b: {  	[tilespmem:s22], [sflag:$0xA] =	stream.linear.gather [hbm4b:s31+s6], $0x80, $0x38;
	[tilespmem:$0x1BC80] =	vst v63  }
0x8c: {  	_ =	swait.ge [sflag:s0], $0x80  }
0x8d: {  	[sflag:s0] =	ssyncset.done $0x0  }
0x8e: {  	s25 =	rddreg [dreg:$0x1e];
	[sflag:s0] =	ssyncadd.s32 $0xFFFFFF80  }
0x8f: {  	[tilespmem:s7], [sflag:$0xA] =	stream.linear.gather [hbm4b:s25+s6], $0x80, $0x38;
	[tilespmem:$0x1BC80] =	vst v63  }
0x90: {  	_ =	swait.ge [sflag:s0], $0x80  }
0x91: {  	[sflag:s0] =	ssyncset.done $0x0;
	s31 =	rddreg [dreg:$0x1f]  }
0x92: {  	s25 =	sld [smem:$0x7F8];
	[sflag:s0] =	ssyncadd.s32 $0xFFFFFF80  }
0x93: {  	[tilespmem:s8], [sflag:$0x7] =	stream.linear.gather [hbm4b:s31+s6], $0x80, $0x38;
	[tilespmem:$0x1BC80] =	vst v63  }
0x94: {  	s31 =	sld [smem:$0x7F9]  }
0x95: {  	[tilespmem:s9], [sflag:$0x7] =	stream.linear.gather [hbm4b:s25+s6], $0x80, $0x38;
	[tilespmem:$0x1BC80] =	vst v63  }
0x96: {  	s25 =	sld [smem:$0x7FA]  }
0x97: {  	[tilespmem:s10], [sflag:$0x8] =	stream.linear.gather [hbm4b:s31+s6], $0x80, $0x38;
	[tilespmem:$0x1BC80] =	vst v63  }
0x98: {  	_ = 	snop  }
0x99: {  	[tilespmem:s11], [sflag:$0x8] =	stream.linear.gather [hbm4b:s25+s6], $0x80, $0x38;
	[tilespmem:$0x1BC80] =	vst v63  }
0x9a: {  	_ = 	snop  }
0x9b: {  	[tilespmem:s18], [sflag:$0x1] =	stream.indirect.gather [hbm4b:s1+s12], $0x80, s24, s12, $0xb8;
	[tilespmem:$0x1BC80] =	vst v63  }
0x9c: {  	_ = 	snop  }
0x9d: {  	[tilespmem:s13], [sflag:$0x2] =	stream.indirect.gather [hbm4b:s1+s12], $0x80, s22, s12, $0xb8;
	[tilespmem:$0x1BC80] =	vst v63  }
0x9e: {  	_ =	swait.ge [sflag:s14], $0x4000  }
0x9f: {  	[sflag:s14] =	ssyncset.done $0x0  }
0xa0: {  	[sflag:s14] =	ssyncadd.s32 $0xFFFFC000  }
0xa1: {  	[spmem:s4] =	stream.indirect.scatter.add.f32 [tilespmem:s18], [sflag:$0x3], $0x80, s15, s12, $0xb8;
	[tilespmem:$0x1BC80] =	vst v63  }
0xa2: {  	_ =	swait.ge [sflag:s23], $0x4000  }
0xa3: {  	[sflag:s23] =	ssyncset.done $0x0  }
0xa4: {  	[sflag:s23] =	ssyncadd.s32 $0xFFFFC000  }
0xa5: {  	[spmem:s4] =	stream.indirect.scatter.add.f32 [tilespmem:s13], [sflag:$0x4], $0x80, s7, s12, $0xb8;
	[tilespmem:$0x1BC80] =	vst v63  }
0xa6: {  	_ =	swait.ge [sflag:s26], $0x4000  }
0xa7: {  	s6 =	sadd.s32 $0x0, s21;
	[sflag:s26] =	ssyncset.done $0x0  }
0xa8: {  	s25 =	sadd.s32 $0x1000, s6;
	[sflag:s26] =	ssyncadd.s32 $0xFFFFC000  }
0xa9: {  	[tilespmem:s24], [sflag:$0x5] =	stream.linear.gather [hbm4b:s25+s5], $0x80, $0x38;
	[tilespmem:$0x1BC80] =	vst v63  }
0xaa: {  	s31 =	sadd.s32 $0x1010, s6  }
0xab: {  	[tilespmem:s15], [sflag:$0x5] =	stream.linear.gather [hbm4b:s31+s5], $0x80, $0x38;
	[tilespmem:$0x1BC80] =	vst v63  }
0xac: {  	_ =	swait.ge [sflag:s28], $0x80  }
0xad: {  	[sflag:s28] =	ssyncset.done $0x0  }
0xae: {  	[sflag:s28] =	ssyncadd.s32 $0xFFFFFF80  }
0xaf: {  	_ =	swait.ge [sflag:s28], $0x80  }
0xb0: {  	[sflag:s28] =	ssyncset.done $0x0  }
0xb1: {  	[sflag:s28] =	ssyncadd.s32 $0xFFFFFF80  }
0xb2: {  	[tilespmem:s18], [sflag:$0x1] =	stream.indirect.gather [hbm4b:s1+s12], $0x80, s8, s12, $0xb8;
	[tilespmem:$0x1BC80] =	vst v63  }
0xb3: {  	_ =	swait.ge [sflag:s29], $0x4000  }
0xb4: {  	[sflag:s29] =	ssyncset.done $0x0  }
0xb5: {  	s19 =	sadd.s32 $0x1400, s6;
	[sflag:s29] =	ssyncadd.s32 $0xFFFFC000  }
0xb6: {  	[tilespmem:s22], [sflag:$0x6] =	stream.linear.gather [hbm4b:s19+s5], $0x80, $0x38;
	[tilespmem:$0x1BC80] =	vst v63  }
0xb7: {  	s6 =	sadd.s32 $0x1410, s6  }
0xb8: {  	[tilespmem:s7], [sflag:$0x6] =	stream.linear.gather [hbm4b:s6+s5], $0x80, $0x38;
	[tilespmem:$0x1BC80] =	vst v63  }
0xb9: {  	_ =	swait.ge [sflag:s30], $0x80  }
0xba: {  	[sflag:s30] =	ssyncset.done $0x0  }
0xbb: {  	[sflag:s30] =	ssyncadd.s32 $0xFFFFFF80  }
0xbc: {  	_ =	swait.ge [sflag:s30], $0x80  }
0xbd: {  	[sflag:s30] =	ssyncset.done $0x0  }
0xbe: {  	[sflag:s30] =	ssyncadd.s32 $0xFFFFFF80  }
0xbf: {  	[tilespmem:s13], [sflag:$0x2] =	stream.indirect.gather [hbm4b:s1+s12], $0x80, s10, s12, $0xb8;
	[tilespmem:$0x1BC80] =	vst v63  }
0xc0: {  	_ =	swait.ge [sflag:s14], $0x4000  }
0xc1: {  	[sflag:s14] =	ssyncset.done $0x0  }
0xc2: {  	[sflag:s14] =	ssyncadd.s32 $0xFFFFC000  }
0xc3: {  	[spmem:s4] =	stream.indirect.scatter.add.f32 [tilespmem:s18], [sflag:$0x3], $0x80, s9, s12, $0xb8;
	[tilespmem:$0x1BC80] =	vst v63  }
0xc4: {  	_ =	swait.ge [sflag:s23], $0x4000  }
0xc5: {  	s19 =	rddreg [dreg:$0x17]  }
0xc6: {  	[sflag:s23] =	ssyncset.done $0x0;
	s6 =	sadd.s32 $0xFFFFFFE0, s19  }
0xc7: {  	[sflag:s23] =	ssyncadd.s32 $0xFFFFC000;
	p2 =	slt.s32 s6, $0x9C3  }
0xc8: {  	[spmem:s4] =	stream.indirect.scatter.add.f32 [tilespmem:s13], [sflag:$0x4], $0x80, s11, s12, $0xb8;
	[tilespmem:$0x1BC80] =	vst v63  }
0xc9: {  	s6 =	simm.s32 @!p2 $0x9C3;
	_ =	swait.ge [sflag:s26], $0x4000  }
0xca: {  	s6 =	sshll.u32 s6, $0x5;
	[sflag:s26] =	ssyncset.done $0x0  }
0xcb: {  	s31 =	sadd.s32 s2, s6;
	[sflag:s26] =	ssyncadd.s32 $0xFFFFC000  }
0xcc: {  	[tilespmem:s8], [sflag:$0x7] =	stream.linear.gather [hbm4b:s31+s5], $0x80, $0x38;
	[tilespmem:$0x1BC80] =	vst v63  }
0xcd: {  	s6 =	sadd.s32 s6, s20  }
0xce: {  	[tilespmem:s9], [sflag:$0x7] =	stream.linear.gather [hbm4b:s6+s5], $0x80, $0x38;
	[tilespmem:$0x1BC80] =	vst v63  }
0xcf: {  	_ =	swait.ge [sflag:s3], $0x80  }
0xd0: {  	[sflag:s3] =	ssyncset.done $0x0  }
0xd1: {  	[sflag:s3] =	ssyncadd.s32 $0xFFFFFF80  }
0xd2: {  	_ =	swait.ge [sflag:s3], $0x80  }
0xd3: {  	[sflag:s3] =	ssyncset.done $0x0  }
0xd4: {  	p2 =	slt.s32 s19, $0x9C3;
	s6 =	smov.u32 s19;
	[sflag:s3] =	ssyncadd.s32 $0xFFFFFF80  }
0xd5: {  	[tilespmem:s18], [sflag:$0x1] =	stream.indirect.gather [hbm4b:s1+s12], $0x80, s24, s12, $0xb8;
	[tilespmem:$0x1BC80] =	vst v63  }
0xd6: {  	s6 =	simm.s32 @!p2 $0x9C3;
	_ =	swait.ge [sflag:s29], $0x4000  }
0xd7: {  	s6 =	sshll.u32 s6, $0x5;
	[sflag:s29] =	ssyncset.done $0x0  }
0xd8: {  	s31 =	sadd.s32 s2, s6;
	[sflag:s29] =	ssyncadd.s32 $0xFFFFC000  }
0xd9: {  	[tilespmem:s10], [sflag:$0x8] =	stream.linear.gather [hbm4b:s31+s5], $0x80, $0x38;
	[tilespmem:$0x1BC80] =	vst v63  }
0xda: {  	s6 =	sadd.s32 s6, s20  }
0xdb: {  	[tilespmem:s11], [sflag:$0x8] =	stream.linear.gather [hbm4b:s6+s5], $0x80, $0x38;
	[tilespmem:$0x1BC80] =	vst v63  }
0xdc: {  	_ =	swait.ge [sflag:s16], $0x80  }
0xdd: {  	[sflag:s16] =	ssyncset.done $0x0  }
0xde: {  	s25 =	smov.u32 s19;
	s6 =	simm.s32 $0x1000;
	[sflag:s16] =	ssyncadd.s32 $0xFFFFFF80  }
.LBB2_4:
0xdf: {  	p2 =	sne.s32 s6, $0x12000;
	_ =	swait.ge [sflag:s16], $0x80;
	s25 =	sadd.s32 $0x80, s25  }
0xe0: {  	s31 =	smov.u32 s6;
	s6 =	sadd.s32 $0x1000, s6;
	[sflag:s16] =	ssyncset.done $0x0  }
0xe1: {  	[sflag:s16] =	ssyncadd.s32 $0xFFFFFF80  }
0xe2: {  	[tilespmem:s13], [sflag:$0x2] =	stream.indirect.gather [hbm4b:s1+s12], $0x80, s22, s12, $0xb8;
	[tilespmem:$0x1BC80] =	vst v63  }
0xe3: {  	_ =	swait.ge [sflag:s14], $0x4000  }
0xe4: {  	[sflag:s14] =	ssyncset.done $0x0  }
0xe5: {  	[sflag:s14] =	ssyncadd.s32 $0xFFFFC000  }
0xe6: {  	[spmem:s4] =	stream.indirect.scatter.add.f32 [tilespmem:s18], [sflag:$0x3], $0x80, s15, s12, $0xb8;
	[tilespmem:$0x1BC80] =	vst v63  }
0xe7: {  	_ =	swait.ge [sflag:s23], $0x4000  }
0xe8: {  	[sflag:s23] =	ssyncset.done $0x0  }
0xe9: {  	[sflag:s23] =	ssyncadd.s32 $0xFFFFC000  }
0xea: {  	[spmem:s4] =	stream.indirect.scatter.add.f32 [tilespmem:s13], [sflag:$0x4], $0x80, s7, s12, $0xb8;
	[tilespmem:$0x1BC80] =	vst v63  }
0xeb: {  	_ =	swait.ge [sflag:s26], $0x4000  }
0xec: {  	s31 =	sadd.s32 s31, s21;
	[sflag:s26] =	ssyncset.done $0x0  }
0xed: {  	s19 =	sadd.s32 $0x1000, s31;
	[sflag:s26] =	ssyncadd.s32 $0xFFFFC000  }
0xee: {  	[tilespmem:s24], [sflag:$0x5] =	stream.linear.gather [hbm4b:s19+s5], $0x80, $0x38;
	[tilespmem:$0x1BC80] =	vst v63  }
0xef: {  	s19 =	sadd.s32 $0x1010, s31  }
0xf0: {  	[tilespmem:s15], [sflag:$0x5] =	stream.linear.gather [hbm4b:s19+s5], $0x80, $0x38;
	[tilespmem:$0x1BC80] =	vst v63  }
0xf1: {  	_ =	swait.ge [sflag:s28], $0x80  }
0xf2: {  	[sflag:s28] =	ssyncset.done $0x0  }
0xf3: {  	[sflag:s28] =	ssyncadd.s32 $0xFFFFFF80  }
0xf4: {  	_ =	swait.ge [sflag:s28], $0x80  }
0xf5: {  	[sflag:s28] =	ssyncset.done $0x0  }
0xf6: {  	[sflag:s28] =	ssyncadd.s32 $0xFFFFFF80  }
0xf7: {  	[tilespmem:s18], [sflag:$0x1] =	stream.indirect.gather [hbm4b:s1+s12], $0x80, s8, s12, $0xb8;
	[tilespmem:$0x1BC80] =	vst v63  }
0xf8: {  	_ =	swait.ge [sflag:s29], $0x4000  }
0xf9: {  	[sflag:s29] =	ssyncset.done $0x0  }
0xfa: {  	s19 =	sadd.s32 $0x1400, s31;
	[sflag:s29] =	ssyncadd.s32 $0xFFFFC000  }
0xfb: {  	[tilespmem:s22], [sflag:$0x6] =	stream.linear.gather [hbm4b:s19+s5], $0x80, $0x38;
	[tilespmem:$0x1BC80] =	vst v63  }
0xfc: {  	s19 =	sadd.s32 $0x1410, s31  }
0xfd: {  	[tilespmem:s7], [sflag:$0x6] =	stream.linear.gather [hbm4b:s19+s5], $0x80, $0x38;
	[tilespmem:$0x1BC80] =	vst v63  }
0xfe: {  	_ =	swait.ge [sflag:s30], $0x80  }
0xff: {  	[sflag:s30] =	ssyncset.done $0x0  }
0x100: {  	[sflag:s30] =	ssyncadd.s32 $0xFFFFFF80  }
0x101: {  	_ =	swait.ge [sflag:s30], $0x80  }
0x102: {  	[sflag:s30] =	ssyncset.done $0x0  }
0x103: {  	[sflag:s30] =	ssyncadd.s32 $0xFFFFFF80  }
0x104: {  	[tilespmem:s13], [sflag:$0x2] =	stream.indirect.gather [hbm4b:s1+s12], $0x80, s10, s12, $0xb8;
	[tilespmem:$0x1BC80] =	vst v63  }
0x105: {  	_ =	swait.ge [sflag:s14], $0x4000  }
0x106: {  	[sflag:s14] =	ssyncset.done $0x0  }
0x107: {  	s19 =	sadd.s32 $0xFFFFFFE0, s25;
	[sflag:s14] =	ssyncadd.s32 $0xFFFFC000  }
0x108: {  	[spmem:s4] =	stream.indirect.scatter.add.f32 [tilespmem:s18], [sflag:$0x3], $0x80, s9, s12, $0xb8;
	[tilespmem:$0x1BC80] =	vst v63  }
0x109: {  	p3 =	slt.s32 s19, $0x9C3;
	_ =	swait.ge [sflag:s23], $0x4000  }
0x10a: {  	s19 =	simm.s32 @!p3 $0x9C3;
	[sflag:s23] =	ssyncset.done $0x0  }
0x10b: {  	s19 =	sshll.u32 s19, $0x5;
	[sflag:s23] =	ssyncadd.s32 $0xFFFFC000  }
0x10c: {  	[spmem:s4] =	stream.indirect.scatter.add.f32 [tilespmem:s13], [sflag:$0x4], $0x80, s11, s12, $0xb8;
	[tilespmem:$0x1BC80] =	vst v63  }
0x10d: {  	_ =	swait.ge [sflag:s26], $0x4000  }
0x10e: {  	s31 =	sadd.s32 s2, s19;
	[sflag:s26] =	ssyncset.done $0x0  }
0x10f: {  	s19 =	sadd.s32 s19, s20;
	[sflag:s26] =	ssyncadd.s32 $0xFFFFC000  }
0x110: {  	[tilespmem:s8], [sflag:$0x7] =	stream.linear.gather [hbm4b:s31+s5], $0x80, $0x38;
	[tilespmem:$0x1BC80] =	vst v63  }
0x111: {  	_ = 	snop  }
0x112: {  	[tilespmem:s9], [sflag:$0x7] =	stream.linear.gather [hbm4b:s19+s5], $0x80, $0x38;
	[tilespmem:$0x1BC80] =	vst v63  }
0x113: {  	_ =	swait.ge [sflag:s3], $0x80  }
0x114: {  	[sflag:s3] =	ssyncset.done $0x0  }
0x115: {  	[sflag:s3] =	ssyncadd.s32 $0xFFFFFF80  }
0x116: {  	_ =	swait.ge [sflag:s3], $0x80  }
0x117: {  	p3 =	slt.s32 s25, $0x9C3;
	s19 =	smov.u32 s25;
	[sflag:s3] =	ssyncset.done $0x0  }
0x118: {  	s19 =	simm.s32 @!p3 $0x9C3;
	[sflag:s3] =	ssyncadd.s32 $0xFFFFFF80  }
0x119: {  	[tilespmem:s18], [sflag:$0x1] =	stream.indirect.gather [hbm4b:s1+s12], $0x80, s24, s12, $0xb8;
	[tilespmem:$0x1BC80] =	vst v63  }
0x11a: {  	s19 =	sshll.u32 s19, $0x5;
	_ =	swait.ge [sflag:s29], $0x4000  }
0x11b: {  	s31 =	sadd.s32 s2, s19;
	[sflag:s29] =	ssyncset.done $0x0  }
0x11c: {  	[sflag:s29] =	ssyncadd.s32 $0xFFFFC000  }
0x11d: {  	[tilespmem:s10], [sflag:$0x8] =	stream.linear.gather [hbm4b:s31+s5], $0x80, $0x38;
	[tilespmem:$0x1BC80] =	vst v63  }
.Ltmp1:
0x11e: {  	s19 =	sadd.s32 s19, s20;
	(pc) =	sbr.rel @p2 .LBB2_4-.Ltmp1, $4  }
0x11f: {  	[tilespmem:s11], [sflag:$0x8] =	stream.linear.gather [hbm4b:s19+s5], $0x80, $0x38;
	[tilespmem:$0x1BC80] =	vst v63  }
0x120: {  	_ =	swait.ge [sflag:s16], $0x80  }
0x121: {  	[sflag:s16] =	ssyncset.done $0x0  }
0x122: {  	[sflag:s16] =	ssyncadd.s32 $0xFFFFFF80  }
0x123: {  	_ =	swait.ge [sflag:s16], $0x80  }
0x124: {  	[sflag:s16] =	ssyncset.done $0x0  }
0x125: {  	[sflag:s16] =	ssyncadd.s32 $0xFFFFFF80  }
0x126: {  	[tilespmem:s13], [sflag:$0x2] =	stream.indirect.gather [hbm4b:s1+s12], $0x80, s22, s12, $0xb8;
	[tilespmem:$0x1BC80] =	vst v63  }
0x127: {  	_ =	swait.ge [sflag:s14], $0x4000  }
0x128: {  	[sflag:s14] =	ssyncset.done $0x0  }
0x129: {  	[sflag:s14] =	ssyncadd.s32 $0xFFFFC000  }
0x12a: {  	[spmem:s4] =	stream.indirect.scatter.add.f32 [tilespmem:s18], [sflag:$0x3], $0x80, s15, s12, $0xb8;
	[tilespmem:$0x1BC80] =	vst v63  }
0x12b: {  	_ =	swait.ge [sflag:s23], $0x4000  }
0x12c: {  	[sflag:s23] =	ssyncset.done $0x0  }
0x12d: {  	[sflag:s23] =	ssyncadd.s32 $0xFFFFC000  }
0x12e: {  	[spmem:s4] =	stream.indirect.scatter.add.f32 [tilespmem:s13], [sflag:$0x4], $0x80, s7, s12, $0xb8;
	[tilespmem:$0x1BC80] =	vst v63  }
0x12f: {  	_ =	swait.ge [sflag:s26], $0x4000  }
0x130: {  	[sflag:s26] =	ssyncset.done $0x0  }
0x131: {  	[sflag:s26] =	ssyncadd.s32 $0xFFFFC000  }
0x132: {  	_ =	swait.ge [sflag:s29], $0x4000  }
0x133: {  	[sflag:s29] =	ssyncset.done $0x0  }
0x134: {  	[sflag:s29] =	ssyncadd.s32 $0xFFFFC000  }
0x135: {  	_ =	swait.ge [sflag:s28], $0x80  }
0x136: {  	[sflag:s28] =	ssyncset.done $0x0  }
0x137: {  	[sflag:s28] =	ssyncadd.s32 $0xFFFFFF80  }
0x138: {  	_ =	swait.ge [sflag:s28], $0x80  }
0x139: {  	s6 =	simm.s32 @!p1 $0x80;
	[sflag:s28] =	ssyncset.done $0x0  }
0x13a: {  	s19 =	simm.s32 @!p1 $0x13980;
	s25 =	simm.s32 @!p1 $0x13C80;
	[sflag:s28] =	ssyncadd.s32 $0xFFFFFF80  }
0x13b: {  	[tilespmem:s25], [sflag:$0x1] =	stream.indirect.gather @!p1 [hbm4b:s1+s6], $0x80, s19, s6, $0xb8;
	[tilespmem:$0x1BC80] =	vst v63  }
0x13c: {  	s19 =	simm.s32 @!p1 $0x1  }
0x13d: {  	_ =	swait.ge @!p1 [sflag:s19], $0x4000  }
0x13e: {  	[sflag:s19] =	ssyncset.done @!p1 $0x0  }
0x13f: {  	[sflag:s19] =	ssyncadd.s32 @!p1 $0xFFFFC000;
	s19 =	simm.s32 @!p1 $0x13B80  }
0x140: {  	[spmem:s4] =	stream.indirect.scatter.add.f32 @!p1 [tilespmem:s25], [sflag:$0x3], $0x80, s19, s6, $0xb8;
	[tilespmem:$0x1BC80] =	vst v63  }
0x141: {  	s6 =	simm.s32 @!p1 $0x3  }
0x142: {  	_ =	swait.ge @!p1 [sflag:s6], $0x4000  }
0x143: {  	[sflag:s6] =	ssyncset.done @!p1 $0x0  }
0x144: {  	[sflag:s6] =	ssyncadd.s32 @!p1 $0xFFFFC000  }
0x145: {  	_ =	swait.ge [sflag:s30], $0x80  }
0x146: {  	[sflag:s30] =	ssyncset.done $0x0  }
0x147: {  	[sflag:s30] =	ssyncadd.s32 $0xFFFFFF80  }
0x148: {  	_ =	swait.ge [sflag:s30], $0x80  }
0x149: {  	[sflag:s30] =	ssyncset.done $0x0  }
0x14a: {  	[sflag:s30] =	ssyncadd.s32 $0xFFFFFF80  }
0x14b: {  	[bflag:$0x0] =	sbarrier.arrive $0xFFFF  }
0x14c: {  	s19 =	rddreg [dreg:$0x11]  }
0x14d: {  	s25 =	rddreg [dreg:$0x6]  }
0x14e: {  	s6 =	rddreg [dreg:$0xf];
	s19 =	sor.u32 $0x1C09, s19  }
0x14f: {  	s25 =	sshrl.u32 s25, $0x3;
	[smem:$0x7F5] =	sst s19  }
0x150: {  	[smem:$0x7F6] =	sst s25  }
0x151: {  	[hbm:s6], [sflag:s19] =	dma.local [spmem:s25], $0x2700  }
0x152: {  	s6 =	rddreg [dreg:$0x1c]  }
0x153: {  	s19 =	rddreg [dreg:$0x10];
	s25 =	sshrl.u32 @!p0 s6, $0x3;
	s6 =	simm.s32 @!p0 $0x1FCA  }
0x154: {  	[hbm:s19], [sflag:s6] =	dma.local @!p0 [spmem:s25], $0x100  }
0x155: {  	s6 =	simm.s32 @!p0 $0xA  }
0x156: {  	_ =	swait.ge @!p0 [sflag:s6], $0x100  }
0x157: {  	[sflag:s6] =	ssyncset.done @!p0 $0x0  }
0x158: {  	[sflag:s6] =	ssyncadd.s32 @!p0 $0xFFFFFF00  }
0x159: {  	_ =	swait.ge [sflag:s17], $0x2700  }
0x15a: {  	[sflag:s17] =	ssyncset.done $0x0  }
0x15b: {  	[sflag:s17] =	ssyncadd.s32 $0xFFFFD900  }
0x15c: {  	s31 =	simm.s32 $0x0;
	s6 =	simm.s32 $0x200;
	[bflag:$0x0] =	sbarrier.arrive $0xFFFF  }
.LBB2_6:
0x15d: {  	p2 =	sne.s32 s6, $0x5E00;
	[tilespmem:s31+$0x13CF0] =	vst v0  }
0x15e: {  	[tilespmem:s31+$0x13C80] =	vst v0  }
0x15f: {  	[tilespmem:s31+$0x13C90] =	vst v0  }
.Ltmp2:
0x160: {  	[tilespmem:s31+$0x13CA0] =	vst v0;
	(pc) =	sbr.rel @p2 .LBB2_6-.Ltmp2, $4  }
0x161: {  	[tilespmem:s31+$0x13CB0] =	vst v0  }
0x162: {  	[tilespmem:s31+$0x13CC0] =	vst v0  }
0x163: {  	[tilespmem:s31+$0x13CD0] =	vst v0  }
0x164: {  	[tilespmem:s31+$0x13CE0] =	vst v0;
	s31 =	sshra.s32 s6, $0x2;
	s6 =	sadd.s32 $0x200, s6  }
0x165: {  	[tilespmem:s31+$0x13CF0] =	vst v0  }
0x166: {  	[tilespmem:s31+$0x13C80] =	vst v0  }
0x167: {  	[tilespmem:s31+$0x13C90] =	vst v0  }
0x168: {  	[tilespmem:s31+$0x13CA0] =	vst v0  }
0x169: {  	[tilespmem:s31+$0x13CB0] =	vst v0  }
0x16a: {  	[tilespmem:s31+$0x13CC0] =	vst v0  }
0x16b: {  	[tilespmem:s31+$0x13CD0] =	vst v0  }
0x16c: {  	[tilespmem:s31+$0x13CE0] =	vst v0;
	s6 =	rddreg [dreg:$0x6]  }
0x16d: {  	[spmem:s6] =	stream.linear.scatter [tilespmem:s18], [sflag:$0x9], $0x1800, $0x38;
	[tilespmem:$0x1BC80] =	vst v63  }
0x16e: {  	s19 =	rddreg [dreg:$0x7]  }
0x16f: {  	[spmem:s19] =	stream.linear.scatter [tilespmem:s18], [sflag:$0x9], $0x1800, $0x38;
	[tilespmem:$0x1BC80] =	vst v63  }
0x170: {  	s19 =	rddreg [dreg:$0x8]  }
0x171: {  	[spmem:s19] =	stream.linear.scatter [tilespmem:s18], [sflag:$0x9], $0x1800, $0x38;
	[tilespmem:$0x1BC80] =	vst v63  }
0x172: {  	s19 =	rddreg [dreg:$0x9]  }
0x173: {  	[spmem:s19] =	stream.linear.scatter [tilespmem:s18], [sflag:$0x9], $0x1800, $0x38;
	[tilespmem:$0x1BC80] =	vst v63  }
0x174: {  	s19 =	rddreg [dreg:$0xa]  }
0x175: {  	[spmem:s19] =	stream.linear.scatter [tilespmem:s18], [sflag:$0x9], $0x1800, $0x38;
	[tilespmem:$0x1BC80] =	vst v63  }
0x176: {  	s19 =	rddreg [dreg:$0xb]  }
0x177: {  	[spmem:s19] =	stream.linear.scatter [tilespmem:s18], [sflag:$0x9], $0x1800, $0x38;
	[tilespmem:$0x1BC80] =	vst v63  }
0x178: {  	s19 =	rddreg [dreg:$0xc]  }
0x179: {  	[spmem:s19] =	stream.linear.scatter [tilespmem:s18], [sflag:$0x9], $0x1800, $0x38;
	[tilespmem:$0x1BC80] =	vst v63  }
0x17a: {  	s19 =	rddreg [dreg:$0xd]  }
0x17b: {  	[spmem:s19] =	stream.linear.scatter [tilespmem:s18], [sflag:$0x9], $0x1800, $0x38;
	[tilespmem:$0x1BC80] =	vst v63  }
0x17c: {  	s19 =	rddreg [dreg:$0xe]  }
0x17d: {  	[spmem:s19] =	stream.linear.scatter [tilespmem:s18], [sflag:$0x9], $0x1800, $0x38;
	[tilespmem:$0x1BC80] =	vst v63  }
0x17e: {  	s19 =	rddreg [dreg:$0x18]  }
0x17f: {  	[spmem:s19] =	stream.linear.scatter [tilespmem:s18], [sflag:$0x9], $0x1800, $0x38;
	[tilespmem:$0x1BC80] =	vst v63  }
0x180: {  	s19 =	rddreg [dreg:$0x19]  }
0x181: {  	[spmem:s19] =	stream.linear.scatter [tilespmem:s18], [sflag:$0x9], $0x1800, $0x38;
	[tilespmem:$0x1BC80] =	vst v63  }
0x182: {  	s19 =	rddreg [dreg:$0x1a]  }
0x183: {  	[spmem:s19] =	stream.linear.scatter [tilespmem:s18], [sflag:$0x9], $0x1800, $0x38;
	[tilespmem:$0x1BC80] =	vst v63  }
0x184: {  	s19 =	rddreg [dreg:$0x1b]  }
0x185: {  	[spmem:s19] =	stream.linear.scatter [tilespmem:s18], [sflag:$0x9], $0x1800, $0x38;
	[tilespmem:$0x1BC80] =	vst v63  }
0x186: {  	_ =	swait.ge [sflag:s17], $0x1800  }
0x187: {  	[sflag:s17] =	ssyncset.done $0x0  }
0x188: {  	[sflag:s17] =	ssyncadd.s32 $0xFFFFE800  }
0x189: {  	_ =	swait.ge [sflag:s17], $0x1800  }
0x18a: {  	[sflag:s17] =	ssyncset.done $0x0  }
0x18b: {  	[sflag:s17] =	ssyncadd.s32 $0xFFFFE800  }
0x18c: {  	_ =	swait.ge [sflag:s17], $0x1800  }
0x18d: {  	[sflag:s17] =	ssyncset.done $0x0  }
0x18e: {  	[sflag:s17] =	ssyncadd.s32 $0xFFFFE800  }
0x18f: {  	_ =	swait.ge [sflag:s17], $0x1800  }
0x190: {  	[sflag:s17] =	ssyncset.done $0x0  }
0x191: {  	[sflag:s17] =	ssyncadd.s32 $0xFFFFE800  }
0x192: {  	_ =	swait.ge [sflag:s17], $0x1800  }
0x193: {  	[sflag:s17] =	ssyncset.done $0x0  }
0x194: {  	[sflag:s17] =	ssyncadd.s32 $0xFFFFE800  }
0x195: {  	_ =	swait.ge [sflag:s17], $0x1800  }
0x196: {  	[sflag:s17] =	ssyncset.done $0x0  }
0x197: {  	[sflag:s17] =	ssyncadd.s32 $0xFFFFE800  }
0x198: {  	_ =	swait.ge [sflag:s17], $0x1800  }
0x199: {  	[sflag:s17] =	ssyncset.done $0x0  }
0x19a: {  	[sflag:s17] =	ssyncadd.s32 $0xFFFFE800  }
0x19b: {  	_ =	swait.ge [sflag:s17], $0x1800  }
0x19c: {  	[sflag:s17] =	ssyncset.done $0x0  }
0x19d: {  	[sflag:s17] =	ssyncadd.s32 $0xFFFFE800  }
0x19e: {  	_ =	swait.ge [sflag:s17], $0x1800  }
0x19f: {  	[sflag:s17] =	ssyncset.done $0x0  }
0x1a0: {  	[sflag:s17] =	ssyncadd.s32 $0xFFFFE800  }
0x1a1: {  	_ =	swait.ge [sflag:s17], $0x1800  }
0x1a2: {  	[sflag:s17] =	ssyncset.done $0x0  }
0x1a3: {  	[sflag:s17] =	ssyncadd.s32 $0xFFFFE800  }
0x1a4: {  	_ =	swait.ge [sflag:s17], $0x1800  }
0x1a5: {  	[sflag:s17] =	ssyncset.done $0x0  }
0x1a6: {  	[sflag:s17] =	ssyncadd.s32 $0xFFFFE800  }
0x1a7: {  	_ =	swait.ge [sflag:s17], $0x1800  }
0x1a8: {  	[sflag:s17] =	ssyncset.done $0x0  }
0x1a9: {  	[sflag:s17] =	ssyncadd.s32 $0xFFFFE800  }
0x1aa: {  	_ =	swait.ge [sflag:s17], $0x1800  }
0x1ab: {  	[sflag:s17] =	ssyncset.done $0x0  }
0x1ac: {  	s6 =	simm.s32 @!p0 $0x13C80;
	s19 =	rddreg [dreg:$0x1c];
	[sflag:s17] =	ssyncadd.s32 $0xFFFFE800  }
0x1ad: {  	[spmem:s19] =	stream.linear.scatter @!p0 [tilespmem:s6], [sflag:$0xA], $0x800, $0x38;
	[tilespmem:$0x1BC80] =	vst v63  }
0x1ae: {  	s6 =	simm.s32 @!p0 $0xA  }
0x1af: {  	_ =	swait.ge @!p0 [sflag:s6], $0x800  }
0x1b0: {  	[sflag:s6] =	ssyncset.done @!p0 $0x0  }
0x1b1: {  	[sflag:s6] =	ssyncadd.s32 @!p0 $0xFFFFF800  }
0x1b2: {  	s31 =	simm.s32 $0x0;
	s6 =	simm.s32 $0x200;
	[bflag:$0x0] =	sbarrier.arrive $0xFFFF  }
.LBB2_8:
0x1b3: {  	p2 =	sne.s32 s6, $0xFE00;
	[tilespmem:s31+$0x13CF0] =	vst v1  }
0x1b4: {  	[tilespmem:s31+$0x13C80] =	vst v1  }
0x1b5: {  	[tilespmem:s31+$0x13C90] =	vst v1  }
.Ltmp3:
0x1b6: {  	[tilespmem:s31+$0x13CA0] =	vst v1;
	(pc) =	sbr.rel @p2 .LBB2_8-.Ltmp3, $4  }
0x1b7: {  	[tilespmem:s31+$0x13CB0] =	vst v1  }
0x1b8: {  	[tilespmem:s31+$0x13CC0] =	vst v1  }
0x1b9: {  	[tilespmem:s31+$0x13CD0] =	vst v1  }
0x1ba: {  	[tilespmem:s31+$0x13CE0] =	vst v1;
	s31 =	sshra.s32 s6, $0x2;
	s6 =	sadd.s32 $0x200, s6  }
0x1bb: {  	[tilespmem:s31+$0x13CF0] =	vst v1  }
0x1bc: {  	[tilespmem:s31+$0x13C80] =	vst v1  }
0x1bd: {  	[tilespmem:s31+$0x13C90] =	vst v1  }
0x1be: {  	[tilespmem:s31+$0x13CA0] =	vst v1  }
0x1bf: {  	[tilespmem:s31+$0x13CB0] =	vst v1  }
0x1c0: {  	[tilespmem:s31+$0x13CC0] =	vst v1  }
0x1c1: {  	[tilespmem:s31+$0x13CD0] =	vst v1  }
0x1c2: {  	[tilespmem:s31+$0x13CE0] =	vst v1;
	s6 =	simm.s32 $0x0;
	s19 =	rddreg [dreg:$0x15]  }
0x1c3: {  	[tilespmem:s15], [sflag:$0xA] =	stream.linear.gather [hbm4b:s19+s6], $0x80, $0x38;
	[tilespmem:$0x1BC80] =	vst v63  }
0x1c4: {  	_ =	swait.ge [sflag:s0], $0x80  }
0x1c5: {  	[sflag:s0] =	ssyncset.done $0x0  }
0x1c6: {  	[sflag:s0] =	ssyncadd.s32 $0xFFFFFF80  }
0x1c7: {  	[spmem:s4] =	stream.indirect.scatter.add.f32 [tilespmem:s18], [sflag:$0x3], $0x80, s15, s12, $0xb8;
	[tilespmem:$0x1BC80] =	vst v63  }
0x1c8: {  	s19 =	rddreg [dreg:$0x1e]  }
0x1c9: {  	[tilespmem:s7], [sflag:$0xA] =	stream.linear.gather [hbm4b:s19+s6], $0x80, $0x38;
	[tilespmem:$0x1BC80] =	vst v63  }
0x1ca: {  	_ =	swait.ge [sflag:s0], $0x80  }
0x1cb: {  	[sflag:s0] =	ssyncset.done $0x0  }
0x1cc: {  	s19 =	sld [smem:$0x7F8];
	[sflag:s0] =	ssyncadd.s32 $0xFFFFFF80  }
0x1cd: {  	[spmem:s4] =	stream.indirect.scatter.add.f32 [tilespmem:s18], [sflag:$0x4], $0x80, s7, s12, $0xb8;
	[tilespmem:$0x1BC80] =	vst v63  }
0x1ce: {  	_ = 	snop  }
0x1cf: {  	[tilespmem:s9], [sflag:$0xA] =	stream.linear.gather [hbm4b:s19+s6], $0x80, $0x38;
	[tilespmem:$0x1BC80] =	vst v63  }
0x1d0: {  	_ =	swait.ge [sflag:s0], $0x80  }
0x1d1: {  	[sflag:s0] =	ssyncset.done $0x0  }
0x1d2: {  	s19 =	sld [smem:$0x7FA];
	[sflag:s0] =	ssyncadd.s32 $0xFFFFFF80  }
0x1d3: {  	[spmem:s4] =	stream.indirect.scatter.add.f32 [tilespmem:s18], [sflag:$0x1], $0x80, s9, s12, $0xb8;
	[tilespmem:$0x1BC80] =	vst v63  }
0x1d4: {  	_ = 	snop  }
0x1d5: {  	[tilespmem:s11], [sflag:$0xA] =	stream.linear.gather [hbm4b:s19+s6], $0x80, $0x38;
	[tilespmem:$0x1BC80] =	vst v63  }
0x1d6: {  	_ =	swait.ge [sflag:s0], $0x80  }
0x1d7: {  	[sflag:s0] =	ssyncset.done $0x0  }
0x1d8: {  	[sflag:s0] =	ssyncadd.s32 $0xFFFFFF80  }
0x1d9: {  	[spmem:s4] =	stream.indirect.scatter.add.f32 [tilespmem:s18], [sflag:$0x2], $0x80, s11, s12, $0xb8;
	[tilespmem:$0x1BC80] =	vst v63  }
0x1da: {  	_ =	swait.ge [sflag:s26], $0x4000  }
0x1db: {  	s6 =	sadd.s32 $0x0, s21;
	[sflag:s26] =	ssyncset.done $0x0  }
0x1dc: {  	s19 =	sadd.s32 $0x1010, s6;
	[sflag:s26] =	ssyncadd.s32 $0xFFFFC000  }
0x1dd: {  	[tilespmem:s15], [sflag:$0xA] =	stream.linear.gather [hbm4b:s19+s5], $0x80, $0x38;
	[tilespmem:$0x1BC80] =	vst v63  }
0x1de: {  	_ =	swait.ge [sflag:s0], $0x80  }
0x1df: {  	[sflag:s0] =	ssyncset.done $0x0  }
0x1e0: {  	[sflag:s0] =	ssyncadd.s32 $0xFFFFFF80  }
0x1e1: {  	[spmem:s4] =	stream.indirect.scatter.add.f32 [tilespmem:s18], [sflag:$0x3], $0x80, s15, s12, $0xb8;
	[tilespmem:$0x1BC80] =	vst v63  }
0x1e2: {  	_ =	swait.ge [sflag:s29], $0x4000  }
0x1e3: {  	[sflag:s29] =	ssyncset.done $0x0  }
0x1e4: {  	s19 =	sadd.s32 $0x1410, s6;
	[sflag:s29] =	ssyncadd.s32 $0xFFFFC000  }
0x1e5: {  	[tilespmem:s7], [sflag:$0xA] =	stream.linear.gather [hbm4b:s19+s5], $0x80, $0x38;
	[tilespmem:$0x1BC80] =	vst v63  }
0x1e6: {  	_ =	swait.ge [sflag:s0], $0x80  }
0x1e7: {  	[sflag:s0] =	ssyncset.done $0x0  }
0x1e8: {  	[sflag:s0] =	ssyncadd.s32 $0xFFFFFF80  }
0x1e9: {  	[spmem:s4] =	stream.indirect.scatter.add.f32 [tilespmem:s18], [sflag:$0x4], $0x80, s7, s12, $0xb8;
	[tilespmem:$0x1BC80] =	vst v63  }
0x1ea: {  	_ =	swait.ge [sflag:s14], $0x4000  }
0x1eb: {  	[sflag:s14] =	ssyncset.done $0x0  }
0x1ec: {  	s19 =	sadd.s32 $0x1810, s6;
	[sflag:s14] =	ssyncadd.s32 $0xFFFFC000  }
0x1ed: {  	[tilespmem:s9], [sflag:$0xA] =	stream.linear.gather [hbm4b:s19+s5], $0x80, $0x38;
	[tilespmem:$0x1BC80] =	vst v63  }
0x1ee: {  	_ =	swait.ge [sflag:s0], $0x80  }
0x1ef: {  	[sflag:s0] =	ssyncset.done $0x0  }
0x1f0: {  	[sflag:s0] =	ssyncadd.s32 $0xFFFFFF80  }
0x1f1: {  	[spmem:s4] =	stream.indirect.scatter.add.f32 [tilespmem:s18], [sflag:$0x1], $0x80, s9, s12, $0xb8;
	[tilespmem:$0x1BC80] =	vst v63  }
0x1f2: {  	_ =	swait.ge [sflag:s23], $0x4000  }
0x1f3: {  	[sflag:s23] =	ssyncset.done $0x0  }
0x1f4: {  	s6 =	sadd.s32 $0x1C10, s6;
	[sflag:s23] =	ssyncadd.s32 $0xFFFFC000  }
0x1f5: {  	[tilespmem:s11], [sflag:$0xA] =	stream.linear.gather [hbm4b:s6+s5], $0x80, $0x38;
	[tilespmem:$0x1BC80] =	vst v63  }
0x1f6: {  	_ =	swait.ge [sflag:s0], $0x80  }
0x1f7: {  	[sflag:s0] =	ssyncset.done $0x0  }
0x1f8: {  	s31 =	simm.s32 $0x1000;
	[sflag:s0] =	ssyncadd.s32 $0xFFFFFF80  }
.LBB2_10:
0x1f9: {  	[spmem:s4] =	stream.indirect.scatter.add.f32 [tilespmem:s18], [sflag:$0x2], $0x80, s11, s12, $0xb8;
	[tilespmem:$0x1BC80] =	vst v63  }
0x1fa: {  	s6 =	smov.u32 s31  }
0x1fb: {  	p2 =	sne.s32 s31, $0x11000;
	s31 =	sadd.s32 $0x1000, s31;
	_ =	swait.ge [sflag:s26], $0x4000  }
0x1fc: {  	s6 =	sadd.s32 s6, s21;
	[sflag:s26] =	ssyncset.done $0x0  }
0x1fd: {  	s19 =	sadd.s32 $0x1010, s6;
	[sflag:s26] =	ssyncadd.s32 $0xFFFFC000  }
0x1fe: {  	[tilespmem:s15], [sflag:$0xA] =	stream.linear.gather [hbm4b:s19+s5], $0x80, $0x38;
	[tilespmem:$0x1BC80] =	vst v63  }
0x1ff: {  	_ =	swait.ge [sflag:s0], $0x80  }
0x200: {  	[sflag:s0] =	ssyncset.done $0x0  }
0x201: {  	[sflag:s0] =	ssyncadd.s32 $0xFFFFFF80  }
0x202: {  	[spmem:s4] =	stream.indirect.scatter.add.f32 [tilespmem:s18], [sflag:$0x3], $0x80, s15, s12, $0xb8;
	[tilespmem:$0x1BC80] =	vst v63  }
0x203: {  	_ =	swait.ge [sflag:s29], $0x4000  }
0x204: {  	[sflag:s29] =	ssyncset.done $0x0  }
0x205: {  	s19 =	sadd.s32 $0x1410, s6;
	[sflag:s29] =	ssyncadd.s32 $0xFFFFC000  }
0x206: {  	[tilespmem:s7], [sflag:$0xA] =	stream.linear.gather [hbm4b:s19+s5], $0x80, $0x38;
	[tilespmem:$0x1BC80] =	vst v63  }
0x207: {  	_ =	swait.ge [sflag:s0], $0x80  }
0x208: {  	[sflag:s0] =	ssyncset.done $0x0  }
0x209: {  	[sflag:s0] =	ssyncadd.s32 $0xFFFFFF80  }
0x20a: {  	[spmem:s4] =	stream.indirect.scatter.add.f32 [tilespmem:s18], [sflag:$0x4], $0x80, s7, s12, $0xb8;
	[tilespmem:$0x1BC80] =	vst v63  }
0x20b: {  	_ =	swait.ge [sflag:s14], $0x4000  }
0x20c: {  	[sflag:s14] =	ssyncset.done $0x0  }
0x20d: {  	s19 =	sadd.s32 $0x1810, s6;
	[sflag:s14] =	ssyncadd.s32 $0xFFFFC000  }
0x20e: {  	[tilespmem:s9], [sflag:$0xA] =	stream.linear.gather [hbm4b:s19+s5], $0x80, $0x38;
	[tilespmem:$0x1BC80] =	vst v63  }
0x20f: {  	_ =	swait.ge [sflag:s0], $0x80  }
0x210: {  	[sflag:s0] =	ssyncset.done $0x0  }
0x211: {  	[sflag:s0] =	ssyncadd.s32 $0xFFFFFF80  }
0x212: {  	[spmem:s4] =	stream.indirect.scatter.add.f32 [tilespmem:s18], [sflag:$0x1], $0x80, s9, s12, $0xb8;
	[tilespmem:$0x1BC80] =	vst v63  }
0x213: {  	_ =	swait.ge [sflag:s23], $0x4000  }
0x214: {  	[sflag:s23] =	ssyncset.done $0x0  }
.Ltmp4:
0x215: {  	s6 =	sadd.s32 $0x1C10, s6;
	[sflag:s23] =	ssyncadd.s32 $0xFFFFC000;
	(pc) =	sbr.rel @p2 .LBB2_10-.Ltmp4, $4  }
0x216: {  	[tilespmem:s11], [sflag:$0xA] =	stream.linear.gather [hbm4b:s6+s5], $0x80, $0x38;
	[tilespmem:$0x1BC80] =	vst v63  }
0x217: {  	_ =	swait.ge [sflag:s0], $0x80  }
0x218: {  	[sflag:s0] =	ssyncset.done $0x0  }
0x219: {  	[sflag:s0] =	ssyncadd.s32 $0xFFFFFF80  }
0x21a: {  	[spmem:s4] =	stream.indirect.scatter.add.f32 [tilespmem:s18], [sflag:$0x2], $0x80, s11, s12, $0xb8;
	[tilespmem:$0x1BC80] =	vst v63  }
0x21b: {  	_ =	swait.ge [sflag:s26], $0x4000  }
0x21c: {  	s6 =	sld [smem:$0x7FB]  }
0x21d: {  	[sflag:s26] =	ssyncset.done $0x0  }
0x21e: {  	[sflag:s26] =	ssyncadd.s32 $0xFFFFC000  }
0x21f: {  	[tilespmem:s15], [sflag:$0xA] =	stream.linear.gather [hbm4b:s6+s5], $0x80, $0x38;
	[tilespmem:$0x1BC80] =	vst v63  }
0x220: {  	_ =	swait.ge [sflag:s0], $0x80  }
0x221: {  	[sflag:s0] =	ssyncset.done $0x0  }
0x222: {  	[sflag:s0] =	ssyncadd.s32 $0xFFFFFF80  }
0x223: {  	[spmem:s4] =	stream.indirect.scatter.add.f32 [tilespmem:s18], [sflag:$0x3], $0x80, s15, s12, $0xb8;
	[tilespmem:$0x1BC80] =	vst v63  }
0x224: {  	_ =	swait.ge [sflag:s29], $0x4000  }
0x225: {  	s19 =	sld [smem:$0x7FC]  }
0x226: {  	[sflag:s29] =	ssyncset.done $0x0  }
0x227: {  	[sflag:s29] =	ssyncadd.s32 $0xFFFFC000  }
0x228: {  	[tilespmem:s7], [sflag:$0xA] =	stream.linear.gather [hbm4b:s19+s5], $0x80, $0x38;
	[tilespmem:$0x1BC80] =	vst v63  }
0x229: {  	_ =	swait.ge [sflag:s0], $0x80  }
0x22a: {  	[sflag:s0] =	ssyncset.done $0x0  }
0x22b: {  	[sflag:s0] =	ssyncadd.s32 $0xFFFFFF80  }
0x22c: {  	[spmem:s4] =	stream.indirect.scatter.add.f32 [tilespmem:s18], [sflag:$0x4], $0x80, s7, s12, $0xb8;
	[tilespmem:$0x1BC80] =	vst v63  }
0x22d: {  	_ =	swait.ge [sflag:s14], $0x4000  }
0x22e: {  	s31 =	sld [smem:$0x7FD]  }
0x22f: {  	[sflag:s14] =	ssyncset.done $0x0  }
0x230: {  	s6 =	simm.s32 @!p1 $0x0;
	s19 =	simm.s32 @!p1 $0x13B80;
	[sflag:s14] =	ssyncadd.s32 $0xFFFFC000  }
0x231: {  	[tilespmem:s19], [sflag:$0xA] =	stream.linear.gather @!p1 [hbm4b:s31+s6], $0x80, $0x38;
	[tilespmem:$0x1BC80] =	vst v63  }
0x232: {  	s6 =	simm.s32 @!p1 $0xA  }
0x233: {  	_ =	swait.ge @!p1 [sflag:s6], $0x80  }
0x234: {  	[sflag:s6] =	ssyncset.done @!p1 $0x0  }
0x235: {  	s31 =	simm.s32 @!p1 $0x13C80;
	[sflag:s6] =	ssyncadd.s32 @!p1 $0xFFFFFF80;
	s6 =	simm.s32 @!p1 $0x80  }
0x236: {  	[spmem:s4] =	stream.indirect.scatter.add.f32 @!p1 [tilespmem:s31], [sflag:$0x1], $0x80, s19, s6, $0xb8;
	[tilespmem:$0x1BC80] =	vst v63  }
0x237: {  	s6 =	simm.s32 @!p1 $0x1  }
0x238: {  	_ =	swait.ge @!p1 [sflag:s6], $0x4000  }
0x239: {  	[sflag:s6] =	ssyncset.done @!p1 $0x0  }
0x23a: {  	[sflag:s6] =	ssyncadd.s32 @!p1 $0xFFFFC000  }
0x23b: {  	_ =	swait.ge [sflag:s23], $0x4000  }
0x23c: {  	[sflag:s23] =	ssyncset.done $0x0  }
0x23d: {  	[sflag:s23] =	ssyncadd.s32 $0xFFFFC000  }
0x23e: {  	_ =	swait.ge [sflag:s26], $0x4000  }
0x23f: {  	[sflag:s26] =	ssyncset.done $0x0  }
0x240: {  	[sflag:s26] =	ssyncadd.s32 $0xFFFFC000  }
0x241: {  	_ =	swait.ge [sflag:s29], $0x4000  }
0x242: {  	[sflag:s29] =	ssyncset.done $0x0  }
0x243: {  	[sflag:s29] =	ssyncadd.s32 $0xFFFFC000  }
0x244: {  	[bflag:$0x0] =	sbarrier.arrive $0xFFFF  }
0x245: {  	s19 =	sld [smem:$0x7F5]  }
0x246: {  	s31 =	sld [smem:$0x7F6];
	_ =	sdelay $0x1  }
0x247: {  	s6 =	rddreg [dreg:$0x12]  }
0x248: {  	[hbm:s6], [sflag:s19] =	dma.local [spmem:s31], $0x2700  }
0x249: {  	s6 =	simm.s32 @!p0 $0x1FCA;
	s19 =	rddreg [dreg:$0x13]  }
0x24a: {  	[hbm:s19], [sflag:s6] =	dma.local @!p0 [spmem:s25], $0x100  }
0x24b: {  	s6 =	simm.s32 @!p0 $0xA  }
0x24c: {  	_ =	swait.ge @!p0 [sflag:s6], $0x100  }
0x24d: {  	[sflag:s6] =	ssyncset.done @!p0 $0x0  }
0x24e: {  	[sflag:s6] =	ssyncadd.s32 @!p0 $0xFFFFFF00  }
0x24f: {  	_ =	swait.ge [sflag:s17], $0x2700  }
0x250: {  	s25 =	sld [smem:$0x7F7];
	_ =	sdelay $0x2  }
0x251: {  	s31 =	rddreg [dreg:$0x16];
	s19 =	sadd.s32 $0x1, s25  }
0x252: {  	p2 =	sne.s32 s19, s31  }
.Ltmp5:
0x253: {  	_ = 	snop;
	(pc) =	sbr.rel @p2 .LBB2_1-.Ltmp5, $3  }
0x254: {  	_ =	sdelay $0x1  }
0x255: {  	[sflag:s17] =	ssyncset.done $0x0  }
0x256: {  	[sflag:s17] =	ssyncadd.s32 $0xFFFFD900  }
0x257: {  	_ =	sfence.sel $0x180000  }
0x258: {  	[bflag:$0x0] =	sbarrier.arrive $0xFFFF  }
0x259: {  	_ =	strace $0x90000047  }
0x25a: {  	s0 =	stileid.u32;
	[bflag:$0x2] =	sbarrier.arrive $0xFFFF  }
0x25b: {  	p0 =	sne.s32 s0, $0x0;
	s0 =	rddreg [dreg:$0x5]  }
0x25c: {  	s0 =	sadd.s32 @!p0 $0x100000, s0  }
0x25d: {  	[sflag:s0] =	ssyncadd.tile.s32 @!p0 $0x1;
	_ =	shalt  }
.Lfunc_end2:
_tile_overlayer_lowered:
.L_overlay_start_2:
0x25e: {  	(tag) =	ssettag $0x2  }
0x25f: {  	s0 =	rddreg [dreg:$0x0];
	s2 =	stileid.u32  }
0x260: {  	s1 =	rddreg [dreg:$0x1];
	p0 =	sne.s32 s2, $0x0  }
0x261: {  	s3 =	rddreg [dreg:$0x2];
	[bflag:$0x3] =	sbarrier.arrive $0xFFFF;
	s2 =	simm.s32 @!p0 $0x1C0A  }
0x262: {  	[timem:s3], [sflag:s2] =	dma.local @!p0 [hbm:s0], s1  }
0x263: {  	s0 =	simm.s32 @!p0 $0xA  }
0x264: {  	_ =	swait.ge @!p0 [sflag:s0], s1  }
0x265: {  	s1 =	ssub.s32 @!p0 $0x0, s1;
	[sflag:s0] =	ssyncset.done @!p0 $0x0  }
0x266: {  	[sflag:s0] =	ssyncadd.s32 @!p0 s1  }
0x267: {  	[bflag:$0x3] =	sbarrier.arrive $0xFFFF  }
0x268: {  	_ =	shalt  }

</sc_bundles>
